<compile_context>
chip_gen: v7x
topology: tpu7x:2x2x1
jax: 0.10.2.dev20260603
libtpu: 0.0.44.dev20260713+nightly
codegen_flags: <defaults>
</compile_context>

<pallas_src>
import functools

import jax
import jax.numpy as jnp
from jax import lax
from jax.experimental import pallas as pl
from jax.experimental.pallas import tpu as pltpu
from jax.experimental.pallas import tpu_sc as plsc

N = 50000
M = 16
IN_D = 128
OC = 8
KD = 8
D = OC * KD
ROUT_IT = 2

N_SLICES = 5
NODES_SL = N // N_SLICES
EDGES_SL = NODES_SL * M

BN = 1000
NC, NS = 2, 16
NW = NC * NS
PER_W = EDGES_SL // NW
CHUNK = 1000
N_CHUNKS = PER_W // CHUNK


def _selector():
    d_idx = lax.broadcasted_iota(jnp.int32, (D, OC), 0)
    c_idx = lax.broadcasted_iota(jnp.int32, (D, OC), 1)
    return jnp.where(d_idx // KD == c_idx, 1.0, 0.0).astype(jnp.float32)


def _selector2():
    d_idx = lax.broadcasted_iota(jnp.int32, (2 * D, 2 * OC), 0)
    c_idx = lax.broadcasted_iota(jnp.int32, (2 * D, 2 * OC), 1)
    return jnp.where(d_idx // KD == c_idx, 1.0, 0.0).astype(jnp.float32)


def _blocksum2():
    a_idx = lax.broadcasted_iota(jnp.int32, (2 * OC, 2 * OC), 0)
    b_idx = lax.broadcasted_iota(jnp.int32, (2 * OC, 2 * OC), 1)
    return jnp.where(a_idx // OC == b_idx // OC, 1.0, 0.0).astype(jnp.float32)


def _prep_body(x_ref, wt_ref, b_ref, o_ref):
    y = jnp.dot(x_ref[...], wt_ref[...], preferred_element_type=jnp.float32)
    y = jnp.maximum(y + b_ref[...], 0.0)
    sel = _selector()
    sq = jnp.dot(y * y, sel, preferred_element_type=jnp.float32)
    sqb = jnp.dot(sq, sel.T, preferred_element_type=jnp.float32)
    o_ref[...] = y * lax.rsqrt(jnp.maximum(sqb, 1e-24))


def _route_body(x_ref, n_ref, acc_ref, o_ref):
    del acc_ref
    MH = M // 2
    xb = x_ref[...]
    nb2 = n_ref[...]
    sel = _selector()
    sel2 = _selector2()
    j2 = _blocksum2()
    u = xb
    for it in range(ROUT_IT):
        u2 = jnp.concatenate([u, u], axis=1)
        ue2 = jnp.broadcast_to(u2[:, None, :], (BN, MH, 2 * D)).reshape(BN * MH, 2 * D)
        p2 = jnp.dot(nb2 * ue2, sel2, preferred_element_type=jnp.float32)
        e2 = jnp.exp(p2)
        s2 = jnp.dot(e2, j2, preferred_element_type=jnp.float32)
        pn2 = e2 / s2
        pe2 = jnp.dot(pn2, sel2.T, preferred_element_type=jnp.float32)
        un2 = jnp.sum((pe2 * nb2).reshape(BN, MH, 2 * D), axis=1)
        u = un2[:, :D] + un2[:, D:] + xb
        if it < ROUT_IT - 1:
            sq = jnp.dot(u * u, sel, preferred_element_type=jnp.float32)
            sqb = jnp.dot(sq, sel.T, preferred_element_type=jnp.float32)
            u = u * lax.rsqrt(jnp.maximum(sqb, 1e-24))
    o_ref[...] = u


def _tc_prep(x, wt, b2):
    return pl.pallas_call(
        _prep_body,
        grid=(N // BN,),
        in_specs=[
            pl.BlockSpec((BN, IN_D), lambda i: (i, 0)),
            pl.BlockSpec((IN_D, D), lambda i: (0, 0)),
            pl.BlockSpec((1, D), lambda i: (0, 0)),
        ],
        out_specs=pl.BlockSpec((BN, D), lambda i: (i, 0)),
        out_shape=jax.ShapeDtypeStruct((N, D), jnp.float32),
    )(x, wt, b2)


def _sc_gather_slice(table, neighbor_id, s):
    edge_base = s * EDGES_SL
    mesh = plsc.VectorSubcoreMesh(
        core_axis_name="c", subcore_axis_name="s",
        num_cores=NC, num_subcores=NS)

    @functools.partial(
        pl.kernel,
        out_type=jax.ShapeDtypeStruct((EDGES_SL, D), jnp.float32),
        mesh=mesh,
        scratch_types=[
            pltpu.VMEM((CHUNK,), jnp.int32),
            pltpu.VMEM((CHUNK, D), jnp.float32),
            pltpu.SemaphoreType.DMA,
        ],
        compiler_params=pltpu.CompilerParams(use_tc_tiling_on_sc=False),
    )
    def gather_k(table_hbm, idx_hbm, out_hbm, idx_v, rows_v, sem):
        wid = lax.axis_index("s") * NC + lax.axis_index("c")
        base_w = wid * PER_W

        def body(t, carry):
            base = base_w + t * CHUNK
            pltpu.sync_copy(idx_hbm.at[pl.ds(edge_base + base, CHUNK)], idx_v)
            pltpu.async_copy(table_hbm.at[idx_v], rows_v, sem).wait()
            pltpu.sync_copy(rows_v, out_hbm.at[pl.ds(base, CHUNK)])
            return carry

        lax.fori_loop(0, N_CHUNKS, body, 0)

    return gather_k(table, neighbor_id)


def _tc_route_slice(table, neighbors2, acc, s):
    blk_off = s * (NODES_SL // BN)
    return pl.pallas_call(
        _route_body,
        grid=(NODES_SL // BN,),
        in_specs=[
            pl.BlockSpec((BN, D), lambda i: (i + blk_off, 0)),
            pl.BlockSpec((BN * M // 2, 2 * D), lambda i: (i, 0)),
            pl.BlockSpec((BN, D), lambda i: (i + blk_off, 0)),
        ],
        out_specs=pl.BlockSpec((BN, D), lambda i: (i + blk_off, 0)),
        out_shape=jax.ShapeDtypeStruct((N, D), jnp.float32),
        input_output_aliases={2: 0},
    )(table, neighbors2, acc)


def kernel(x, neighbor_id, W, b):
    wt = W.T
    b2 = b.reshape(1, D)
    table = _tc_prep(x, wt, b2)
    acc = jnp.zeros((N, D), dtype=jnp.float32)
    for s in range(N_SLICES):
        flat = _sc_gather_slice(table, neighbor_id, s)
        nb2 = flat.reshape(EDGES_SL // 2, 2 * D)
        acc = _tc_route_slice(table, nb2, acc, s)
    return acc

# --- scband reference (transcript-rebuilt; emitter-appended) ---
"""Pipeline reference for scband-routing-2259152797848 (READ-ONLY COPY).

The authoritative reference and input builder live on the scoring server;
editing this copy changes nothing except your own understanding.
"""

import jax, jax.numpy as jnp
import numpy as np

N = 50000
M = 16
K_DIM = 8
OUT_CAPS = 8
IN_CAPS = 16
ROUT_IT = 2
TAU = 1.0
D = OUT_CAPS * K_DIM


def _normalize(v, axis=-1, eps=1e-12):
    nrm = jnp.linalg.norm(v, axis=axis, keepdims=True)
    return v / jnp.maximum(nrm, eps)


def setup_inputs(seed: int = 0) -> dict:
    key = jax.random.key(seed)
    k1, k2, k3, k4 = jax.random.split(key, 4)
    x = jax.random.normal(k1, (N, IN_CAPS * K_DIM), dtype=jnp.float32)
    neighbor_id = jax.random.randint(k2, (N * M,), 0, N, dtype=jnp.int32)
    stdv = 1.0 / np.sqrt(float(IN_CAPS * K_DIM))
    W = jax.random.uniform(k3, (OUT_CAPS * K_DIM, IN_CAPS * K_DIM), dtype=jnp.float32, minval=-stdv, maxval=stdv)
    b = jax.random.uniform(k4, (OUT_CAPS * K_DIM,), dtype=jnp.float32, minval=-stdv, maxval=stdv)
    return {"x": x, "neighbor_id": neighbor_id, "W": W, "b": b}


def reference(x, neighbor_id, W, b):
    # fc + relu
    x = jax.nn.relu(x @ W.T + b)
    n = x.shape[0]
    m = neighbor_id.shape[0] // n
    # per-capsule L2 normalize
    x = _normalize(x.reshape(n, OUT_CAPS, K_DIM)).reshape(n, D)
    # pad with a zero row for missing neighbors
    z = jnp.concatenate([x, jnp.zeros((1, D), dtype=x.dtype)], axis=0)
    neighbors = jnp.take(z, neighbor_id, axis=0).reshape(n, m, OUT_CAPS, K_DIM)
    u = x.reshape(n, OUT_CAPS, K_DIM)
    for clus_num in range(ROUT_IT):
        p = jnp.sum(u[:, None, :, :] * neighbors, axis=-1)  # [n, m, OUT_CAPS]
        p = jax.nn.softmax(p / TAU, axis=-1)  # softmax over capsule channels
        u = jnp.sum(p[..., None] * neighbors, axis=1)  # [n, OUT_CAPS, K_DIM]
        u = u + x.reshape(n, OUT_CAPS, K_DIM)
        if clus_num < ROUT_IT - 1:
            u = _normalize(u)
    return u.reshape(n, D)

if __name__ == "__main__":
    import jax
    _d = setup_inputs()
    print(jax.jit(kernel)(*tuple(_d.values())))

</pallas_src>

<mosaic_0001>
#map = affine_map<(d0, d1) -> (0, 0)>
#map1 = affine_map<(d0, d1) -> (0)>
module attributes {stable_mosaic.version = 14 : i64} {
  func.func @gather_k(%arg0: i32, %arg1: i32, %arg2: memref<50000x64xf32, #tpu.memory_space<hbm>>, %arg3: memref<800000xi32, #tpu.memory_space<hbm>>, %arg4: memref<160000x64xf32, #tpu.memory_space<hbm>>, %arg5: memref<1000xi32, #tpu.memory_space<vmem>>, %arg6: memref<1000x64xf32, #tpu.memory_space<vmem>>, %arg7: memref<!tpu.dma_semaphore, #tpu.memory_space<semaphore_mem>>) attributes {dimension_semantics = [#tpu.dimension_semantics<core_parallel>, #tpu.dimension_semantics<subcore_parallel>], iteration_bounds = array<i64: 2, 16>, scalar_prefetch = 0 : i64, scratch_operands = 3 : i64, tpu.core_type = #tpu.core_type<sc_vector_subcore>, window_params = [{transform_indices = #map}, {transform_indices = #map1}, {transform_indices = #map}]} {
    %mul3A = arith.constant 2 : i32
    %mul3A_0 = arith.muli %arg1, %mul3A : i32
    %add3A = arith.addi %mul3A_0, %arg0 : i32
    %mul3A_1 = arith.constant 5000 : i32
    %mul3A_2 = arith.muli %add3A, %mul3A_1 : i32
    %scan3A = arith.constant 0 : i32
    %scan3A_3 = arith.constant 0 : i32
    %scan3A_4 = arith.constant 5 : i32
    %scan3A_5 = arith.addi %scan3A_3, %scan3A_4 : i32
    %scan3A_6 = arith.constant 1 : i32
    scf.for %scan3A_8 = %scan3A_3 to %scan3A_5 step %scan3A_6  : i32 {
      %mul3A_9 = arith.constant 1000 : i32
      %mul3A_10 = arith.muli %scan3A_8, %mul3A_9 : i32
      %add3A_11 = arith.addi %mul3A_2, %mul3A_10 : i32
      %add3A_12 = arith.constant 480000 : i32
      %add3A_13 = arith.addi %add3A_12, %add3A_11 : i32
      "tpu.region"() ({
        %run_scoped3A = tpu.sem_alloc : memref<!tpu.dma_semaphore, #tpu.memory_space<semaphore_mem>>
        %dma_start3A_18 = tpu.memref_slice %arg3[%add3A_13] : memref<800000xi32, #tpu.memory_space<hbm>> -> memref<1000xi32, #tpu.memory_space<hbm>>
        %dma_start3A_19 = tpu.memref_slice %arg3[%add3A_13] : memref<800000xi32, #tpu.memory_space<hbm>> -> memref<1000xi32, #tpu.memory_space<hbm>>
        tpu.enqueue_dma source(%dma_start3A_19 : memref<1000xi32, #tpu.memory_space<hbm>>) target(%arg5 : memref<1000xi32, #tpu.memory_space<vmem>>) target_semaphore(%run_scoped3A : memref<!tpu.dma_semaphore, #tpu.memory_space<semaphore_mem>>)
        %dma_wait3A_20 = tpu.memref_slice %arg3[%add3A_13] : memref<800000xi32, #tpu.memory_space<hbm>> -> memref<1000xi32, #tpu.memory_space<hbm>>
        %dma_wait3A_21 = tpu.memref_slice %arg3[%add3A_13] : memref<800000xi32, #tpu.memory_space<hbm>> -> memref<1000xi32, #tpu.memory_space<hbm>>
        tpu.wait_dma2 semaphore(%run_scoped3A : memref<!tpu.dma_semaphore, #tpu.memory_space<semaphore_mem>>) src(%dma_wait3A_21 : memref<1000xi32, #tpu.memory_space<hbm>>) dst(%arg5 : memref<1000xi32, #tpu.memory_space<vmem>>)
        tpu.yield
      }) : () -> ()
      %dma_start3A = arith.constant 0 : i32
      %dma_start3A_14 = arith.constant 0 : i32
      %dma_start3A_15 = tpu.memref_slice %arg2[%dma_start3A, %dma_start3A_14] : memref<50000x64xf32, #tpu.memory_space<hbm>> -> memref<50000x64xf32, #tpu.memory_space<hbm>>
      tpu.enqueue_indirect_dma source(%dma_start3A_15 : memref<50000x64xf32, #tpu.memory_space<hbm>>) target(%arg6 : memref<1000x64xf32, #tpu.memory_space<vmem>>) offsets(%arg5 : memref<1000xi32, #tpu.memory_space<vmem>>) semaphore(%arg7 : memref<!tpu.dma_semaphore, #tpu.memory_space<semaphore_mem>>)
      %dma_wait3A = arith.constant 0 : i32
      %dma_wait3A_16 = arith.constant 0 : i32
      %dma_wait3A_17 = tpu.memref_slice %arg2[%dma_wait3A, %dma_wait3A_16] : memref<50000x64xf32, #tpu.memory_space<hbm>> -> memref<50000x64xf32, #tpu.memory_space<hbm>>
      tpu.wait_indirect_dma semaphore(%arg7 : memref<!tpu.dma_semaphore, #tpu.memory_space<semaphore_mem>>) src(%dma_wait3A_17 : memref<50000x64xf32, #tpu.memory_space<hbm>>) dst(%arg6 : memref<1000x64xf32, #tpu.memory_space<vmem>>)
      "tpu.region"() ({
        %run_scoped3A = tpu.sem_alloc : memref<!tpu.dma_semaphore, #tpu.memory_space<semaphore_mem>>
        %dma_start3A_18 = arith.constant 0 : i32
        %dma_start3A_19 = tpu.memref_slice %arg4[%add3A_11, %dma_start3A_18] : memref<160000x64xf32, #tpu.memory_space<hbm>> -> memref<1000x64xf32, #tpu.memory_space<hbm>>
        %dma_start3A_20 = arith.constant 0 : i32
        %dma_start3A_21 = tpu.memref_slice %arg4[%add3A_11, %dma_start3A_20] : memref<160000x64xf32, #tpu.memory_space<hbm>> -> memref<1000x64xf32, #tpu.memory_space<hbm>>
        tpu.enqueue_dma source(%arg6 : memref<1000x64xf32, #tpu.memory_space<vmem>>) target(%dma_start3A_21 : memref<1000x64xf32, #tpu.memory_space<hbm>>) target_semaphore(%run_scoped3A : memref<!tpu.dma_semaphore, #tpu.memory_space<semaphore_mem>>)
        %dma_wait3A_22 = arith.constant 0 : i32
        %dma_wait3A_23 = tpu.memref_slice %arg4[%add3A_11, %dma_wait3A_22] : memref<160000x64xf32, #tpu.memory_space<hbm>> -> memref<1000x64xf32, #tpu.memory_space<hbm>>
        %dma_wait3A_24 = arith.constant 0 : i32
        %dma_wait3A_25 = tpu.memref_slice %arg4[%add3A_11, %dma_wait3A_24] : memref<160000x64xf32, #tpu.memory_space<hbm>> -> memref<1000x64xf32, #tpu.memory_space<hbm>>
        tpu.wait_dma2 semaphore(%run_scoped3A : memref<!tpu.dma_semaphore, #tpu.memory_space<semaphore_mem>>) src(%arg6 : memref<1000x64xf32, #tpu.memory_space<vmem>>) dst(%dma_wait3A_25 : memref<1000x64xf32, #tpu.memory_space<hbm>>)
        tpu.yield
      }) : () -> ()
    }
    %scan3A_7 = arith.constant 5 : i32
    return
  }
}

#map = affine_map<(d0, d1) -> (0, 0)>
#map1 = affine_map<(d0, d1) -> (0)>
module attributes {stable_mosaic.version = 14 : i64} {
  func.func @gather_k(%arg0: i32, %arg1: i32, %arg2: memref<50000x64xf32, #tpu.memory_space<hbm>>, %arg3: memref<800000xi32, #tpu.memory_space<hbm>>, %arg4: memref<160000x64xf32, #tpu.memory_space<hbm>>, %arg5: memref<1000xi32, #tpu.memory_space<vmem>>, %arg6: memref<1000x64xf32, #tpu.memory_space<vmem>>, %arg7: memref<!tpu.dma_semaphore, #tpu.memory_space<semaphore_mem>>) attributes {dimension_semantics = [#tpu.dimension_semantics<core_parallel>, #tpu.dimension_semantics<subcore_parallel>], iteration_bounds = array<i64: 2, 16>, scalar_prefetch = 0 : i64, scratch_operands = 3 : i64, tpu.core_type = #tpu.core_type<sc_vector_subcore>, window_params = [{transform_indices = #map}, {transform_indices = #map1}, {transform_indices = #map}]} {
    %mul3A = arith.constant 2 : i32
    %mul3A_0 = arith.muli %arg1, %mul3A : i32
    %add3A = arith.addi %mul3A_0, %arg0 : i32
    %mul3A_1 = arith.constant 5000 : i32
    %mul3A_2 = arith.muli %add3A, %mul3A_1 : i32
    %scan3A = arith.constant 0 : i32
    %scan3A_3 = arith.constant 0 : i32
    %scan3A_4 = arith.constant 5 : i32
    %scan3A_5 = arith.addi %scan3A_3, %scan3A_4 : i32
    %scan3A_6 = arith.constant 1 : i32
    scf.for %scan3A_8 = %scan3A_3 to %scan3A_5 step %scan3A_6  : i32 {
      %mul3A_9 = arith.constant 1000 : i32
      %mul3A_10 = arith.muli %scan3A_8, %mul3A_9 : i32
      %add3A_11 = arith.addi %mul3A_2, %mul3A_10 : i32
      %add3A_12 = arith.constant 320000 : i32
      %add3A_13 = arith.addi %add3A_12, %add3A_11 : i32
      "tpu.region"() ({
        %run_scoped3A = tpu.sem_alloc : memref<!tpu.dma_semaphore, #tpu.memory_space<semaphore_mem>>
        %dma_start3A_18 = tpu.memref_slice %arg3[%add3A_13] : memref<800000xi32, #tpu.memory_space<hbm>> -> memref<1000xi32, #tpu.memory_space<hbm>>
        %dma_start3A_19 = tpu.memref_slice %arg3[%add3A_13] : memref<800000xi32, #tpu.memory_space<hbm>> -> memref<1000xi32, #tpu.memory_space<hbm>>
        tpu.enqueue_dma source(%dma_start3A_19 : memref<1000xi32, #tpu.memory_space<hbm>>) target(%arg5 : memref<1000xi32, #tpu.memory_space<vmem>>) target_semaphore(%run_scoped3A : memref<!tpu.dma_semaphore, #tpu.memory_space<semaphore_mem>>)
        %dma_wait3A_20 = tpu.memref_slice %arg3[%add3A_13] : memref<800000xi32, #tpu.memory_space<hbm>> -> memref<1000xi32, #tpu.memory_space<hbm>>
        %dma_wait3A_21 = tpu.memref_slice %arg3[%add3A_13] : memref<800000xi32, #tpu.memory_space<hbm>> -> memref<1000xi32, #tpu.memory_space<hbm>>
        tpu.wait_dma2 semaphore(%run_scoped3A : memref<!tpu.dma_semaphore, #tpu.memory_space<semaphore_mem>>) src(%dma_wait3A_21 : memref<1000xi32, #tpu.memory_space<hbm>>) dst(%arg5 : memref<1000xi32, #tpu.memory_space<vmem>>)
        tpu.yield
      }) : () -> ()
      %dma_start3A = arith.constant 0 : i32
      %dma_start3A_14 = arith.constant 0 : i32
      %dma_start3A_15 = tpu.memref_slice %arg2[%dma_start3A, %dma_start3A_14] : memref<50000x64xf32, #tpu.memory_space<hbm>> -> memref<50000x64xf32, #tpu.memory_space<hbm>>
      tpu.enqueue_indirect_dma source(%dma_start3A_15 : memref<50000x64xf32, #tpu.memory_space<hbm>>) target(%arg6 : memref<1000x64xf32, #tpu.memory_space<vmem>>) offsets(%arg5 : memref<1000xi32, #tpu.memory_space<vmem>>) semaphore(%arg7 : memref<!tpu.dma_semaphore, #tpu.memory_space<semaphore_mem>>)
      %dma_wait3A = arith.constant 0 : i32
      %dma_wait3A_16 = arith.constant 0 : i32
      %dma_wait3A_17 = tpu.memref_slice %arg2[%dma_wait3A, %dma_wait3A_16] : memref<50000x64xf32, #tpu.memory_space<hbm>> -> memref<50000x64xf32, #tpu.memory_space<hbm>>
      tpu.wait_indirect_dma semaphore(%arg7 : memref<!tpu.dma_semaphore, #tpu.memory_space<semaphore_mem>>) src(%dma_wait3A_17 : memref<50000x64xf32, #tpu.memory_space<hbm>>) dst(%arg6 : memref<1000x64xf32, #tpu.memory_space<vmem>>)
      "tpu.region"() ({
        %run_scoped3A = tpu.sem_alloc : memref<!tpu.dma_semaphore, #tpu.memory_space<semaphore_mem>>
        %dma_start3A_18 = arith.constant 0 : i32
        %dma_start3A_19 = tpu.memref_slice %arg4[%add3A_11, %dma_start3A_18] : memref<160000x64xf32, #tpu.memory_space<hbm>> -> memref<1000x64xf32, #tpu.memory_space<hbm>>
        %dma_start3A_20 = arith.constant 0 : i32
        %dma_start3A_21 = tpu.memref_slice %arg4[%add3A_11, %dma_start3A_20] : memref<160000x64xf32, #tpu.memory_space<hbm>> -> memref<1000x64xf32, #tpu.memory_space<hbm>>
        tpu.enqueue_dma source(%arg6 : memref<1000x64xf32, #tpu.memory_space<vmem>>) target(%dma_start3A_21 : memref<1000x64xf32, #tpu.memory_space<hbm>>) target_semaphore(%run_scoped3A : memref<!tpu.dma_semaphore, #tpu.memory_space<semaphore_mem>>)
        %dma_wait3A_22 = arith.constant 0 : i32
        %dma_wait3A_23 = tpu.memref_slice %arg4[%add3A_11, %dma_wait3A_22] : memref<160000x64xf32, #tpu.memory_space<hbm>> -> memref<1000x64xf32, #tpu.memory_space<hbm>>
        %dma_wait3A_24 = arith.constant 0 : i32
        %dma_wait3A_25 = tpu.memref_slice %arg4[%add3A_11, %dma_wait3A_24] : memref<160000x64xf32, #tpu.memory_space<hbm>> -> memref<1000x64xf32, #tpu.memory_space<hbm>>
        tpu.wait_dma2 semaphore(%run_scoped3A : memref<!tpu.dma_semaphore, #tpu.memory_space<semaphore_mem>>) src(%arg6 : memref<1000x64xf32, #tpu.memory_space<vmem>>) dst(%dma_wait3A_25 : memref<1000x64xf32, #tpu.memory_space<hbm>>)
        tpu.yield
      }) : () -> ()
    }
    %scan3A_7 = arith.constant 5 : i32
    return
  }
}

#map = affine_map<(d0, d1) -> (0, 0)>
#map1 = affine_map<(d0, d1) -> (0)>
module attributes {stable_mosaic.version = 14 : i64} {
  func.func @gather_k(%arg0: i32, %arg1: i32, %arg2: memref<50000x64xf32, #tpu.memory_space<hbm>>, %arg3: memref<800000xi32, #tpu.memory_space<hbm>>, %arg4: memref<160000x64xf32, #tpu.memory_space<hbm>>, %arg5: memref<1000xi32, #tpu.memory_space<vmem>>, %arg6: memref<1000x64xf32, #tpu.memory_space<vmem>>, %arg7: memref<!tpu.dma_semaphore, #tpu.memory_space<semaphore_mem>>) attributes {dimension_semantics = [#tpu.dimension_semantics<core_parallel>, #tpu.dimension_semantics<subcore_parallel>], iteration_bounds = array<i64: 2, 16>, scalar_prefetch = 0 : i64, scratch_operands = 3 : i64, tpu.core_type = #tpu.core_type<sc_vector_subcore>, window_params = [{transform_indices = #map}, {transform_indices = #map1}, {transform_indices = #map}]} {
    %mul3A = arith.constant 2 : i32
    %mul3A_0 = arith.muli %arg1, %mul3A : i32
    %add3A = arith.addi %mul3A_0, %arg0 : i32
    %mul3A_1 = arith.constant 5000 : i32
    %mul3A_2 = arith.muli %add3A, %mul3A_1 : i32
    %scan3A = arith.constant 0 : i32
    %scan3A_3 = arith.constant 0 : i32
    %scan3A_4 = arith.constant 5 : i32
    %scan3A_5 = arith.addi %scan3A_3, %scan3A_4 : i32
    %scan3A_6 = arith.constant 1 : i32
    scf.for %scan3A_8 = %scan3A_3 to %scan3A_5 step %scan3A_6  : i32 {
      %mul3A_9 = arith.constant 1000 : i32
      %mul3A_10 = arith.muli %scan3A_8, %mul3A_9 : i32
      %add3A_11 = arith.addi %mul3A_2, %mul3A_10 : i32
      %add3A_12 = arith.constant 160000 : i32
      %add3A_13 = arith.addi %add3A_12, %add3A_11 : i32
      "tpu.region"() ({
        %run_scoped3A = tpu.sem_alloc : memref<!tpu.dma_semaphore, #tpu.memory_space<semaphore_mem>>
        %dma_start3A_18 = tpu.memref_slice %arg3[%add3A_13] : memref<800000xi32, #tpu.memory_space<hbm>> -> memref<1000xi32, #tpu.memory_space<hbm>>
        %dma_start3A_19 = tpu.memref_slice %arg3[%add3A_13] : memref<800000xi32, #tpu.memory_space<hbm>> -> memref<1000xi32, #tpu.memory_space<hbm>>
        tpu.enqueue_dma source(%dma_start3A_19 : memref<1000xi32, #tpu.memory_space<hbm>>) target(%arg5 : memref<1000xi32, #tpu.memory_space<vmem>>) target_semaphore(%run_scoped3A : memref<!tpu.dma_semaphore, #tpu.memory_space<semaphore_mem>>)
        %dma_wait3A_20 = tpu.memref_slice %arg3[%add3A_13] : memref<800000xi32, #tpu.memory_space<hbm>> -> memref<1000xi32, #tpu.memory_space<hbm>>
        %dma_wait3A_21 = tpu.memref_slice %arg3[%add3A_13] : memref<800000xi32, #tpu.memory_space<hbm>> -> memref<1000xi32, #tpu.memory_space<hbm>>
        tpu.wait_dma2 semaphore(%run_scoped3A : memref<!tpu.dma_semaphore, #tpu.memory_space<semaphore_mem>>) src(%dma_wait3A_21 : memref<1000xi32, #tpu.memory_space<hbm>>) dst(%arg5 : memref<1000xi32, #tpu.memory_space<vmem>>)
        tpu.yield
      }) : () -> ()
      %dma_start3A = arith.constant 0 : i32
      %dma_start3A_14 = arith.constant 0 : i32
      %dma_start3A_15 = tpu.memref_slice %arg2[%dma_start3A, %dma_start3A_14] : memref<50000x64xf32, #tpu.memory_space<hbm>> -> memref<50000x64xf32, #tpu.memory_space<hbm>>
      tpu.enqueue_indirect_dma source(%dma_start3A_15 : memref<50000x64xf32, #tpu.memory_space<hbm>>) target(%arg6 : memref<1000x64xf32, #tpu.memory_space<vmem>>) offsets(%arg5 : memref<1000xi32, #tpu.memory_space<vmem>>) semaphore(%arg7 : memref<!tpu.dma_semaphore, #tpu.memory_space<semaphore_mem>>)
      %dma_wait3A = arith.constant 0 : i32
      %dma_wait3A_16 = arith.constant 0 : i32
      %dma_wait3A_17 = tpu.memref_slice %arg2[%dma_wait3A, %dma_wait3A_16] : memref<50000x64xf32, #tpu.memory_space<hbm>> -> memref<50000x64xf32, #tpu.memory_space<hbm>>
      tpu.wait_indirect_dma semaphore(%arg7 : memref<!tpu.dma_semaphore, #tpu.memory_space<semaphore_mem>>) src(%dma_wait3A_17 : memref<50000x64xf32, #tpu.memory_space<hbm>>) dst(%arg6 : memref<1000x64xf32, #tpu.memory_space<vmem>>)
      "tpu.region"() ({
        %run_scoped3A = tpu.sem_alloc : memref<!tpu.dma_semaphore, #tpu.memory_space<semaphore_mem>>
        %dma_start3A_18 = arith.constant 0 : i32
        %dma_start3A_19 = tpu.memref_slice %arg4[%add3A_11, %dma_start3A_18] : memref<160000x64xf32, #tpu.memory_space<hbm>> -> memref<1000x64xf32, #tpu.memory_space<hbm>>
        %dma_start3A_20 = arith.constant 0 : i32
        %dma_start3A_21 = tpu.memref_slice %arg4[%add3A_11, %dma_start3A_20] : memref<160000x64xf32, #tpu.memory_space<hbm>> -> memref<1000x64xf32, #tpu.memory_space<hbm>>
        tpu.enqueue_dma source(%arg6 : memref<1000x64xf32, #tpu.memory_space<vmem>>) target(%dma_start3A_21 : memref<1000x64xf32, #tpu.memory_space<hbm>>) target_semaphore(%run_scoped3A : memref<!tpu.dma_semaphore, #tpu.memory_space<semaphore_mem>>)
        %dma_wait3A_22 = arith.constant 0 : i32
        %dma_wait3A_23 = tpu.memref_slice %arg4[%add3A_11, %dma_wait3A_22] : memref<160000x64xf32, #tpu.memory_space<hbm>> -> memref<1000x64xf32, #tpu.memory_space<hbm>>
        %dma_wait3A_24 = arith.constant 0 : i32
        %dma_wait3A_25 = tpu.memref_slice %arg4[%add3A_11, %dma_wait3A_24] : memref<160000x64xf32, #tpu.memory_space<hbm>> -> memref<1000x64xf32, #tpu.memory_space<hbm>>
        tpu.wait_dma2 semaphore(%run_scoped3A : memref<!tpu.dma_semaphore, #tpu.memory_space<semaphore_mem>>) src(%arg6 : memref<1000x64xf32, #tpu.memory_space<vmem>>) dst(%dma_wait3A_25 : memref<1000x64xf32, #tpu.memory_space<hbm>>)
        tpu.yield
      }) : () -> ()
    }
    %scan3A_7 = arith.constant 5 : i32
    return
  }
}

#map = affine_map<(d0, d1) -> (0, 0)>
#map1 = affine_map<(d0, d1) -> (0)>
module attributes {stable_mosaic.version = 14 : i64} {
  func.func @gather_k(%arg0: i32, %arg1: i32, %arg2: memref<50000x64xf32, #tpu.memory_space<hbm>>, %arg3: memref<800000xi32, #tpu.memory_space<hbm>>, %arg4: memref<160000x64xf32, #tpu.memory_space<hbm>>, %arg5: memref<1000xi32, #tpu.memory_space<vmem>>, %arg6: memref<1000x64xf32, #tpu.memory_space<vmem>>, %arg7: memref<!tpu.dma_semaphore, #tpu.memory_space<semaphore_mem>>) attributes {dimension_semantics = [#tpu.dimension_semantics<core_parallel>, #tpu.dimension_semantics<subcore_parallel>], iteration_bounds = array<i64: 2, 16>, scalar_prefetch = 0 : i64, scratch_operands = 3 : i64, tpu.core_type = #tpu.core_type<sc_vector_subcore>, window_params = [{transform_indices = #map}, {transform_indices = #map1}, {transform_indices = #map}]} {
    %mul3A = arith.constant 2 : i32
    %mul3A_0 = arith.muli %arg1, %mul3A : i32
    %add3A = arith.addi %mul3A_0, %arg0 : i32
    %mul3A_1 = arith.constant 5000 : i32
    %mul3A_2 = arith.muli %add3A, %mul3A_1 : i32
    %scan3A = arith.constant 0 : i32
    %scan3A_3 = arith.constant 0 : i32
    %scan3A_4 = arith.constant 5 : i32
    %scan3A_5 = arith.addi %scan3A_3, %scan3A_4 : i32
    %scan3A_6 = arith.constant 1 : i32
    scf.for %scan3A_8 = %scan3A_3 to %scan3A_5 step %scan3A_6  : i32 {
      %mul3A_9 = arith.constant 1000 : i32
      %mul3A_10 = arith.muli %scan3A_8, %mul3A_9 : i32
      %add3A_11 = arith.addi %mul3A_2, %mul3A_10 : i32
      %add3A_12 = arith.constant 0 : i32
      %add3A_13 = arith.addi %add3A_12, %add3A_11 : i32
      "tpu.region"() ({
        %run_scoped3A = tpu.sem_alloc : memref<!tpu.dma_semaphore, #tpu.memory_space<semaphore_mem>>
        %dma_start3A_18 = tpu.memref_slice %arg3[%add3A_13] : memref<800000xi32, #tpu.memory_space<hbm>> -> memref<1000xi32, #tpu.memory_space<hbm>>
        %dma_start3A_19 = tpu.memref_slice %arg3[%add3A_13] : memref<800000xi32, #tpu.memory_space<hbm>> -> memref<1000xi32, #tpu.memory_space<hbm>>
        tpu.enqueue_dma source(%dma_start3A_19 : memref<1000xi32, #tpu.memory_space<hbm>>) target(%arg5 : memref<1000xi32, #tpu.memory_space<vmem>>) target_semaphore(%run_scoped3A : memref<!tpu.dma_semaphore, #tpu.memory_space<semaphore_mem>>)
        %dma_wait3A_20 = tpu.memref_slice %arg3[%add3A_13] : memref<800000xi32, #tpu.memory_space<hbm>> -> memref<1000xi32, #tpu.memory_space<hbm>>
        %dma_wait3A_21 = tpu.memref_slice %arg3[%add3A_13] : memref<800000xi32, #tpu.memory_space<hbm>> -> memref<1000xi32, #tpu.memory_space<hbm>>
        tpu.wait_dma2 semaphore(%run_scoped3A : memref<!tpu.dma_semaphore, #tpu.memory_space<semaphore_mem>>) src(%dma_wait3A_21 : memref<1000xi32, #tpu.memory_space<hbm>>) dst(%arg5 : memref<1000xi32, #tpu.memory_space<vmem>>)
        tpu.yield
      }) : () -> ()
      %dma_start3A = arith.constant 0 : i32
      %dma_start3A_14 = arith.constant 0 : i32
      %dma_start3A_15 = tpu.memref_slice %arg2[%dma_start3A, %dma_start3A_14] : memref<50000x64xf32, #tpu.memory_space<hbm>> -> memref<50000x64xf32, #tpu.memory_space<hbm>>
      tpu.enqueue_indirect_dma source(%dma_start3A_15 : memref<50000x64xf32, #tpu.memory_space<hbm>>) target(%arg6 : memref<1000x64xf32, #tpu.memory_space<vmem>>) offsets(%arg5 : memref<1000xi32, #tpu.memory_space<vmem>>) semaphore(%arg7 : memref<!tpu.dma_semaphore, #tpu.memory_space<semaphore_mem>>)
      %dma_wait3A = arith.constant 0 : i32
      %dma_wait3A_16 = arith.constant 0 : i32
      %dma_wait3A_17 = tpu.memref_slice %arg2[%dma_wait3A, %dma_wait3A_16] : memref<50000x64xf32, #tpu.memory_space<hbm>> -> memref<50000x64xf32, #tpu.memory_space<hbm>>
      tpu.wait_indirect_dma semaphore(%arg7 : memref<!tpu.dma_semaphore, #tpu.memory_space<semaphore_mem>>) src(%dma_wait3A_17 : memref<50000x64xf32, #tpu.memory_space<hbm>>) dst(%arg6 : memref<1000x64xf32, #tpu.memory_space<vmem>>)
      "tpu.region"() ({
        %run_scoped3A = tpu.sem_alloc : memref<!tpu.dma_semaphore, #tpu.memory_space<semaphore_mem>>
        %dma_start3A_18 = arith.constant 0 : i32
        %dma_start3A_19 = tpu.memref_slice %arg4[%add3A_11, %dma_start3A_18] : memref<160000x64xf32, #tpu.memory_space<hbm>> -> memref<1000x64xf32, #tpu.memory_space<hbm>>
        %dma_start3A_20 = arith.constant 0 : i32
        %dma_start3A_21 = tpu.memref_slice %arg4[%add3A_11, %dma_start3A_20] : memref<160000x64xf32, #tpu.memory_space<hbm>> -> memref<1000x64xf32, #tpu.memory_space<hbm>>
        tpu.enqueue_dma source(%arg6 : memref<1000x64xf32, #tpu.memory_space<vmem>>) target(%dma_start3A_21 : memref<1000x64xf32, #tpu.memory_space<hbm>>) target_semaphore(%run_scoped3A : memref<!tpu.dma_semaphore, #tpu.memory_space<semaphore_mem>>)
        %dma_wait3A_22 = arith.constant 0 : i32
        %dma_wait3A_23 = tpu.memref_slice %arg4[%add3A_11, %dma_wait3A_22] : memref<160000x64xf32, #tpu.memory_space<hbm>> -> memref<1000x64xf32, #tpu.memory_space<hbm>>
        %dma_wait3A_24 = arith.constant 0 : i32
        %dma_wait3A_25 = tpu.memref_slice %arg4[%add3A_11, %dma_wait3A_24] : memref<160000x64xf32, #tpu.memory_space<hbm>> -> memref<1000x64xf32, #tpu.memory_space<hbm>>
        tpu.wait_dma2 semaphore(%run_scoped3A : memref<!tpu.dma_semaphore, #tpu.memory_space<semaphore_mem>>) src(%arg6 : memref<1000x64xf32, #tpu.memory_space<vmem>>) dst(%dma_wait3A_25 : memref<1000x64xf32, #tpu.memory_space<hbm>>)
        tpu.yield
      }) : () -> ()
    }
    %scan3A_7 = arith.constant 5 : i32
    return
  }
}

#map = affine_map<(d0, d1) -> (0, 0)>
#map1 = affine_map<(d0, d1) -> (0)>
module attributes {stable_mosaic.version = 14 : i64} {
  func.func @gather_k(%arg0: i32, %arg1: i32, %arg2: memref<50000x64xf32, #tpu.memory_space<hbm>>, %arg3: memref<800000xi32, #tpu.memory_space<hbm>>, %arg4: memref<160000x64xf32, #tpu.memory_space<hbm>>, %arg5: memref<1000xi32, #tpu.memory_space<vmem>>, %arg6: memref<1000x64xf32, #tpu.memory_space<vmem>>, %arg7: memref<!tpu.dma_semaphore, #tpu.memory_space<semaphore_mem>>) attributes {dimension_semantics = [#tpu.dimension_semantics<core_parallel>, #tpu.dimension_semantics<subcore_parallel>], iteration_bounds = array<i64: 2, 16>, scalar_prefetch = 0 : i64, scratch_operands = 3 : i64, tpu.core_type = #tpu.core_type<sc_vector_subcore>, window_params = [{transform_indices = #map}, {transform_indices = #map1}, {transform_indices = #map}]} {
    %mul3A = arith.constant 2 : i32
    %mul3A_0 = arith.muli %arg1, %mul3A : i32
    %add3A = arith.addi %mul3A_0, %arg0 : i32
    %mul3A_1 = arith.constant 5000 : i32
    %mul3A_2 = arith.muli %add3A, %mul3A_1 : i32
    %scan3A = arith.constant 0 : i32
    %scan3A_3 = arith.constant 0 : i32
    %scan3A_4 = arith.constant 5 : i32
    %scan3A_5 = arith.addi %scan3A_3, %scan3A_4 : i32
    %scan3A_6 = arith.constant 1 : i32
    scf.for %scan3A_8 = %scan3A_3 to %scan3A_5 step %scan3A_6  : i32 {
      %mul3A_9 = arith.constant 1000 : i32
      %mul3A_10 = arith.muli %scan3A_8, %mul3A_9 : i32
      %add3A_11 = arith.addi %mul3A_2, %mul3A_10 : i32
      %add3A_12 = arith.constant 640000 : i32
      %add3A_13 = arith.addi %add3A_12, %add3A_11 : i32
      "tpu.region"() ({
        %run_scoped3A = tpu.sem_alloc : memref<!tpu.dma_semaphore, #tpu.memory_space<semaphore_mem>>
        %dma_start3A_18 = tpu.memref_slice %arg3[%add3A_13] : memref<800000xi32, #tpu.memory_space<hbm>> -> memref<1000xi32, #tpu.memory_space<hbm>>
        %dma_start3A_19 = tpu.memref_slice %arg3[%add3A_13] : memref<800000xi32, #tpu.memory_space<hbm>> -> memref<1000xi32, #tpu.memory_space<hbm>>
        tpu.enqueue_dma source(%dma_start3A_19 : memref<1000xi32, #tpu.memory_space<hbm>>) target(%arg5 : memref<1000xi32, #tpu.memory_space<vmem>>) target_semaphore(%run_scoped3A : memref<!tpu.dma_semaphore, #tpu.memory_space<semaphore_mem>>)
        %dma_wait3A_20 = tpu.memref_slice %arg3[%add3A_13] : memref<800000xi32, #tpu.memory_space<hbm>> -> memref<1000xi32, #tpu.memory_space<hbm>>
        %dma_wait3A_21 = tpu.memref_slice %arg3[%add3A_13] : memref<800000xi32, #tpu.memory_space<hbm>> -> memref<1000xi32, #tpu.memory_space<hbm>>
        tpu.wait_dma2 semaphore(%run_scoped3A : memref<!tpu.dma_semaphore, #tpu.memory_space<semaphore_mem>>) src(%dma_wait3A_21 : memref<1000xi32, #tpu.memory_space<hbm>>) dst(%arg5 : memref<1000xi32, #tpu.memory_space<vmem>>)
        tpu.yield
      }) : () -> ()
      %dma_start3A = arith.constant 0 : i32
      %dma_start3A_14 = arith.constant 0 : i32
      %dma_start3A_15 = tpu.memref_slice %arg2[%dma_start3A, %dma_start3A_14] : memref<50000x64xf32, #tpu.memory_space<hbm>> -> memref<50000x64xf32, #tpu.memory_space<hbm>>
      tpu.enqueue_indirect_dma source(%dma_start3A_15 : memref<50000x64xf32, #tpu.memory_space<hbm>>) target(%arg6 : memref<1000x64xf32, #tpu.memory_space<vmem>>) offsets(%arg5 : memref<1000xi32, #tpu.memory_space<vmem>>) semaphore(%arg7 : memref<!tpu.dma_semaphore, #tpu.memory_space<semaphore_mem>>)
      %dma_wait3A = arith.constant 0 : i32
      %dma_wait3A_16 = arith.constant 0 : i32
      %dma_wait3A_17 = tpu.memref_slice %arg2[%dma_wait3A, %dma_wait3A_16] : memref<50000x64xf32, #tpu.memory_space<hbm>> -> memref<50000x64xf32, #tpu.memory_space<hbm>>
      tpu.wait_indirect_dma semaphore(%arg7 : memref<!tpu.dma_semaphore, #tpu.memory_space<semaphore_mem>>) src(%dma_wait3A_17 : memref<50000x64xf32, #tpu.memory_space<hbm>>) dst(%arg6 : memref<1000x64xf32, #tpu.memory_space<vmem>>)
      "tpu.region"() ({
        %run_scoped3A = tpu.sem_alloc : memref<!tpu.dma_semaphore, #tpu.memory_space<semaphore_mem>>
        %dma_start3A_18 = arith.constant 0 : i32
        %dma_start3A_19 = tpu.memref_slice %arg4[%add3A_11, %dma_start3A_18] : memref<160000x64xf32, #tpu.memory_space<hbm>> -> memref<1000x64xf32, #tpu.memory_space<hbm>>
        %dma_start3A_20 = arith.constant 0 : i32
        %dma_start3A_21 = tpu.memref_slice %arg4[%add3A_11, %dma_start3A_20] : memref<160000x64xf32, #tpu.memory_space<hbm>> -> memref<1000x64xf32, #tpu.memory_space<hbm>>
        tpu.enqueue_dma source(%arg6 : memref<1000x64xf32, #tpu.memory_space<vmem>>) target(%dma_start3A_21 : memref<1000x64xf32, #tpu.memory_space<hbm>>) target_semaphore(%run_scoped3A : memref<!tpu.dma_semaphore, #tpu.memory_space<semaphore_mem>>)
        %dma_wait3A_22 = arith.constant 0 : i32
        %dma_wait3A_23 = tpu.memref_slice %arg4[%add3A_11, %dma_wait3A_22] : memref<160000x64xf32, #tpu.memory_space<hbm>> -> memref<1000x64xf32, #tpu.memory_space<hbm>>
        %dma_wait3A_24 = arith.constant 0 : i32
        %dma_wait3A_25 = tpu.memref_slice %arg4[%add3A_11, %dma_wait3A_24] : memref<160000x64xf32, #tpu.memory_space<hbm>> -> memref<1000x64xf32, #tpu.memory_space<hbm>>
        tpu.wait_dma2 semaphore(%run_scoped3A : memref<!tpu.dma_semaphore, #tpu.memory_space<semaphore_mem>>) src(%arg6 : memref<1000x64xf32, #tpu.memory_space<vmem>>) dst(%dma_wait3A_25 : memref<1000x64xf32, #tpu.memory_space<hbm>>)
        tpu.yield
      }) : () -> ()
    }
    %scan3A_7 = arith.constant 5 : i32
    return
  }
}

module attributes {stable_mosaic.version = 14 : i64} {
  func.func @_route_body(%arg0: i32, %arg1: memref<1000x64xf32, #tpu.memory_space<vmem>>, %arg2: memref<8000x128xf32, #tpu.memory_space<vmem>>, %arg3: memref<1000x64xf32, #tpu.memory_space<vmem>>, %arg4: memref<1000x64xf32, #tpu.memory_space<vmem>>) attributes {dimension_semantics = [#tpu.dimension_semantics<arbitrary>], iteration_bounds = array<i64: 10>, scalar_prefetch = 0 : i64, scratch_operands = 0 : i64, tpu.core_type = #tpu.core_type<tc>, window_params = [{transform_indices = @transform_0, window_bounds = array<i64: 1000, 64>}, {transform_indices = @transform_1, window_bounds = array<i64: 8000, 128>}, {transform_indices = @transform_2, window_bounds = array<i64: 1000, 64>}, {transform_indices = @transform_3, window_bounds = array<i64: 1000, 64>}]} {
    %get3A = arith.constant 0 : index
    %get3A_0 = arith.constant 0 : index
    %get3A_1 = vector.load %arg1[%get3A, %get3A_0] : memref<1000x64xf32, #tpu.memory_space<vmem>>, vector<1000x64xf32>
    %get3A_2 = arith.constant 0 : index
    %get3A_3 = arith.constant 0 : index
    %get3A_4 = vector.load %arg2[%get3A_2, %get3A_3] : memref<8000x128xf32, #tpu.memory_space<vmem>>, vector<8000x128xf32>
    %iota3A = tpu.iota {dimensions = array<i32: 0>} : vector<64x8xi32>
    %iota3A_5 = tpu.iota {dimensions = array<i32: 1>} : vector<64x8xi32>
    %jit3A = arith.constant 8 : i32
    %div3A = vector.broadcast %jit3A : i32 to vector<64x8xi32>
    %div3A_6 = arith.divsi %iota3A, %div3A : vector<64x8xi32>
    %sign3A = arith.constant 0 : i32
    %sign3A_7 = vector.broadcast %sign3A : i32 to vector<64x8xi32>
    %sign3A_8 = arith.cmpi sgt, %iota3A, %sign3A_7 : vector<64x8xi32>
    %sign3A_9 = arith.extui %sign3A_8 : vector<64x8xi1> to vector<64x8xi32>
    %sign3A_10 = arith.constant 0 : i32
    %sign3A_11 = vector.broadcast %sign3A_10 : i32 to vector<64x8xi32>
    %sign3A_12 = arith.cmpi slt, %iota3A, %sign3A_11 : vector<64x8xi32>
    %sign3A_13 = arith.extui %sign3A_12 : vector<64x8xi1> to vector<64x8xi32>
    %sign3A_14 = arith.subi %sign3A_9, %sign3A_13 : vector<64x8xi32>
    %sign3A_15 = arith.constant 0 : i32
    %sign3A_16 = arith.cmpi sgt, %jit3A, %sign3A_15 : i32
    %sign3A_17 = arith.extui %sign3A_16 : i1 to i32
    %sign3A_18 = arith.constant 0 : i32
    %sign3A_19 = arith.cmpi slt, %jit3A, %sign3A_18 : i32
    %sign3A_20 = arith.extui %sign3A_19 : i1 to i32
    %sign3A_21 = arith.subi %sign3A_17, %sign3A_20 : i32
    %ne3A = vector.broadcast %sign3A_21 : i32 to vector<64x8xi32>
    %ne3A_22 = arith.cmpi ne, %sign3A_14, %ne3A : vector<64x8xi32>
    %rem3A = vector.broadcast %jit3A : i32 to vector<64x8xi32>
    %rem3A_23 = arith.remsi %iota3A, %rem3A : vector<64x8xi32>
    %ne3A_24 = arith.constant 0 : i32
    %ne3A_25 = vector.broadcast %ne3A_24 : i32 to vector<64x8xi32>
    %ne3A_26 = arith.cmpi ne, %rem3A_23, %ne3A_25 : vector<64x8xi32>
    %and3A = arith.andi %ne3A_22, %ne3A_26 : vector<64x8xi1>
    %sub3A = arith.constant 1 : i32
    %sub3A_27 = vector.broadcast %sub3A : i32 to vector<64x8xi32>
    %sub3A_28 = arith.subi %div3A_6, %sub3A_27 : vector<64x8xi32>
    %select_n3A = arith.select %and3A, %sub3A_28, %div3A_6 : vector<64x8xi1>, vector<64x8xi32>
    %eq3A = arith.cmpi eq, %select_n3A, %iota3A_5 : vector<64x8xi32>
    %jit3A_29 = arith.constant 1.000000e+00 : f32
    %jit3A_30 = arith.constant 0.000000e+00 : f32
    %broadcast_in_dim3A = vector.broadcast %jit3A_29 : f32 to vector<64x8xf32>
    %broadcast_in_dim3A_31 = vector.broadcast %jit3A_30 : f32 to vector<64x8xf32>
    %select_n3A_32 = arith.select %eq3A, %broadcast_in_dim3A, %broadcast_in_dim3A_31 : vector<64x8xi1>, vector<64x8xf32>
    %iota3A_33 = tpu.iota {dimensions = array<i32: 0>} : vector<128x16xi32>
    %iota3A_34 = tpu.iota {dimensions = array<i32: 1>} : vector<128x16xi32>
    %jit3A_35 = arith.constant 8 : i32
    %div3A_36 = vector.broadcast %jit3A_35 : i32 to vector<128x16xi32>
    %div3A_37 = arith.divsi %iota3A_33, %div3A_36 : vector<128x16xi32>
    %sign3A_38 = arith.constant 0 : i32
    %sign3A_39 = vector.broadcast %sign3A_38 : i32 to vector<128x16xi32>
    %sign3A_40 = arith.cmpi sgt, %iota3A_33, %sign3A_39 : vector<128x16xi32>
    %sign3A_41 = arith.extui %sign3A_40 : vector<128x16xi1> to vector<128x16xi32>
    %sign3A_42 = arith.constant 0 : i32
    %sign3A_43 = vector.broadcast %sign3A_42 : i32 to vector<128x16xi32>
    %sign3A_44 = arith.cmpi slt, %iota3A_33, %sign3A_43 : vector<128x16xi32>
    %sign3A_45 = arith.extui %sign3A_44 : vector<128x16xi1> to vector<128x16xi32>
    %sign3A_46 = arith.subi %sign3A_41, %sign3A_45 : vector<128x16xi32>
    %sign3A_47 = arith.constant 0 : i32
    %sign3A_48 = arith.cmpi sgt, %jit3A_35, %sign3A_47 : i32
    %sign3A_49 = arith.extui %sign3A_48 : i1 to i32
    %sign3A_50 = arith.constant 0 : i32
    %sign3A_51 = arith.cmpi slt, %jit3A_35, %sign3A_50 : i32
    %sign3A_52 = arith.extui %sign3A_51 : i1 to i32
    %sign3A_53 = arith.subi %sign3A_49, %sign3A_52 : i32
    %ne3A_54 = vector.broadcast %sign3A_53 : i32 to vector<128x16xi32>
    %ne3A_55 = arith.cmpi ne, %sign3A_46, %ne3A_54 : vector<128x16xi32>
    %rem3A_56 = vector.broadcast %jit3A_35 : i32 to vector<128x16xi32>
    %rem3A_57 = arith.remsi %iota3A_33, %rem3A_56 : vector<128x16xi32>
    %ne3A_58 = arith.constant 0 : i32
    %ne3A_59 = vector.broadcast %ne3A_58 : i32 to vector<128x16xi32>
    %ne3A_60 = arith.cmpi ne, %rem3A_57, %ne3A_59 : vector<128x16xi32>
    %and3A_61 = arith.andi %ne3A_55, %ne3A_60 : vector<128x16xi1>
    %sub3A_62 = arith.constant 1 : i32
    %sub3A_63 = vector.broadcast %sub3A_62 : i32 to vector<128x16xi32>
    %sub3A_64 = arith.subi %div3A_37, %sub3A_63 : vector<128x16xi32>
    %select_n3A_65 = arith.select %and3A_61, %sub3A_64, %div3A_37 : vector<128x16xi1>, vector<128x16xi32>
    %eq3A_66 = arith.cmpi eq, %select_n3A_65, %iota3A_34 : vector<128x16xi32>
    %jit3A_67 = arith.constant 1.000000e+00 : f32
    %jit3A_68 = arith.constant 0.000000e+00 : f32
    %broadcast_in_dim3A_69 = vector.broadcast %jit3A_67 : f32 to vector<128x16xf32>
    %broadcast_in_dim3A_70 = vector.broadcast %jit3A_68 : f32 to vector<128x16xf32>
    %select_n3A_71 = arith.select %eq3A_66, %broadcast_in_dim3A_69, %broadcast_in_dim3A_70 : vector<128x16xi1>, vector<128x16xf32>
    %iota3A_72 = tpu.iota {dimensions = array<i32: 0>} : vector<16x16xi32>
    %iota3A_73 = tpu.iota {dimensions = array<i32: 1>} : vector<16x16xi32>
    %jit3A_74 = arith.constant 8 : i32
    %div3A_75 = vector.broadcast %jit3A_74 : i32 to vector<16x16xi32>
    %div3A_76 = arith.divsi %iota3A_72, %div3A_75 : vector<16x16xi32>
    %sign3A_77 = arith.constant 0 : i32
    %sign3A_78 = vector.broadcast %sign3A_77 : i32 to vector<16x16xi32>
    %sign3A_79 = arith.cmpi sgt, %iota3A_72, %sign3A_78 : vector<16x16xi32>
    %sign3A_80 = arith.extui %sign3A_79 : vector<16x16xi1> to vector<16x16xi32>
    %sign3A_81 = arith.constant 0 : i32
    %sign3A_82 = vector.broadcast %sign3A_81 : i32 to vector<16x16xi32>
    %sign3A_83 = arith.cmpi slt, %iota3A_72, %sign3A_82 : vector<16x16xi32>
    %sign3A_84 = arith.extui %sign3A_83 : vector<16x16xi1> to vector<16x16xi32>
    %sign3A_85 = arith.subi %sign3A_80, %sign3A_84 : vector<16x16xi32>
    %sign3A_86 = arith.constant 0 : i32
    %sign3A_87 = arith.cmpi sgt, %jit3A_74, %sign3A_86 : i32
    %sign3A_88 = arith.extui %sign3A_87 : i1 to i32
    %sign3A_89 = arith.constant 0 : i32
    %sign3A_90 = arith.cmpi slt, %jit3A_74, %sign3A_89 : i32
    %sign3A_91 = arith.extui %sign3A_90 : i1 to i32
    %sign3A_92 = arith.subi %sign3A_88, %sign3A_91 : i32
    %ne3A_93 = vector.broadcast %sign3A_92 : i32 to vector<16x16xi32>
    %ne3A_94 = arith.cmpi ne, %sign3A_85, %ne3A_93 : vector<16x16xi32>
    %rem3A_95 = vector.broadcast %jit3A_74 : i32 to vector<16x16xi32>
    %rem3A_96 = arith.remsi %iota3A_72, %rem3A_95 : vector<16x16xi32>
    %ne3A_97 = arith.constant 0 : i32
    %ne3A_98 = vector.broadcast %ne3A_97 : i32 to vector<16x16xi32>
    %ne3A_99 = arith.cmpi ne, %rem3A_96, %ne3A_98 : vector<16x16xi32>
    %and3A_100 = arith.andi %ne3A_94, %ne3A_99 : vector<16x16xi1>
    %sub3A_101 = arith.constant 1 : i32
    %sub3A_102 = vector.broadcast %sub3A_101 : i32 to vector<16x16xi32>
    %sub3A_103 = arith.subi %div3A_76, %sub3A_102 : vector<16x16xi32>
    %select_n3A_104 = arith.select %and3A_100, %sub3A_103, %div3A_76 : vector<16x16xi1>, vector<16x16xi32>
    %jit3A_105 = arith.constant 8 : i32
    %div3A_106 = vector.broadcast %jit3A_105 : i32 to vector<16x16xi32>
    %div3A_107 = arith.divsi %iota3A_73, %div3A_106 : vector<16x16xi32>
    %sign3A_108 = arith.constant 0 : i32
    %sign3A_109 = vector.broadcast %sign3A_108 : i32 to vector<16x16xi32>
    %sign3A_110 = arith.cmpi sgt, %iota3A_73, %sign3A_109 : vector<16x16xi32>
    %sign3A_111 = arith.extui %sign3A_110 : vector<16x16xi1> to vector<16x16xi32>
    %sign3A_112 = arith.constant 0 : i32
    %sign3A_113 = vector.broadcast %sign3A_112 : i32 to vector<16x16xi32>
    %sign3A_114 = arith.cmpi slt, %iota3A_73, %sign3A_113 : vector<16x16xi32>
    %sign3A_115 = arith.extui %sign3A_114 : vector<16x16xi1> to vector<16x16xi32>
    %sign3A_116 = arith.subi %sign3A_111, %sign3A_115 : vector<16x16xi32>
    %sign3A_117 = arith.constant 0 : i32
    %sign3A_118 = arith.cmpi sgt, %jit3A_105, %sign3A_117 : i32
    %sign3A_119 = arith.extui %sign3A_118 : i1 to i32
    %sign3A_120 = arith.constant 0 : i32
    %sign3A_121 = arith.cmpi slt, %jit3A_105, %sign3A_120 : i32
    %sign3A_122 = arith.extui %sign3A_121 : i1 to i32
    %sign3A_123 = arith.subi %sign3A_119, %sign3A_122 : i32
    %ne3A_124 = vector.broadcast %sign3A_123 : i32 to vector<16x16xi32>
    %ne3A_125 = arith.cmpi ne, %sign3A_116, %ne3A_124 : vector<16x16xi32>
    %rem3A_126 = vector.broadcast %jit3A_105 : i32 to vector<16x16xi32>
    %rem3A_127 = arith.remsi %iota3A_73, %rem3A_126 : vector<16x16xi32>
    %ne3A_128 = arith.constant 0 : i32
    %ne3A_129 = vector.broadcast %ne3A_128 : i32 to vector<16x16xi32>
    %ne3A_130 = arith.cmpi ne, %rem3A_127, %ne3A_129 : vector<16x16xi32>
    %and3A_131 = arith.andi %ne3A_125, %ne3A_130 : vector<16x16xi1>
    %sub3A_132 = arith.constant 1 : i32
    %sub3A_133 = vector.broadcast %sub3A_132 : i32 to vector<16x16xi32>
    %sub3A_134 = arith.subi %div3A_107, %sub3A_133 : vector<16x16xi32>
    %select_n3A_135 = arith.select %and3A_131, %sub3A_134, %div3A_107 : vector<16x16xi1>, vector<16x16xi32>
    %eq3A_136 = arith.cmpi eq, %select_n3A_104, %select_n3A_135 : vector<16x16xi32>
    %jit3A_137 = arith.constant 1.000000e+00 : f32
    %jit3A_138 = arith.constant 0.000000e+00 : f32
    %broadcast_in_dim3A_139 = vector.broadcast %jit3A_137 : f32 to vector<16x16xf32>
    %broadcast_in_dim3A_140 = vector.broadcast %jit3A_138 : f32 to vector<16x16xf32>
    %select_n3A_141 = arith.select %eq3A_136, %broadcast_in_dim3A_139, %broadcast_in_dim3A_140 : vector<16x16xi1>, vector<16x16xf32>
    %concatenate3A = tpu.concatenate %get3A_1, %get3A_1 in 1 : vector<1000x64xf32>, vector<1000x64xf32> -> vector<1000x128xf32>
    %broadcast_in_dim3A_142 = vector.shape_cast %concatenate3A : vector<1000x128xf32> to vector<1000x1x128xf32>
    %broadcast_in_dim3A_143 = vector.shape_cast %broadcast_in_dim3A_142 : vector<1000x1x128xf32> to vector<1000x1x128xf32>
    %broadcast_in_dim3A_144 = vector.broadcast %broadcast_in_dim3A_143 : vector<1000x1x128xf32> to vector<1000x8x128xf32>
    %reshape3A = vector.shape_cast %broadcast_in_dim3A_144 : vector<1000x8x128xf32> to vector<8000x128xf32>
    %mul3A = arith.mulf %get3A_4, %reshape3A : vector<8000x128xf32>
    %dot_general3A = arith.constant dense<0.000000e+00> : vector<8000x16xf32>
    %dot_general3A_145 = tpu.matmul %mul3A, %select_n3A_71, %dot_general3A {dimension_numbers = #tpu.dot_dimension_numbers<[1], [0], [0], [1], [0, 0, 1, 1], [], []>, transpose_lhs_hint = false} : vector<8000x128xf32>, vector<128x16xf32>, vector<8000x16xf32> -> vector<8000x16xf32>
    %exp3A = math.exp %dot_general3A_145 : vector<8000x16xf32>
    %dot_general3A_146 = arith.constant dense<0.000000e+00> : vector<8000x16xf32>
    %dot_general3A_147 = tpu.matmul %exp3A, %select_n3A_141, %dot_general3A_146 {dimension_numbers = #tpu.dot_dimension_numbers<[1], [0], [0], [1], [0, 0, 1, 1], [], []>, transpose_lhs_hint = false} : vector<8000x16xf32>, vector<16x16xf32>, vector<8000x16xf32> -> vector<8000x16xf32>
    %div3A_148 = arith.divf %exp3A, %dot_general3A_147 : vector<8000x16xf32>
    %transpose3A = tpu.transpose %select_n3A_71, [1, 0] : vector<128x16xf32> -> vector<16x128xf32>
    %dot_general3A_149 = arith.constant dense<0.000000e+00> : vector<8000x128xf32>
    %dot_general3A_150 = tpu.matmul %div3A_148, %transpose3A, %dot_general3A_149 {dimension_numbers = #tpu.dot_dimension_numbers<[1], [0], [0], [1], [0, 0, 1, 1], [], []>, transpose_lhs_hint = false} : vector<8000x16xf32>, vector<16x128xf32>, vector<8000x128xf32> -> vector<8000x128xf32>
    %mul3A_151 = arith.mulf %dot_general3A_150, %get3A_4 : vector<8000x128xf32>
    %reshape3A_152 = vector.shape_cast %mul3A_151 : vector<8000x128xf32> to vector<1000x8x128xf32>
    %reduce_sum3A = arith.constant dense<0.000000e+00> : vector<1000x128xf32>
    %reduce_sum3A_153 = vector.multi_reduction <add>, %reshape3A_152, %reduce_sum3A [1] : vector<1000x8x128xf32> to vector<1000x128xf32>
    %slice3A = vector.extract_strided_slice %reduce_sum3A_153 {offsets = [0, 0], sizes = [1000, 64], strides = [1, 1]} : vector<1000x128xf32> to vector<1000x64xf32>
    %slice3A_154 = vector.extract_strided_slice %reduce_sum3A_153 {offsets = [0, 64], sizes = [1000, 64], strides = [1, 1]} : vector<1000x128xf32> to vector<1000x64xf32>
    %add3A = arith.addf %slice3A, %slice3A_154 : vector<1000x64xf32>
    %add3A_155 = arith.addf %add3A, %get3A_1 : vector<1000x64xf32>
    %mul3A_156 = arith.mulf %add3A_155, %add3A_155 : vector<1000x64xf32>
    %dot_general3A_157 = arith.constant dense<0.000000e+00> : vector<1000x8xf32>
    %dot_general3A_158 = tpu.matmul %mul3A_156, %select_n3A_32, %dot_general3A_157 {dimension_numbers = #tpu.dot_dimension_numbers<[1], [0], [0], [1], [0, 0, 1, 1], [], []>, transpose_lhs_hint = false} : vector<1000x64xf32>, vector<64x8xf32>, vector<1000x8xf32> -> vector<1000x8xf32>
    %transpose3A_159 = tpu.transpose %select_n3A_32, [1, 0] : vector<64x8xf32> -> vector<8x64xf32>
    %dot_general3A_160 = arith.constant dense<0.000000e+00> : vector<1000x64xf32>
    %dot_general3A_161 = tpu.matmul %dot_general3A_158, %transpose3A_159, %dot_general3A_160 {dimension_numbers = #tpu.dot_dimension_numbers<[1], [0], [0], [1], [0, 0, 1, 1], [], []>, transpose_lhs_hint = false} : vector<1000x8xf32>, vector<8x64xf32>, vector<1000x64xf32> -> vector<1000x64xf32>
    %max3A = arith.constant 1.000000e-24 : f32
    %max3A_162 = vector.broadcast %max3A : f32 to vector<1000x64xf32>
    %max3A_163 = arith.maximumf %dot_general3A_161, %max3A_162 : vector<1000x64xf32>
    %rsqrt3A = math.rsqrt %max3A_163 : vector<1000x64xf32>
    %mul3A_164 = arith.mulf %add3A_155, %rsqrt3A : vector<1000x64xf32>
    %concatenate3A_165 = tpu.concatenate %mul3A_164, %mul3A_164 in 1 : vector<1000x64xf32>, vector<1000x64xf32> -> vector<1000x128xf32>
    %broadcast_in_dim3A_166 = vector.shape_cast %concatenate3A_165 : vector<1000x128xf32> to vector<1000x1x128xf32>
    %broadcast_in_dim3A_167 = vector.shape_cast %broadcast_in_dim3A_166 : vector<1000x1x128xf32> to vector<1000x1x128xf32>
    %broadcast_in_dim3A_168 = vector.broadcast %broadcast_in_dim3A_167 : vector<1000x1x128xf32> to vector<1000x8x128xf32>
    %reshape3A_169 = vector.shape_cast %broadcast_in_dim3A_168 : vector<1000x8x128xf32> to vector<8000x128xf32>
    %mul3A_170 = arith.mulf %get3A_4, %reshape3A_169 : vector<8000x128xf32>
    %dot_general3A_171 = arith.constant dense<0.000000e+00> : vector<8000x16xf32>
    %dot_general3A_172 = tpu.matmul %mul3A_170, %select_n3A_71, %dot_general3A_171 {dimension_numbers = #tpu.dot_dimension_numbers<[1], [0], [0], [1], [0, 0, 1, 1], [], []>, transpose_lhs_hint = false} : vector<8000x128xf32>, vector<128x16xf32>, vector<8000x16xf32> -> vector<8000x16xf32>
    %exp3A_173 = math.exp %dot_general3A_172 : vector<8000x16xf32>
    %dot_general3A_174 = arith.constant dense<0.000000e+00> : vector<8000x16xf32>
    %dot_general3A_175 = tpu.matmul %exp3A_173, %select_n3A_141, %dot_general3A_174 {dimension_numbers = #tpu.dot_dimension_numbers<[1], [0], [0], [1], [0, 0, 1, 1], [], []>, transpose_lhs_hint = false} : vector<8000x16xf32>, vector<16x16xf32>, vector<8000x16xf32> -> vector<8000x16xf32>
    %div3A_176 = arith.divf %exp3A_173, %dot_general3A_175 : vector<8000x16xf32>
    %transpose3A_177 = tpu.transpose %select_n3A_71, [1, 0] : vector<128x16xf32> -> vector<16x128xf32>
    %dot_general3A_178 = arith.constant dense<0.000000e+00> : vector<8000x128xf32>
    %dot_general3A_179 = tpu.matmul %div3A_176, %transpose3A_177, %dot_general3A_178 {dimension_numbers = #tpu.dot_dimension_numbers<[1], [0], [0], [1], [0, 0, 1, 1], [], []>, transpose_lhs_hint = false} : vector<8000x16xf32>, vector<16x128xf32>, vector<8000x128xf32> -> vector<8000x128xf32>
    %mul3A_180 = arith.mulf %dot_general3A_179, %get3A_4 : vector<8000x128xf32>
    %reshape3A_181 = vector.shape_cast %mul3A_180 : vector<8000x128xf32> to vector<1000x8x128xf32>
    %reduce_sum3A_182 = arith.constant dense<0.000000e+00> : vector<1000x128xf32>
    %reduce_sum3A_183 = vector.multi_reduction <add>, %reshape3A_181, %reduce_sum3A_182 [1] : vector<1000x8x128xf32> to vector<1000x128xf32>
    %slice3A_184 = vector.extract_strided_slice %reduce_sum3A_183 {offsets = [0, 0], sizes = [1000, 64], strides = [1, 1]} : vector<1000x128xf32> to vector<1000x64xf32>
    %slice3A_185 = vector.extract_strided_slice %reduce_sum3A_183 {offsets = [0, 64], sizes = [1000, 64], strides = [1, 1]} : vector<1000x128xf32> to vector<1000x64xf32>
    %add3A_186 = arith.addf %slice3A_184, %slice3A_185 : vector<1000x64xf32>
    %add3A_187 = arith.addf %add3A_186, %get3A_1 : vector<1000x64xf32>
    %swap3A = arith.constant 0 : index
    %swap3A_188 = arith.constant 0 : index
    %swap3A_189 = vector.load %arg4[%swap3A, %swap3A_188] : memref<1000x64xf32, #tpu.memory_space<vmem>>, vector<1000x64xf32>
    tpu.vector_store %arg4[%swap3A, %swap3A_188], %add3A_187 {strides = array<i32>} : memref<1000x64xf32, #tpu.memory_space<vmem>>, vector<1000x64xf32>,
    return
  }
  func.func @transform_0(%arg0: i32) -> (i32, i32) {
    %add3A = arith.constant 0 : i32
    %add3A_0 = arith.addi %arg0, %add3A : i32
    %c0_i32 = arith.constant 0 : i32
    %c0_i32_1 = arith.constant 0 : i32
    return %add3A_0, %c0_i32 : i32, i32
  }
  func.func @transform_1(%arg0: i32) -> (i32, i32) {
    %c0_i32 = arith.constant 0 : i32
    %c0_i32_0 = arith.constant 0 : i32
    return %arg0, %c0_i32 : i32, i32
  }
  func.func @transform_2(%arg0: i32) -> (i32, i32) {
    %add3A = arith.constant 0 : i32
    %add3A_0 = arith.addi %arg0, %add3A : i32
    %c0_i32 = arith.constant 0 : i32
    %c0_i32_1 = arith.constant 0 : i32
    return %add3A_0, %c0_i32 : i32, i32
  }
  func.func @transform_3(%arg0: i32) -> (i32, i32) {
    %add3A = arith.constant 0 : i32
    %add3A_0 = arith.addi %arg0, %add3A : i32
    %c0_i32 = arith.constant 0 : i32
    %c0_i32_1 = arith.constant 0 : i32
    return %add3A_0, %c0_i32 : i32, i32
  }
}

module attributes {stable_mosaic.version = 14 : i64} {
  func.func @_prep_body(%arg0: i32, %arg1: memref<1000x128xf32, #tpu.memory_space<vmem>>, %arg2: memref<128x64xf32, #tpu.memory_space<vmem>>, %arg3: memref<1x64xf32, #tpu.memory_space<vmem>>, %arg4: memref<1000x64xf32, #tpu.memory_space<vmem>>) attributes {dimension_semantics = [#tpu.dimension_semantics<arbitrary>], iteration_bounds = array<i64: 50>, scalar_prefetch = 0 : i64, scratch_operands = 0 : i64, tpu.core_type = #tpu.core_type<tc>, window_params = [{transform_indices = @transform_0, window_bounds = array<i64: 1000, 128>}, {pipeline_mode = #tpu.pipeline_mode<synchronous>, transform_indices = @transform_1, window_bounds = array<i64: 128, 64>}, {pipeline_mode = #tpu.pipeline_mode<synchronous>, transform_indices = @transform_2, window_bounds = array<i64: 1, 64>}, {transform_indices = @transform_3, window_bounds = array<i64: 1000, 64>}]} {
    %get3A = arith.constant 0 : index
    %get3A_0 = arith.constant 0 : index
    %get3A_1 = vector.load %arg1[%get3A, %get3A_0] : memref<1000x128xf32, #tpu.memory_space<vmem>>, vector<1000x128xf32>
    %get3A_2 = arith.constant 0 : index
    %get3A_3 = arith.constant 0 : index
    %get3A_4 = vector.load %arg2[%get3A_2, %get3A_3] : memref<128x64xf32, #tpu.memory_space<vmem>>, vector<128x64xf32>
    %dot_general3A = arith.constant dense<0.000000e+00> : vector<1000x64xf32>
    %dot_general3A_5 = tpu.matmul %get3A_1, %get3A_4, %dot_general3A {dimension_numbers = #tpu.dot_dimension_numbers<[1], [0], [0], [1], [0, 0, 1, 1], [], []>, transpose_lhs_hint = false} : vector<1000x128xf32>, vector<128x64xf32>, vector<1000x64xf32> -> vector<1000x64xf32>
    %get3A_6 = arith.constant 0 : index
    %get3A_7 = arith.constant 0 : index
    %get3A_8 = vector.load %arg3[%get3A_6, %get3A_7] : memref<1x64xf32, #tpu.memory_space<vmem>>, vector<1x64xf32>
    %add3A = vector.broadcast %get3A_8 : vector<1x64xf32> to vector<1000x64xf32>
    %add3A_9 = arith.addf %dot_general3A_5, %add3A : vector<1000x64xf32>
    %max3A = arith.constant 0.000000e+00 : f32
    %max3A_10 = vector.broadcast %max3A : f32 to vector<1000x64xf32>
    %max3A_11 = arith.maximumf %add3A_9, %max3A_10 : vector<1000x64xf32>
    %iota3A = tpu.iota {dimensions = array<i32: 0>} : vector<64x8xi32>
    %iota3A_12 = tpu.iota {dimensions = array<i32: 1>} : vector<64x8xi32>
    %jit3A = arith.constant 8 : i32
    %div3A = vector.broadcast %jit3A : i32 to vector<64x8xi32>
    %div3A_13 = arith.divsi %iota3A, %div3A : vector<64x8xi32>
    %sign3A = arith.constant 0 : i32
    %sign3A_14 = vector.broadcast %sign3A : i32 to vector<64x8xi32>
    %sign3A_15 = arith.cmpi sgt, %iota3A, %sign3A_14 : vector<64x8xi32>
    %sign3A_16 = arith.extui %sign3A_15 : vector<64x8xi1> to vector<64x8xi32>
    %sign3A_17 = arith.constant 0 : i32
    %sign3A_18 = vector.broadcast %sign3A_17 : i32 to vector<64x8xi32>
    %sign3A_19 = arith.cmpi slt, %iota3A, %sign3A_18 : vector<64x8xi32>
    %sign3A_20 = arith.extui %sign3A_19 : vector<64x8xi1> to vector<64x8xi32>
    %sign3A_21 = arith.subi %sign3A_16, %sign3A_20 : vector<64x8xi32>
    %sign3A_22 = arith.constant 0 : i32
    %sign3A_23 = arith.cmpi sgt, %jit3A, %sign3A_22 : i32
    %sign3A_24 = arith.extui %sign3A_23 : i1 to i32
    %sign3A_25 = arith.constant 0 : i32
    %sign3A_26 = arith.cmpi slt, %jit3A, %sign3A_25 : i32
    %sign3A_27 = arith.extui %sign3A_26 : i1 to i32
    %sign3A_28 = arith.subi %sign3A_24, %sign3A_27 : i32
    %ne3A = vector.broadcast %sign3A_28 : i32 to vector<64x8xi32>
    %ne3A_29 = arith.cmpi ne, %sign3A_21, %ne3A : vector<64x8xi32>
    %rem3A = vector.broadcast %jit3A : i32 to vector<64x8xi32>
    %rem3A_30 = arith.remsi %iota3A, %rem3A : vector<64x8xi32>
    %ne3A_31 = arith.constant 0 : i32
    %ne3A_32 = vector.broadcast %ne3A_31 : i32 to vector<64x8xi32>
    %ne3A_33 = arith.cmpi ne, %rem3A_30, %ne3A_32 : vector<64x8xi32>
    %and3A = arith.andi %ne3A_29, %ne3A_33 : vector<64x8xi1>
    %sub3A = arith.constant 1 : i32
    %sub3A_34 = vector.broadcast %sub3A : i32 to vector<64x8xi32>
    %sub3A_35 = arith.subi %div3A_13, %sub3A_34 : vector<64x8xi32>
    %select_n3A = arith.select %and3A, %sub3A_35, %div3A_13 : vector<64x8xi1>, vector<64x8xi32>
    %eq3A = arith.cmpi eq, %select_n3A, %iota3A_12 : vector<64x8xi32>
    %jit3A_36 = arith.constant 1.000000e+00 : f32
    %jit3A_37 = arith.constant 0.000000e+00 : f32
    %broadcast_in_dim3A = vector.broadcast %jit3A_36 : f32 to vector<64x8xf32>
    %broadcast_in_dim3A_38 = vector.broadcast %jit3A_37 : f32 to vector<64x8xf32>
    %select_n3A_39 = arith.select %eq3A, %broadcast_in_dim3A, %broadcast_in_dim3A_38 : vector<64x8xi1>, vector<64x8xf32>
    %mul3A = arith.mulf %max3A_11, %max3A_11 : vector<1000x64xf32>
    %dot_general3A_40 = arith.constant dense<0.000000e+00> : vector<1000x8xf32>
    %dot_general3A_41 = tpu.matmul %mul3A, %select_n3A_39, %dot_general3A_40 {dimension_numbers = #tpu.dot_dimension_numbers<[1], [0], [0], [1], [0, 0, 1, 1], [], []>, transpose_lhs_hint = false} : vector<1000x64xf32>, vector<64x8xf32>, vector<1000x8xf32> -> vector<1000x8xf32>
    %transpose3A = tpu.transpose %select_n3A_39, [1, 0] : vector<64x8xf32> -> vector<8x64xf32>
    %dot_general3A_42 = arith.constant dense<0.000000e+00> : vector<1000x64xf32>
    %dot_general3A_43 = tpu.matmul %dot_general3A_41, %transpose3A, %dot_general3A_42 {dimension_numbers = #tpu.dot_dimension_numbers<[1], [0], [0], [1], [0, 0, 1, 1], [], []>, transpose_lhs_hint = false} : vector<1000x8xf32>, vector<8x64xf32>, vector<1000x64xf32> -> vector<1000x64xf32>
    %max3A_44 = arith.constant 1.000000e-24 : f32
    %max3A_45 = vector.broadcast %max3A_44 : f32 to vector<1000x64xf32>
    %max3A_46 = arith.maximumf %dot_general3A_43, %max3A_45 : vector<1000x64xf32>
    %rsqrt3A = math.rsqrt %max3A_46 : vector<1000x64xf32>
    %mul3A_47 = arith.mulf %max3A_11, %rsqrt3A : vector<1000x64xf32>
    %swap3A = arith.constant 0 : index
    %swap3A_48 = arith.constant 0 : index
    %swap3A_49 = vector.load %arg4[%swap3A, %swap3A_48] : memref<1000x64xf32, #tpu.memory_space<vmem>>, vector<1000x64xf32>
    tpu.vector_store %arg4[%swap3A, %swap3A_48], %mul3A_47 {strides = array<i32>} : memref<1000x64xf32, #tpu.memory_space<vmem>>, vector<1000x64xf32>,
    return
  }
  func.func @transform_0(%arg0: i32) -> (i32, i32) {
    %c0_i32 = arith.constant 0 : i32
    %c0_i32_0 = arith.constant 0 : i32
    return %arg0, %c0_i32 : i32, i32
  }
  func.func @transform_1(%arg0: i32) -> (i32, i32) {
    %c0_i32 = arith.constant 0 : i32
    %c0_i32_0 = arith.constant 0 : i32
    %c0_i32_1 = arith.constant 0 : i32
    return %c0_i32, %c0_i32_0 : i32, i32
  }
  func.func @transform_2(%arg0: i32) -> (i32, i32) {
    %c0_i32 = arith.constant 0 : i32
    %c0_i32_0 = arith.constant 0 : i32
    %c0_i32_1 = arith.constant 0 : i32
    return %c0_i32, %c0_i32_0 : i32, i32
  }
  func.func @transform_3(%arg0: i32) -> (i32, i32) {
    %c0_i32 = arith.constant 0 : i32
    %c0_i32_0 = arith.constant 0 : i32
    return %arg0, %c0_i32 : i32, i32
  }
}

module attributes {stable_mosaic.version = 14 : i64} {
  func.func @_route_body(%arg0: i32, %arg1: memref<1000x64xf32, #tpu.memory_space<vmem>>, %arg2: memref<8000x128xf32, #tpu.memory_space<vmem>>, %arg3: memref<1000x64xf32, #tpu.memory_space<vmem>>, %arg4: memref<1000x64xf32, #tpu.memory_space<vmem>>) attributes {dimension_semantics = [#tpu.dimension_semantics<arbitrary>], iteration_bounds = array<i64: 10>, scalar_prefetch = 0 : i64, scratch_operands = 0 : i64, tpu.core_type = #tpu.core_type<tc>, window_params = [{transform_indices = @transform_0, window_bounds = array<i64: 1000, 64>}, {transform_indices = @transform_1, window_bounds = array<i64: 8000, 128>}, {transform_indices = @transform_2, window_bounds = array<i64: 1000, 64>}, {transform_indices = @transform_3, window_bounds = array<i64: 1000, 64>}]} {
    %get3A = arith.constant 0 : index
    %get3A_0 = arith.constant 0 : index
    %get3A_1 = vector.load %arg1[%get3A, %get3A_0] : memref<1000x64xf32, #tpu.memory_space<vmem>>, vector<1000x64xf32>
    %get3A_2 = arith.constant 0 : index
    %get3A_3 = arith.constant 0 : index
    %get3A_4 = vector.load %arg2[%get3A_2, %get3A_3] : memref<8000x128xf32, #tpu.memory_space<vmem>>, vector<8000x128xf32>
    %iota3A = tpu.iota {dimensions = array<i32: 0>} : vector<64x8xi32>
    %iota3A_5 = tpu.iota {dimensions = array<i32: 1>} : vector<64x8xi32>
    %jit3A = arith.constant 8 : i32
    %div3A = vector.broadcast %jit3A : i32 to vector<64x8xi32>
    %div3A_6 = arith.divsi %iota3A, %div3A : vector<64x8xi32>
    %sign3A = arith.constant 0 : i32
    %sign3A_7 = vector.broadcast %sign3A : i32 to vector<64x8xi32>
    %sign3A_8 = arith.cmpi sgt, %iota3A, %sign3A_7 : vector<64x8xi32>
    %sign3A_9 = arith.extui %sign3A_8 : vector<64x8xi1> to vector<64x8xi32>
    %sign3A_10 = arith.constant 0 : i32
    %sign3A_11 = vector.broadcast %sign3A_10 : i32 to vector<64x8xi32>
    %sign3A_12 = arith.cmpi slt, %iota3A, %sign3A_11 : vector<64x8xi32>
    %sign3A_13 = arith.extui %sign3A_12 : vector<64x8xi1> to vector<64x8xi32>
    %sign3A_14 = arith.subi %sign3A_9, %sign3A_13 : vector<64x8xi32>
    %sign3A_15 = arith.constant 0 : i32
    %sign3A_16 = arith.cmpi sgt, %jit3A, %sign3A_15 : i32
    %sign3A_17 = arith.extui %sign3A_16 : i1 to i32
    %sign3A_18 = arith.constant 0 : i32
    %sign3A_19 = arith.cmpi slt, %jit3A, %sign3A_18 : i32
    %sign3A_20 = arith.extui %sign3A_19 : i1 to i32
    %sign3A_21 = arith.subi %sign3A_17, %sign3A_20 : i32
    %ne3A = vector.broadcast %sign3A_21 : i32 to vector<64x8xi32>
    %ne3A_22 = arith.cmpi ne, %sign3A_14, %ne3A : vector<64x8xi32>
    %rem3A = vector.broadcast %jit3A : i32 to vector<64x8xi32>
    %rem3A_23 = arith.remsi %iota3A, %rem3A : vector<64x8xi32>
    %ne3A_24 = arith.constant 0 : i32
    %ne3A_25 = vector.broadcast %ne3A_24 : i32 to vector<64x8xi32>
    %ne3A_26 = arith.cmpi ne, %rem3A_23, %ne3A_25 : vector<64x8xi32>
    %and3A = arith.andi %ne3A_22, %ne3A_26 : vector<64x8xi1>
    %sub3A = arith.constant 1 : i32
    %sub3A_27 = vector.broadcast %sub3A : i32 to vector<64x8xi32>
    %sub3A_28 = arith.subi %div3A_6, %sub3A_27 : vector<64x8xi32>
    %select_n3A = arith.select %and3A, %sub3A_28, %div3A_6 : vector<64x8xi1>, vector<64x8xi32>
    %eq3A = arith.cmpi eq, %select_n3A, %iota3A_5 : vector<64x8xi32>
    %jit3A_29 = arith.constant 1.000000e+00 : f32
    %jit3A_30 = arith.constant 0.000000e+00 : f32
    %broadcast_in_dim3A = vector.broadcast %jit3A_29 : f32 to vector<64x8xf32>
    %broadcast_in_dim3A_31 = vector.broadcast %jit3A_30 : f32 to vector<64x8xf32>
    %select_n3A_32 = arith.select %eq3A, %broadcast_in_dim3A, %broadcast_in_dim3A_31 : vector<64x8xi1>, vector<64x8xf32>
    %iota3A_33 = tpu.iota {dimensions = array<i32: 0>} : vector<128x16xi32>
    %iota3A_34 = tpu.iota {dimensions = array<i32: 1>} : vector<128x16xi32>
    %jit3A_35 = arith.constant 8 : i32
    %div3A_36 = vector.broadcast %jit3A_35 : i32 to vector<128x16xi32>
    %div3A_37 = arith.divsi %iota3A_33, %div3A_36 : vector<128x16xi32>
    %sign3A_38 = arith.constant 0 : i32
    %sign3A_39 = vector.broadcast %sign3A_38 : i32 to vector<128x16xi32>
    %sign3A_40 = arith.cmpi sgt, %iota3A_33, %sign3A_39 : vector<128x16xi32>
    %sign3A_41 = arith.extui %sign3A_40 : vector<128x16xi1> to vector<128x16xi32>
    %sign3A_42 = arith.constant 0 : i32
    %sign3A_43 = vector.broadcast %sign3A_42 : i32 to vector<128x16xi32>
    %sign3A_44 = arith.cmpi slt, %iota3A_33, %sign3A_43 : vector<128x16xi32>
    %sign3A_45 = arith.extui %sign3A_44 : vector<128x16xi1> to vector<128x16xi32>
    %sign3A_46 = arith.subi %sign3A_41, %sign3A_45 : vector<128x16xi32>
    %sign3A_47 = arith.constant 0 : i32
    %sign3A_48 = arith.cmpi sgt, %jit3A_35, %sign3A_47 : i32
    %sign3A_49 = arith.extui %sign3A_48 : i1 to i32
    %sign3A_50 = arith.constant 0 : i32
    %sign3A_51 = arith.cmpi slt, %jit3A_35, %sign3A_50 : i32
    %sign3A_52 = arith.extui %sign3A_51 : i1 to i32
    %sign3A_53 = arith.subi %sign3A_49, %sign3A_52 : i32
    %ne3A_54 = vector.broadcast %sign3A_53 : i32 to vector<128x16xi32>
    %ne3A_55 = arith.cmpi ne, %sign3A_46, %ne3A_54 : vector<128x16xi32>
    %rem3A_56 = vector.broadcast %jit3A_35 : i32 to vector<128x16xi32>
    %rem3A_57 = arith.remsi %iota3A_33, %rem3A_56 : vector<128x16xi32>
    %ne3A_58 = arith.constant 0 : i32
    %ne3A_59 = vector.broadcast %ne3A_58 : i32 to vector<128x16xi32>
    %ne3A_60 = arith.cmpi ne, %rem3A_57, %ne3A_59 : vector<128x16xi32>
    %and3A_61 = arith.andi %ne3A_55, %ne3A_60 : vector<128x16xi1>
    %sub3A_62 = arith.constant 1 : i32
    %sub3A_63 = vector.broadcast %sub3A_62 : i32 to vector<128x16xi32>
    %sub3A_64 = arith.subi %div3A_37, %sub3A_63 : vector<128x16xi32>
    %select_n3A_65 = arith.select %and3A_61, %sub3A_64, %div3A_37 : vector<128x16xi1>, vector<128x16xi32>
    %eq3A_66 = arith.cmpi eq, %select_n3A_65, %iota3A_34 : vector<128x16xi32>
    %jit3A_67 = arith.constant 1.000000e+00 : f32
    %jit3A_68 = arith.constant 0.000000e+00 : f32
    %broadcast_in_dim3A_69 = vector.broadcast %jit3A_67 : f32 to vector<128x16xf32>
    %broadcast_in_dim3A_70 = vector.broadcast %jit3A_68 : f32 to vector<128x16xf32>
    %select_n3A_71 = arith.select %eq3A_66, %broadcast_in_dim3A_69, %broadcast_in_dim3A_70 : vector<128x16xi1>, vector<128x16xf32>
    %iota3A_72 = tpu.iota {dimensions = array<i32: 0>} : vector<16x16xi32>
    %iota3A_73 = tpu.iota {dimensions = array<i32: 1>} : vector<16x16xi32>
    %jit3A_74 = arith.constant 8 : i32
    %div3A_75 = vector.broadcast %jit3A_74 : i32 to vector<16x16xi32>
    %div3A_76 = arith.divsi %iota3A_72, %div3A_75 : vector<16x16xi32>
    %sign3A_77 = arith.constant 0 : i32
    %sign3A_78 = vector.broadcast %sign3A_77 : i32 to vector<16x16xi32>
    %sign3A_79 = arith.cmpi sgt, %iota3A_72, %sign3A_78 : vector<16x16xi32>
    %sign3A_80 = arith.extui %sign3A_79 : vector<16x16xi1> to vector<16x16xi32>
    %sign3A_81 = arith.constant 0 : i32
    %sign3A_82 = vector.broadcast %sign3A_81 : i32 to vector<16x16xi32>
    %sign3A_83 = arith.cmpi slt, %iota3A_72, %sign3A_82 : vector<16x16xi32>
    %sign3A_84 = arith.extui %sign3A_83 : vector<16x16xi1> to vector<16x16xi32>
    %sign3A_85 = arith.subi %sign3A_80, %sign3A_84 : vector<16x16xi32>
    %sign3A_86 = arith.constant 0 : i32
    %sign3A_87 = arith.cmpi sgt, %jit3A_74, %sign3A_86 : i32
    %sign3A_88 = arith.extui %sign3A_87 : i1 to i32
    %sign3A_89 = arith.constant 0 : i32
    %sign3A_90 = arith.cmpi slt, %jit3A_74, %sign3A_89 : i32
    %sign3A_91 = arith.extui %sign3A_90 : i1 to i32
    %sign3A_92 = arith.subi %sign3A_88, %sign3A_91 : i32
    %ne3A_93 = vector.broadcast %sign3A_92 : i32 to vector<16x16xi32>
    %ne3A_94 = arith.cmpi ne, %sign3A_85, %ne3A_93 : vector<16x16xi32>
    %rem3A_95 = vector.broadcast %jit3A_74 : i32 to vector<16x16xi32>
    %rem3A_96 = arith.remsi %iota3A_72, %rem3A_95 : vector<16x16xi32>
    %ne3A_97 = arith.constant 0 : i32
    %ne3A_98 = vector.broadcast %ne3A_97 : i32 to vector<16x16xi32>
    %ne3A_99 = arith.cmpi ne, %rem3A_96, %ne3A_98 : vector<16x16xi32>
    %and3A_100 = arith.andi %ne3A_94, %ne3A_99 : vector<16x16xi1>
    %sub3A_101 = arith.constant 1 : i32
    %sub3A_102 = vector.broadcast %sub3A_101 : i32 to vector<16x16xi32>
    %sub3A_103 = arith.subi %div3A_76, %sub3A_102 : vector<16x16xi32>
    %select_n3A_104 = arith.select %and3A_100, %sub3A_103, %div3A_76 : vector<16x16xi1>, vector<16x16xi32>
    %jit3A_105 = arith.constant 8 : i32
    %div3A_106 = vector.broadcast %jit3A_105 : i32 to vector<16x16xi32>
    %div3A_107 = arith.divsi %iota3A_73, %div3A_106 : vector<16x16xi32>
    %sign3A_108 = arith.constant 0 : i32
    %sign3A_109 = vector.broadcast %sign3A_108 : i32 to vector<16x16xi32>
    %sign3A_110 = arith.cmpi sgt, %iota3A_73, %sign3A_109 : vector<16x16xi32>
    %sign3A_111 = arith.extui %sign3A_110 : vector<16x16xi1> to vector<16x16xi32>
    %sign3A_112 = arith.constant 0 : i32
    %sign3A_113 = vector.broadcast %sign3A_112 : i32 to vector<16x16xi32>
    %sign3A_114 = arith.cmpi slt, %iota3A_73, %sign3A_113 : vector<16x16xi32>
    %sign3A_115 = arith.extui %sign3A_114 : vector<16x16xi1> to vector<16x16xi32>
    %sign3A_116 = arith.subi %sign3A_111, %sign3A_115 : vector<16x16xi32>
    %sign3A_117 = arith.constant 0 : i32
    %sign3A_118 = arith.cmpi sgt, %jit3A_105, %sign3A_117 : i32
    %sign3A_119 = arith.extui %sign3A_118 : i1 to i32
    %sign3A_120 = arith.constant 0 : i32
    %sign3A_121 = arith.cmpi slt, %jit3A_105, %sign3A_120 : i32
    %sign3A_122 = arith.extui %sign3A_121 : i1 to i32
    %sign3A_123 = arith.subi %sign3A_119, %sign3A_122 : i32
    %ne3A_124 = vector.broadcast %sign3A_123 : i32 to vector<16x16xi32>
    %ne3A_125 = arith.cmpi ne, %sign3A_116, %ne3A_124 : vector<16x16xi32>
    %rem3A_126 = vector.broadcast %jit3A_105 : i32 to vector<16x16xi32>
    %rem3A_127 = arith.remsi %iota3A_73, %rem3A_126 : vector<16x16xi32>
    %ne3A_128 = arith.constant 0 : i32
    %ne3A_129 = vector.broadcast %ne3A_128 : i32 to vector<16x16xi32>
    %ne3A_130 = arith.cmpi ne, %rem3A_127, %ne3A_129 : vector<16x16xi32>
    %and3A_131 = arith.andi %ne3A_125, %ne3A_130 : vector<16x16xi1>
    %sub3A_132 = arith.constant 1 : i32
    %sub3A_133 = vector.broadcast %sub3A_132 : i32 to vector<16x16xi32>
    %sub3A_134 = arith.subi %div3A_107, %sub3A_133 : vector<16x16xi32>
    %select_n3A_135 = arith.select %and3A_131, %sub3A_134, %div3A_107 : vector<16x16xi1>, vector<16x16xi32>
    %eq3A_136 = arith.cmpi eq, %select_n3A_104, %select_n3A_135 : vector<16x16xi32>
    %jit3A_137 = arith.constant 1.000000e+00 : f32
    %jit3A_138 = arith.constant 0.000000e+00 : f32
    %broadcast_in_dim3A_139 = vector.broadcast %jit3A_137 : f32 to vector<16x16xf32>
    %broadcast_in_dim3A_140 = vector.broadcast %jit3A_138 : f32 to vector<16x16xf32>
    %select_n3A_141 = arith.select %eq3A_136, %broadcast_in_dim3A_139, %broadcast_in_dim3A_140 : vector<16x16xi1>, vector<16x16xf32>
    %concatenate3A = tpu.concatenate %get3A_1, %get3A_1 in 1 : vector<1000x64xf32>, vector<1000x64xf32> -> vector<1000x128xf32>
    %broadcast_in_dim3A_142 = vector.shape_cast %concatenate3A : vector<1000x128xf32> to vector<1000x1x128xf32>
    %broadcast_in_dim3A_143 = vector.shape_cast %broadcast_in_dim3A_142 : vector<1000x1x128xf32> to vector<1000x1x128xf32>
    %broadcast_in_dim3A_144 = vector.broadcast %broadcast_in_dim3A_143 : vector<1000x1x128xf32> to vector<1000x8x128xf32>
    %reshape3A = vector.shape_cast %broadcast_in_dim3A_144 : vector<1000x8x128xf32> to vector<8000x128xf32>
    %mul3A = arith.mulf %get3A_4, %reshape3A : vector<8000x128xf32>
    %dot_general3A = arith.constant dense<0.000000e+00> : vector<8000x16xf32>
    %dot_general3A_145 = tpu.matmul %mul3A, %select_n3A_71, %dot_general3A {dimension_numbers = #tpu.dot_dimension_numbers<[1], [0], [0], [1], [0, 0, 1, 1], [], []>, transpose_lhs_hint = false} : vector<8000x128xf32>, vector<128x16xf32>, vector<8000x16xf32> -> vector<8000x16xf32>
    %exp3A = math.exp %dot_general3A_145 : vector<8000x16xf32>
    %dot_general3A_146 = arith.constant dense<0.000000e+00> : vector<8000x16xf32>
    %dot_general3A_147 = tpu.matmul %exp3A, %select_n3A_141, %dot_general3A_146 {dimension_numbers = #tpu.dot_dimension_numbers<[1], [0], [0], [1], [0, 0, 1, 1], [], []>, transpose_lhs_hint = false} : vector<8000x16xf32>, vector<16x16xf32>, vector<8000x16xf32> -> vector<8000x16xf32>
    %div3A_148 = arith.divf %exp3A, %dot_general3A_147 : vector<8000x16xf32>
    %transpose3A = tpu.transpose %select_n3A_71, [1, 0] : vector<128x16xf32> -> vector<16x128xf32>
    %dot_general3A_149 = arith.constant dense<0.000000e+00> : vector<8000x128xf32>
    %dot_general3A_150 = tpu.matmul %div3A_148, %transpose3A, %dot_general3A_149 {dimension_numbers = #tpu.dot_dimension_numbers<[1], [0], [0], [1], [0, 0, 1, 1], [], []>, transpose_lhs_hint = false} : vector<8000x16xf32>, vector<16x128xf32>, vector<8000x128xf32> -> vector<8000x128xf32>
    %mul3A_151 = arith.mulf %dot_general3A_150, %get3A_4 : vector<8000x128xf32>
    %reshape3A_152 = vector.shape_cast %mul3A_151 : vector<8000x128xf32> to vector<1000x8x128xf32>
    %reduce_sum3A = arith.constant dense<0.000000e+00> : vector<1000x128xf32>
    %reduce_sum3A_153 = vector.multi_reduction <add>, %reshape3A_152, %reduce_sum3A [1] : vector<1000x8x128xf32> to vector<1000x128xf32>
    %slice3A = vector.extract_strided_slice %reduce_sum3A_153 {offsets = [0, 0], sizes = [1000, 64], strides = [1, 1]} : vector<1000x128xf32> to vector<1000x64xf32>
    %slice3A_154 = vector.extract_strided_slice %reduce_sum3A_153 {offsets = [0, 64], sizes = [1000, 64], strides = [1, 1]} : vector<1000x128xf32> to vector<1000x64xf32>
    %add3A = arith.addf %slice3A, %slice3A_154 : vector<1000x64xf32>
    %add3A_155 = arith.addf %add3A, %get3A_1 : vector<1000x64xf32>
    %mul3A_156 = arith.mulf %add3A_155, %add3A_155 : vector<1000x64xf32>
    %dot_general3A_157 = arith.constant dense<0.000000e+00> : vector<1000x8xf32>
    %dot_general3A_158 = tpu.matmul %mul3A_156, %select_n3A_32, %dot_general3A_157 {dimension_numbers = #tpu.dot_dimension_numbers<[1], [0], [0], [1], [0, 0, 1, 1], [], []>, transpose_lhs_hint = false} : vector<1000x64xf32>, vector<64x8xf32>, vector<1000x8xf32> -> vector<1000x8xf32>
    %transpose3A_159 = tpu.transpose %select_n3A_32, [1, 0] : vector<64x8xf32> -> vector<8x64xf32>
    %dot_general3A_160 = arith.constant dense<0.000000e+00> : vector<1000x64xf32>
    %dot_general3A_161 = tpu.matmul %dot_general3A_158, %transpose3A_159, %dot_general3A_160 {dimension_numbers = #tpu.dot_dimension_numbers<[1], [0], [0], [1], [0, 0, 1, 1], [], []>, transpose_lhs_hint = false} : vector<1000x8xf32>, vector<8x64xf32>, vector<1000x64xf32> -> vector<1000x64xf32>
    %max3A = arith.constant 1.000000e-24 : f32
    %max3A_162 = vector.broadcast %max3A : f32 to vector<1000x64xf32>
    %max3A_163 = arith.maximumf %dot_general3A_161, %max3A_162 : vector<1000x64xf32>
    %rsqrt3A = math.rsqrt %max3A_163 : vector<1000x64xf32>
    %mul3A_164 = arith.mulf %add3A_155, %rsqrt3A : vector<1000x64xf32>
    %concatenate3A_165 = tpu.concatenate %mul3A_164, %mul3A_164 in 1 : vector<1000x64xf32>, vector<1000x64xf32> -> vector<1000x128xf32>
    %broadcast_in_dim3A_166 = vector.shape_cast %concatenate3A_165 : vector<1000x128xf32> to vector<1000x1x128xf32>
    %broadcast_in_dim3A_167 = vector.shape_cast %broadcast_in_dim3A_166 : vector<1000x1x128xf32> to vector<1000x1x128xf32>
    %broadcast_in_dim3A_168 = vector.broadcast %broadcast_in_dim3A_167 : vector<1000x1x128xf32> to vector<1000x8x128xf32>
    %reshape3A_169 = vector.shape_cast %broadcast_in_dim3A_168 : vector<1000x8x128xf32> to vector<8000x128xf32>
    %mul3A_170 = arith.mulf %get3A_4, %reshape3A_169 : vector<8000x128xf32>
    %dot_general3A_171 = arith.constant dense<0.000000e+00> : vector<8000x16xf32>
    %dot_general3A_172 = tpu.matmul %mul3A_170, %select_n3A_71, %dot_general3A_171 {dimension_numbers = #tpu.dot_dimension_numbers<[1], [0], [0], [1], [0, 0, 1, 1], [], []>, transpose_lhs_hint = false} : vector<8000x128xf32>, vector<128x16xf32>, vector<8000x16xf32> -> vector<8000x16xf32>
    %exp3A_173 = math.exp %dot_general3A_172 : vector<8000x16xf32>
    %dot_general3A_174 = arith.constant dense<0.000000e+00> : vector<8000x16xf32>
    %dot_general3A_175 = tpu.matmul %exp3A_173, %select_n3A_141, %dot_general3A_174 {dimension_numbers = #tpu.dot_dimension_numbers<[1], [0], [0], [1], [0, 0, 1, 1], [], []>, transpose_lhs_hint = false} : vector<8000x16xf32>, vector<16x16xf32>, vector<8000x16xf32> -> vector<8000x16xf32>
    %div3A_176 = arith.divf %exp3A_173, %dot_general3A_175 : vector<8000x16xf32>
    %transpose3A_177 = tpu.transpose %select_n3A_71, [1, 0] : vector<128x16xf32> -> vector<16x128xf32>
    %dot_general3A_178 = arith.constant dense<0.000000e+00> : vector<8000x128xf32>
    %dot_general3A_179 = tpu.matmul %div3A_176, %transpose3A_177, %dot_general3A_178 {dimension_numbers = #tpu.dot_dimension_numbers<[1], [0], [0], [1], [0, 0, 1, 1], [], []>, transpose_lhs_hint = false} : vector<8000x16xf32>, vector<16x128xf32>, vector<8000x128xf32> -> vector<8000x128xf32>
    %mul3A_180 = arith.mulf %dot_general3A_179, %get3A_4 : vector<8000x128xf32>
    %reshape3A_181 = vector.shape_cast %mul3A_180 : vector<8000x128xf32> to vector<1000x8x128xf32>
    %reduce_sum3A_182 = arith.constant dense<0.000000e+00> : vector<1000x128xf32>
    %reduce_sum3A_183 = vector.multi_reduction <add>, %reshape3A_181, %reduce_sum3A_182 [1] : vector<1000x8x128xf32> to vector<1000x128xf32>
    %slice3A_184 = vector.extract_strided_slice %reduce_sum3A_183 {offsets = [0, 0], sizes = [1000, 64], strides = [1, 1]} : vector<1000x128xf32> to vector<1000x64xf32>
    %slice3A_185 = vector.extract_strided_slice %reduce_sum3A_183 {offsets = [0, 64], sizes = [1000, 64], strides = [1, 1]} : vector<1000x128xf32> to vector<1000x64xf32>
    %add3A_186 = arith.addf %slice3A_184, %slice3A_185 : vector<1000x64xf32>
    %add3A_187 = arith.addf %add3A_186, %get3A_1 : vector<1000x64xf32>
    %swap3A = arith.constant 0 : index
    %swap3A_188 = arith.constant 0 : index
    %swap3A_189 = vector.load %arg4[%swap3A, %swap3A_188] : memref<1000x64xf32, #tpu.memory_space<vmem>>, vector<1000x64xf32>
    tpu.vector_store %arg4[%swap3A, %swap3A_188], %add3A_187 {strides = array<i32>} : memref<1000x64xf32, #tpu.memory_space<vmem>>, vector<1000x64xf32>,
    return
  }
  func.func @transform_0(%arg0: i32) -> (i32, i32) {
    %add3A = arith.constant 10 : i32
    %add3A_0 = arith.addi %arg0, %add3A : i32
    %c0_i32 = arith.constant 0 : i32
    %c0_i32_1 = arith.constant 0 : i32
    return %add3A_0, %c0_i32 : i32, i32
  }
  func.func @transform_1(%arg0: i32) -> (i32, i32) {
    %c0_i32 = arith.constant 0 : i32
    %c0_i32_0 = arith.constant 0 : i32
    return %arg0, %c0_i32 : i32, i32
  }
  func.func @transform_2(%arg0: i32) -> (i32, i32) {
    %add3A = arith.constant 10 : i32
    %add3A_0 = arith.addi %arg0, %add3A : i32
    %c0_i32 = arith.constant 0 : i32
    %c0_i32_1 = arith.constant 0 : i32
    return %add3A_0, %c0_i32 : i32, i32
  }
  func.func @transform_3(%arg0: i32) -> (i32, i32) {
    %add3A = arith.constant 10 : i32
    %add3A_0 = arith.addi %arg0, %add3A : i32
    %c0_i32 = arith.constant 0 : i32
    %c0_i32_1 = arith.constant 0 : i32
    return %add3A_0, %c0_i32 : i32, i32
  }
}

module attributes {stable_mosaic.version = 14 : i64} {
  func.func @_route_body(%arg0: i32, %arg1: memref<1000x64xf32, #tpu.memory_space<vmem>>, %arg2: memref<8000x128xf32, #tpu.memory_space<vmem>>, %arg3: memref<1000x64xf32, #tpu.memory_space<vmem>>, %arg4: memref<1000x64xf32, #tpu.memory_space<vmem>>) attributes {dimension_semantics = [#tpu.dimension_semantics<arbitrary>], iteration_bounds = array<i64: 10>, scalar_prefetch = 0 : i64, scratch_operands = 0 : i64, tpu.core_type = #tpu.core_type<tc>, window_params = [{transform_indices = @transform_0, window_bounds = array<i64: 1000, 64>}, {transform_indices = @transform_1, window_bounds = array<i64: 8000, 128>}, {transform_indices = @transform_2, window_bounds = array<i64: 1000, 64>}, {transform_indices = @transform_3, window_bounds = array<i64: 1000, 64>}]} {
    %get3A = arith.constant 0 : index
    %get3A_0 = arith.constant 0 : index
    %get3A_1 = vector.load %arg1[%get3A, %get3A_0] : memref<1000x64xf32, #tpu.memory_space<vmem>>, vector<1000x64xf32>
    %get3A_2 = arith.constant 0 : index
    %get3A_3 = arith.constant 0 : index
    %get3A_4 = vector.load %arg2[%get3A_2, %get3A_3] : memref<8000x128xf32, #tpu.memory_space<vmem>>, vector<8000x128xf32>
    %iota3A = tpu.iota {dimensions = array<i32: 0>} : vector<64x8xi32>
    %iota3A_5 = tpu.iota {dimensions = array<i32: 1>} : vector<64x8xi32>
    %jit3A = arith.constant 8 : i32
    %div3A = vector.broadcast %jit3A : i32 to vector<64x8xi32>
    %div3A_6 = arith.divsi %iota3A, %div3A : vector<64x8xi32>
    %sign3A = arith.constant 0 : i32
    %sign3A_7 = vector.broadcast %sign3A : i32 to vector<64x8xi32>
    %sign3A_8 = arith.cmpi sgt, %iota3A, %sign3A_7 : vector<64x8xi32>
    %sign3A_9 = arith.extui %sign3A_8 : vector<64x8xi1> to vector<64x8xi32>
    %sign3A_10 = arith.constant 0 : i32
    %sign3A_11 = vector.broadcast %sign3A_10 : i32 to vector<64x8xi32>
    %sign3A_12 = arith.cmpi slt, %iota3A, %sign3A_11 : vector<64x8xi32>
    %sign3A_13 = arith.extui %sign3A_12 : vector<64x8xi1> to vector<64x8xi32>
    %sign3A_14 = arith.subi %sign3A_9, %sign3A_13 : vector<64x8xi32>
    %sign3A_15 = arith.constant 0 : i32
    %sign3A_16 = arith.cmpi sgt, %jit3A, %sign3A_15 : i32
    %sign3A_17 = arith.extui %sign3A_16 : i1 to i32
    %sign3A_18 = arith.constant 0 : i32
    %sign3A_19 = arith.cmpi slt, %jit3A, %sign3A_18 : i32
    %sign3A_20 = arith.extui %sign3A_19 : i1 to i32
    %sign3A_21 = arith.subi %sign3A_17, %sign3A_20 : i32
    %ne3A = vector.broadcast %sign3A_21 : i32 to vector<64x8xi32>
    %ne3A_22 = arith.cmpi ne, %sign3A_14, %ne3A : vector<64x8xi32>
    %rem3A = vector.broadcast %jit3A : i32 to vector<64x8xi32>
    %rem3A_23 = arith.remsi %iota3A, %rem3A : vector<64x8xi32>
    %ne3A_24 = arith.constant 0 : i32
    %ne3A_25 = vector.broadcast %ne3A_24 : i32 to vector<64x8xi32>
    %ne3A_26 = arith.cmpi ne, %rem3A_23, %ne3A_25 : vector<64x8xi32>
    %and3A = arith.andi %ne3A_22, %ne3A_26 : vector<64x8xi1>
    %sub3A = arith.constant 1 : i32
    %sub3A_27 = vector.broadcast %sub3A : i32 to vector<64x8xi32>
    %sub3A_28 = arith.subi %div3A_6, %sub3A_27 : vector<64x8xi32>
    %select_n3A = arith.select %and3A, %sub3A_28, %div3A_6 : vector<64x8xi1>, vector<64x8xi32>
    %eq3A = arith.cmpi eq, %select_n3A, %iota3A_5 : vector<64x8xi32>
    %jit3A_29 = arith.constant 1.000000e+00 : f32
    %jit3A_30 = arith.constant 0.000000e+00 : f32
    %broadcast_in_dim3A = vector.broadcast %jit3A_29 : f32 to vector<64x8xf32>
    %broadcast_in_dim3A_31 = vector.broadcast %jit3A_30 : f32 to vector<64x8xf32>
    %select_n3A_32 = arith.select %eq3A, %broadcast_in_dim3A, %broadcast_in_dim3A_31 : vector<64x8xi1>, vector<64x8xf32>
    %iota3A_33 = tpu.iota {dimensions = array<i32: 0>} : vector<128x16xi32>
    %iota3A_34 = tpu.iota {dimensions = array<i32: 1>} : vector<128x16xi32>
    %jit3A_35 = arith.constant 8 : i32
    %div3A_36 = vector.broadcast %jit3A_35 : i32 to vector<128x16xi32>
    %div3A_37 = arith.divsi %iota3A_33, %div3A_36 : vector<128x16xi32>
    %sign3A_38 = arith.constant 0 : i32
    %sign3A_39 = vector.broadcast %sign3A_38 : i32 to vector<128x16xi32>
    %sign3A_40 = arith.cmpi sgt, %iota3A_33, %sign3A_39 : vector<128x16xi32>
    %sign3A_41 = arith.extui %sign3A_40 : vector<128x16xi1> to vector<128x16xi32>
    %sign3A_42 = arith.constant 0 : i32
    %sign3A_43 = vector.broadcast %sign3A_42 : i32 to vector<128x16xi32>
    %sign3A_44 = arith.cmpi slt, %iota3A_33, %sign3A_43 : vector<128x16xi32>
    %sign3A_45 = arith.extui %sign3A_44 : vector<128x16xi1> to vector<128x16xi32>
    %sign3A_46 = arith.subi %sign3A_41, %sign3A_45 : vector<128x16xi32>
    %sign3A_47 = arith.constant 0 : i32
    %sign3A_48 = arith.cmpi sgt, %jit3A_35, %sign3A_47 : i32
    %sign3A_49 = arith.extui %sign3A_48 : i1 to i32
    %sign3A_50 = arith.constant 0 : i32
    %sign3A_51 = arith.cmpi slt, %jit3A_35, %sign3A_50 : i32
    %sign3A_52 = arith.extui %sign3A_51 : i1 to i32
    %sign3A_53 = arith.subi %sign3A_49, %sign3A_52 : i32
    %ne3A_54 = vector.broadcast %sign3A_53 : i32 to vector<128x16xi32>
    %ne3A_55 = arith.cmpi ne, %sign3A_46, %ne3A_54 : vector<128x16xi32>
    %rem3A_56 = vector.broadcast %jit3A_35 : i32 to vector<128x16xi32>
    %rem3A_57 = arith.remsi %iota3A_33, %rem3A_56 : vector<128x16xi32>
    %ne3A_58 = arith.constant 0 : i32
    %ne3A_59 = vector.broadcast %ne3A_58 : i32 to vector<128x16xi32>
    %ne3A_60 = arith.cmpi ne, %rem3A_57, %ne3A_59 : vector<128x16xi32>
    %and3A_61 = arith.andi %ne3A_55, %ne3A_60 : vector<128x16xi1>
    %sub3A_62 = arith.constant 1 : i32
    %sub3A_63 = vector.broadcast %sub3A_62 : i32 to vector<128x16xi32>
    %sub3A_64 = arith.subi %div3A_37, %sub3A_63 : vector<128x16xi32>
    %select_n3A_65 = arith.select %and3A_61, %sub3A_64, %div3A_37 : vector<128x16xi1>, vector<128x16xi32>
    %eq3A_66 = arith.cmpi eq, %select_n3A_65, %iota3A_34 : vector<128x16xi32>
    %jit3A_67 = arith.constant 1.000000e+00 : f32
    %jit3A_68 = arith.constant 0.000000e+00 : f32
    %broadcast_in_dim3A_69 = vector.broadcast %jit3A_67 : f32 to vector<128x16xf32>
    %broadcast_in_dim3A_70 = vector.broadcast %jit3A_68 : f32 to vector<128x16xf32>
    %select_n3A_71 = arith.select %eq3A_66, %broadcast_in_dim3A_69, %broadcast_in_dim3A_70 : vector<128x16xi1>, vector<128x16xf32>
    %iota3A_72 = tpu.iota {dimensions = array<i32: 0>} : vector<16x16xi32>
    %iota3A_73 = tpu.iota {dimensions = array<i32: 1>} : vector<16x16xi32>
    %jit3A_74 = arith.constant 8 : i32
    %div3A_75 = vector.broadcast %jit3A_74 : i32 to vector<16x16xi32>
    %div3A_76 = arith.divsi %iota3A_72, %div3A_75 : vector<16x16xi32>
    %sign3A_77 = arith.constant 0 : i32
    %sign3A_78 = vector.broadcast %sign3A_77 : i32 to vector<16x16xi32>
    %sign3A_79 = arith.cmpi sgt, %iota3A_72, %sign3A_78 : vector<16x16xi32>
    %sign3A_80 = arith.extui %sign3A_79 : vector<16x16xi1> to vector<16x16xi32>
    %sign3A_81 = arith.constant 0 : i32
    %sign3A_82 = vector.broadcast %sign3A_81 : i32 to vector<16x16xi32>
    %sign3A_83 = arith.cmpi slt, %iota3A_72, %sign3A_82 : vector<16x16xi32>
    %sign3A_84 = arith.extui %sign3A_83 : vector<16x16xi1> to vector<16x16xi32>
    %sign3A_85 = arith.subi %sign3A_80, %sign3A_84 : vector<16x16xi32>
    %sign3A_86 = arith.constant 0 : i32
    %sign3A_87 = arith.cmpi sgt, %jit3A_74, %sign3A_86 : i32
    %sign3A_88 = arith.extui %sign3A_87 : i1 to i32
    %sign3A_89 = arith.constant 0 : i32
    %sign3A_90 = arith.cmpi slt, %jit3A_74, %sign3A_89 : i32
    %sign3A_91 = arith.extui %sign3A_90 : i1 to i32
    %sign3A_92 = arith.subi %sign3A_88, %sign3A_91 : i32
    %ne3A_93 = vector.broadcast %sign3A_92 : i32 to vector<16x16xi32>
    %ne3A_94 = arith.cmpi ne, %sign3A_85, %ne3A_93 : vector<16x16xi32>
    %rem3A_95 = vector.broadcast %jit3A_74 : i32 to vector<16x16xi32>
    %rem3A_96 = arith.remsi %iota3A_72, %rem3A_95 : vector<16x16xi32>
    %ne3A_97 = arith.constant 0 : i32
    %ne3A_98 = vector.broadcast %ne3A_97 : i32 to vector<16x16xi32>
    %ne3A_99 = arith.cmpi ne, %rem3A_96, %ne3A_98 : vector<16x16xi32>
    %and3A_100 = arith.andi %ne3A_94, %ne3A_99 : vector<16x16xi1>
    %sub3A_101 = arith.constant 1 : i32
    %sub3A_102 = vector.broadcast %sub3A_101 : i32 to vector<16x16xi32>
    %sub3A_103 = arith.subi %div3A_76, %sub3A_102 : vector<16x16xi32>
    %select_n3A_104 = arith.select %and3A_100, %sub3A_103, %div3A_76 : vector<16x16xi1>, vector<16x16xi32>
    %jit3A_105 = arith.constant 8 : i32
    %div3A_106 = vector.broadcast %jit3A_105 : i32 to vector<16x16xi32>
    %div3A_107 = arith.divsi %iota3A_73, %div3A_106 : vector<16x16xi32>
    %sign3A_108 = arith.constant 0 : i32
    %sign3A_109 = vector.broadcast %sign3A_108 : i32 to vector<16x16xi32>
    %sign3A_110 = arith.cmpi sgt, %iota3A_73, %sign3A_109 : vector<16x16xi32>
    %sign3A_111 = arith.extui %sign3A_110 : vector<16x16xi1> to vector<16x16xi32>
    %sign3A_112 = arith.constant 0 : i32
    %sign3A_113 = vector.broadcast %sign3A_112 : i32 to vector<16x16xi32>
    %sign3A_114 = arith.cmpi slt, %iota3A_73, %sign3A_113 : vector<16x16xi32>
    %sign3A_115 = arith.extui %sign3A_114 : vector<16x16xi1> to vector<16x16xi32>
    %sign3A_116 = arith.subi %sign3A_111, %sign3A_115 : vector<16x16xi32>
    %sign3A_117 = arith.constant 0 : i32
    %sign3A_118 = arith.cmpi sgt, %jit3A_105, %sign3A_117 : i32
    %sign3A_119 = arith.extui %sign3A_118 : i1 to i32
    %sign3A_120 = arith.constant 0 : i32
    %sign3A_121 = arith.cmpi slt, %jit3A_105, %sign3A_120 : i32
    %sign3A_122 = arith.extui %sign3A_121 : i1 to i32
    %sign3A_123 = arith.subi %sign3A_119, %sign3A_122 : i32
    %ne3A_124 = vector.broadcast %sign3A_123 : i32 to vector<16x16xi32>
    %ne3A_125 = arith.cmpi ne, %sign3A_116, %ne3A_124 : vector<16x16xi32>
    %rem3A_126 = vector.broadcast %jit3A_105 : i32 to vector<16x16xi32>
    %rem3A_127 = arith.remsi %iota3A_73, %rem3A_126 : vector<16x16xi32>
    %ne3A_128 = arith.constant 0 : i32
    %ne3A_129 = vector.broadcast %ne3A_128 : i32 to vector<16x16xi32>
    %ne3A_130 = arith.cmpi ne, %rem3A_127, %ne3A_129 : vector<16x16xi32>
    %and3A_131 = arith.andi %ne3A_125, %ne3A_130 : vector<16x16xi1>
    %sub3A_132 = arith.constant 1 : i32
    %sub3A_133 = vector.broadcast %sub3A_132 : i32 to vector<16x16xi32>
    %sub3A_134 = arith.subi %div3A_107, %sub3A_133 : vector<16x16xi32>
    %select_n3A_135 = arith.select %and3A_131, %sub3A_134, %div3A_107 : vector<16x16xi1>, vector<16x16xi32>
    %eq3A_136 = arith.cmpi eq, %select_n3A_104, %select_n3A_135 : vector<16x16xi32>
    %jit3A_137 = arith.constant 1.000000e+00 : f32
    %jit3A_138 = arith.constant 0.000000e+00 : f32
    %broadcast_in_dim3A_139 = vector.broadcast %jit3A_137 : f32 to vector<16x16xf32>
    %broadcast_in_dim3A_140 = vector.broadcast %jit3A_138 : f32 to vector<16x16xf32>
    %select_n3A_141 = arith.select %eq3A_136, %broadcast_in_dim3A_139, %broadcast_in_dim3A_140 : vector<16x16xi1>, vector<16x16xf32>
    %concatenate3A = tpu.concatenate %get3A_1, %get3A_1 in 1 : vector<1000x64xf32>, vector<1000x64xf32> -> vector<1000x128xf32>
    %broadcast_in_dim3A_142 = vector.shape_cast %concatenate3A : vector<1000x128xf32> to vector<1000x1x128xf32>
    %broadcast_in_dim3A_143 = vector.shape_cast %broadcast_in_dim3A_142 : vector<1000x1x128xf32> to vector<1000x1x128xf32>
    %broadcast_in_dim3A_144 = vector.broadcast %broadcast_in_dim3A_143 : vector<1000x1x128xf32> to vector<1000x8x128xf32>
    %reshape3A = vector.shape_cast %broadcast_in_dim3A_144 : vector<1000x8x128xf32> to vector<8000x128xf32>
    %mul3A = arith.mulf %get3A_4, %reshape3A : vector<8000x128xf32>
    %dot_general3A = arith.constant dense<0.000000e+00> : vector<8000x16xf32>
    %dot_general3A_145 = tpu.matmul %mul3A, %select_n3A_71, %dot_general3A {dimension_numbers = #tpu.dot_dimension_numbers<[1], [0], [0], [1], [0, 0, 1, 1], [], []>, transpose_lhs_hint = false} : vector<8000x128xf32>, vector<128x16xf32>, vector<8000x16xf32> -> vector<8000x16xf32>
    %exp3A = math.exp %dot_general3A_145 : vector<8000x16xf32>
    %dot_general3A_146 = arith.constant dense<0.000000e+00> : vector<8000x16xf32>
    %dot_general3A_147 = tpu.matmul %exp3A, %select_n3A_141, %dot_general3A_146 {dimension_numbers = #tpu.dot_dimension_numbers<[1], [0], [0], [1], [0, 0, 1, 1], [], []>, transpose_lhs_hint = false} : vector<8000x16xf32>, vector<16x16xf32>, vector<8000x16xf32> -> vector<8000x16xf32>
    %div3A_148 = arith.divf %exp3A, %dot_general3A_147 : vector<8000x16xf32>
    %transpose3A = tpu.transpose %select_n3A_71, [1, 0] : vector<128x16xf32> -> vector<16x128xf32>
    %dot_general3A_149 = arith.constant dense<0.000000e+00> : vector<8000x128xf32>
    %dot_general3A_150 = tpu.matmul %div3A_148, %transpose3A, %dot_general3A_149 {dimension_numbers = #tpu.dot_dimension_numbers<[1], [0], [0], [1], [0, 0, 1, 1], [], []>, transpose_lhs_hint = false} : vector<8000x16xf32>, vector<16x128xf32>, vector<8000x128xf32> -> vector<8000x128xf32>
    %mul3A_151 = arith.mulf %dot_general3A_150, %get3A_4 : vector<8000x128xf32>
    %reshape3A_152 = vector.shape_cast %mul3A_151 : vector<8000x128xf32> to vector<1000x8x128xf32>
    %reduce_sum3A = arith.constant dense<0.000000e+00> : vector<1000x128xf32>
    %reduce_sum3A_153 = vector.multi_reduction <add>, %reshape3A_152, %reduce_sum3A [1] : vector<1000x8x128xf32> to vector<1000x128xf32>
    %slice3A = vector.extract_strided_slice %reduce_sum3A_153 {offsets = [0, 0], sizes = [1000, 64], strides = [1, 1]} : vector<1000x128xf32> to vector<1000x64xf32>
    %slice3A_154 = vector.extract_strided_slice %reduce_sum3A_153 {offsets = [0, 64], sizes = [1000, 64], strides = [1, 1]} : vector<1000x128xf32> to vector<1000x64xf32>
    %add3A = arith.addf %slice3A, %slice3A_154 : vector<1000x64xf32>
    %add3A_155 = arith.addf %add3A, %get3A_1 : vector<1000x64xf32>
    %mul3A_156 = arith.mulf %add3A_155, %add3A_155 : vector<1000x64xf32>
    %dot_general3A_157 = arith.constant dense<0.000000e+00> : vector<1000x8xf32>
    %dot_general3A_158 = tpu.matmul %mul3A_156, %select_n3A_32, %dot_general3A_157 {dimension_numbers = #tpu.dot_dimension_numbers<[1], [0], [0], [1], [0, 0, 1, 1], [], []>, transpose_lhs_hint = false} : vector<1000x64xf32>, vector<64x8xf32>, vector<1000x8xf32> -> vector<1000x8xf32>
    %transpose3A_159 = tpu.transpose %select_n3A_32, [1, 0] : vector<64x8xf32> -> vector<8x64xf32>
    %dot_general3A_160 = arith.constant dense<0.000000e+00> : vector<1000x64xf32>
    %dot_general3A_161 = tpu.matmul %dot_general3A_158, %transpose3A_159, %dot_general3A_160 {dimension_numbers = #tpu.dot_dimension_numbers<[1], [0], [0], [1], [0, 0, 1, 1], [], []>, transpose_lhs_hint = false} : vector<1000x8xf32>, vector<8x64xf32>, vector<1000x64xf32> -> vector<1000x64xf32>
    %max3A = arith.constant 1.000000e-24 : f32
    %max3A_162 = vector.broadcast %max3A : f32 to vector<1000x64xf32>
    %max3A_163 = arith.maximumf %dot_general3A_161, %max3A_162 : vector<1000x64xf32>
    %rsqrt3A = math.rsqrt %max3A_163 : vector<1000x64xf32>
    %mul3A_164 = arith.mulf %add3A_155, %rsqrt3A : vector<1000x64xf32>
    %concatenate3A_165 = tpu.concatenate %mul3A_164, %mul3A_164 in 1 : vector<1000x64xf32>, vector<1000x64xf32> -> vector<1000x128xf32>
    %broadcast_in_dim3A_166 = vector.shape_cast %concatenate3A_165 : vector<1000x128xf32> to vector<1000x1x128xf32>
    %broadcast_in_dim3A_167 = vector.shape_cast %broadcast_in_dim3A_166 : vector<1000x1x128xf32> to vector<1000x1x128xf32>
    %broadcast_in_dim3A_168 = vector.broadcast %broadcast_in_dim3A_167 : vector<1000x1x128xf32> to vector<1000x8x128xf32>
    %reshape3A_169 = vector.shape_cast %broadcast_in_dim3A_168 : vector<1000x8x128xf32> to vector<8000x128xf32>
    %mul3A_170 = arith.mulf %get3A_4, %reshape3A_169 : vector<8000x128xf32>
    %dot_general3A_171 = arith.constant dense<0.000000e+00> : vector<8000x16xf32>
    %dot_general3A_172 = tpu.matmul %mul3A_170, %select_n3A_71, %dot_general3A_171 {dimension_numbers = #tpu.dot_dimension_numbers<[1], [0], [0], [1], [0, 0, 1, 1], [], []>, transpose_lhs_hint = false} : vector<8000x128xf32>, vector<128x16xf32>, vector<8000x16xf32> -> vector<8000x16xf32>
    %exp3A_173 = math.exp %dot_general3A_172 : vector<8000x16xf32>
    %dot_general3A_174 = arith.constant dense<0.000000e+00> : vector<8000x16xf32>
    %dot_general3A_175 = tpu.matmul %exp3A_173, %select_n3A_141, %dot_general3A_174 {dimension_numbers = #tpu.dot_dimension_numbers<[1], [0], [0], [1], [0, 0, 1, 1], [], []>, transpose_lhs_hint = false} : vector<8000x16xf32>, vector<16x16xf32>, vector<8000x16xf32> -> vector<8000x16xf32>
    %div3A_176 = arith.divf %exp3A_173, %dot_general3A_175 : vector<8000x16xf32>
    %transpose3A_177 = tpu.transpose %select_n3A_71, [1, 0] : vector<128x16xf32> -> vector<16x128xf32>
    %dot_general3A_178 = arith.constant dense<0.000000e+00> : vector<8000x128xf32>
    %dot_general3A_179 = tpu.matmul %div3A_176, %transpose3A_177, %dot_general3A_178 {dimension_numbers = #tpu.dot_dimension_numbers<[1], [0], [0], [1], [0, 0, 1, 1], [], []>, transpose_lhs_hint = false} : vector<8000x16xf32>, vector<16x128xf32>, vector<8000x128xf32> -> vector<8000x128xf32>
    %mul3A_180 = arith.mulf %dot_general3A_179, %get3A_4 : vector<8000x128xf32>
    %reshape3A_181 = vector.shape_cast %mul3A_180 : vector<8000x128xf32> to vector<1000x8x128xf32>
    %reduce_sum3A_182 = arith.constant dense<0.000000e+00> : vector<1000x128xf32>
    %reduce_sum3A_183 = vector.multi_reduction <add>, %reshape3A_181, %reduce_sum3A_182 [1] : vector<1000x8x128xf32> to vector<1000x128xf32>
    %slice3A_184 = vector.extract_strided_slice %reduce_sum3A_183 {offsets = [0, 0], sizes = [1000, 64], strides = [1, 1]} : vector<1000x128xf32> to vector<1000x64xf32>
    %slice3A_185 = vector.extract_strided_slice %reduce_sum3A_183 {offsets = [0, 64], sizes = [1000, 64], strides = [1, 1]} : vector<1000x128xf32> to vector<1000x64xf32>
    %add3A_186 = arith.addf %slice3A_184, %slice3A_185 : vector<1000x64xf32>
    %add3A_187 = arith.addf %add3A_186, %get3A_1 : vector<1000x64xf32>
    %swap3A = arith.constant 0 : index
    %swap3A_188 = arith.constant 0 : index
    %swap3A_189 = vector.load %arg4[%swap3A, %swap3A_188] : memref<1000x64xf32, #tpu.memory_space<vmem>>, vector<1000x64xf32>
    tpu.vector_store %arg4[%swap3A, %swap3A_188], %add3A_187 {strides = array<i32>} : memref<1000x64xf32, #tpu.memory_space<vmem>>, vector<1000x64xf32>,
    return
  }
  func.func @transform_0(%arg0: i32) -> (i32, i32) {
    %add3A = arith.constant 20 : i32
    %add3A_0 = arith.addi %arg0, %add3A : i32
    %c0_i32 = arith.constant 0 : i32
    %c0_i32_1 = arith.constant 0 : i32
    return %add3A_0, %c0_i32 : i32, i32
  }
  func.func @transform_1(%arg0: i32) -> (i32, i32) {
    %c0_i32 = arith.constant 0 : i32
    %c0_i32_0 = arith.constant 0 : i32
    return %arg0, %c0_i32 : i32, i32
  }
  func.func @transform_2(%arg0: i32) -> (i32, i32) {
    %add3A = arith.constant 20 : i32
    %add3A_0 = arith.addi %arg0, %add3A : i32
    %c0_i32 = arith.constant 0 : i32
    %c0_i32_1 = arith.constant 0 : i32
    return %add3A_0, %c0_i32 : i32, i32
  }
  func.func @transform_3(%arg0: i32) -> (i32, i32) {
    %add3A = arith.constant 20 : i32
    %add3A_0 = arith.addi %arg0, %add3A : i32
    %c0_i32 = arith.constant 0 : i32
    %c0_i32_1 = arith.constant 0 : i32
    return %add3A_0, %c0_i32 : i32, i32
  }
}

module attributes {stable_mosaic.version = 14 : i64} {
  func.func @_route_body(%arg0: i32, %arg1: memref<1000x64xf32, #tpu.memory_space<vmem>>, %arg2: memref<8000x128xf32, #tpu.memory_space<vmem>>, %arg3: memref<1000x64xf32, #tpu.memory_space<vmem>>, %arg4: memref<1000x64xf32, #tpu.memory_space<vmem>>) attributes {dimension_semantics = [#tpu.dimension_semantics<arbitrary>], iteration_bounds = array<i64: 10>, scalar_prefetch = 0 : i64, scratch_operands = 0 : i64, tpu.core_type = #tpu.core_type<tc>, window_params = [{transform_indices = @transform_0, window_bounds = array<i64: 1000, 64>}, {transform_indices = @transform_1, window_bounds = array<i64: 8000, 128>}, {transform_indices = @transform_2, window_bounds = array<i64: 1000, 64>}, {transform_indices = @transform_3, window_bounds = array<i64: 1000, 64>}]} {
    %get3A = arith.constant 0 : index
    %get3A_0 = arith.constant 0 : index
    %get3A_1 = vector.load %arg1[%get3A, %get3A_0] : memref<1000x64xf32, #tpu.memory_space<vmem>>, vector<1000x64xf32>
    %get3A_2 = arith.constant 0 : index
    %get3A_3 = arith.constant 0 : index
    %get3A_4 = vector.load %arg2[%get3A_2, %get3A_3] : memref<8000x128xf32, #tpu.memory_space<vmem>>, vector<8000x128xf32>
    %iota3A = tpu.iota {dimensions = array<i32: 0>} : vector<64x8xi32>
    %iota3A_5 = tpu.iota {dimensions = array<i32: 1>} : vector<64x8xi32>
    %jit3A = arith.constant 8 : i32
    %div3A = vector.broadcast %jit3A : i32 to vector<64x8xi32>
    %div3A_6 = arith.divsi %iota3A, %div3A : vector<64x8xi32>
    %sign3A = arith.constant 0 : i32
    %sign3A_7 = vector.broadcast %sign3A : i32 to vector<64x8xi32>
    %sign3A_8 = arith.cmpi sgt, %iota3A, %sign3A_7 : vector<64x8xi32>
    %sign3A_9 = arith.extui %sign3A_8 : vector<64x8xi1> to vector<64x8xi32>
    %sign3A_10 = arith.constant 0 : i32
    %sign3A_11 = vector.broadcast %sign3A_10 : i32 to vector<64x8xi32>
    %sign3A_12 = arith.cmpi slt, %iota3A, %sign3A_11 : vector<64x8xi32>
    %sign3A_13 = arith.extui %sign3A_12 : vector<64x8xi1> to vector<64x8xi32>
    %sign3A_14 = arith.subi %sign3A_9, %sign3A_13 : vector<64x8xi32>
    %sign3A_15 = arith.constant 0 : i32
    %sign3A_16 = arith.cmpi sgt, %jit3A, %sign3A_15 : i32
    %sign3A_17 = arith.extui %sign3A_16 : i1 to i32
    %sign3A_18 = arith.constant 0 : i32
    %sign3A_19 = arith.cmpi slt, %jit3A, %sign3A_18 : i32
    %sign3A_20 = arith.extui %sign3A_19 : i1 to i32
    %sign3A_21 = arith.subi %sign3A_17, %sign3A_20 : i32
    %ne3A = vector.broadcast %sign3A_21 : i32 to vector<64x8xi32>
    %ne3A_22 = arith.cmpi ne, %sign3A_14, %ne3A : vector<64x8xi32>
    %rem3A = vector.broadcast %jit3A : i32 to vector<64x8xi32>
    %rem3A_23 = arith.remsi %iota3A, %rem3A : vector<64x8xi32>
    %ne3A_24 = arith.constant 0 : i32
    %ne3A_25 = vector.broadcast %ne3A_24 : i32 to vector<64x8xi32>
    %ne3A_26 = arith.cmpi ne, %rem3A_23, %ne3A_25 : vector<64x8xi32>
    %and3A = arith.andi %ne3A_22, %ne3A_26 : vector<64x8xi1>
    %sub3A = arith.constant 1 : i32
    %sub3A_27 = vector.broadcast %sub3A : i32 to vector<64x8xi32>
    %sub3A_28 = arith.subi %div3A_6, %sub3A_27 : vector<64x8xi32>
    %select_n3A = arith.select %and3A, %sub3A_28, %div3A_6 : vector<64x8xi1>, vector<64x8xi32>
    %eq3A = arith.cmpi eq, %select_n3A, %iota3A_5 : vector<64x8xi32>
    %jit3A_29 = arith.constant 1.000000e+00 : f32
    %jit3A_30 = arith.constant 0.000000e+00 : f32
    %broadcast_in_dim3A = vector.broadcast %jit3A_29 : f32 to vector<64x8xf32>
    %broadcast_in_dim3A_31 = vector.broadcast %jit3A_30 : f32 to vector<64x8xf32>
    %select_n3A_32 = arith.select %eq3A, %broadcast_in_dim3A, %broadcast_in_dim3A_31 : vector<64x8xi1>, vector<64x8xf32>
    %iota3A_33 = tpu.iota {dimensions = array<i32: 0>} : vector<128x16xi32>
    %iota3A_34 = tpu.iota {dimensions = array<i32: 1>} : vector<128x16xi32>
    %jit3A_35 = arith.constant 8 : i32
    %div3A_36 = vector.broadcast %jit3A_35 : i32 to vector<128x16xi32>
    %div3A_37 = arith.divsi %iota3A_33, %div3A_36 : vector<128x16xi32>
    %sign3A_38 = arith.constant 0 : i32
    %sign3A_39 = vector.broadcast %sign3A_38 : i32 to vector<128x16xi32>
    %sign3A_40 = arith.cmpi sgt, %iota3A_33, %sign3A_39 : vector<128x16xi32>
    %sign3A_41 = arith.extui %sign3A_40 : vector<128x16xi1> to vector<128x16xi32>
    %sign3A_42 = arith.constant 0 : i32
    %sign3A_43 = vector.broadcast %sign3A_42 : i32 to vector<128x16xi32>
    %sign3A_44 = arith.cmpi slt, %iota3A_33, %sign3A_43 : vector<128x16xi32>
    %sign3A_45 = arith.extui %sign3A_44 : vector<128x16xi1> to vector<128x16xi32>
    %sign3A_46 = arith.subi %sign3A_41, %sign3A_45 : vector<128x16xi32>
    %sign3A_47 = arith.constant 0 : i32
    %sign3A_48 = arith.cmpi sgt, %jit3A_35, %sign3A_47 : i32
    %sign3A_49 = arith.extui %sign3A_48 : i1 to i32
    %sign3A_50 = arith.constant 0 : i32
    %sign3A_51 = arith.cmpi slt, %jit3A_35, %sign3A_50 : i32
    %sign3A_52 = arith.extui %sign3A_51 : i1 to i32
    %sign3A_53 = arith.subi %sign3A_49, %sign3A_52 : i32
    %ne3A_54 = vector.broadcast %sign3A_53 : i32 to vector<128x16xi32>
    %ne3A_55 = arith.cmpi ne, %sign3A_46, %ne3A_54 : vector<128x16xi32>
    %rem3A_56 = vector.broadcast %jit3A_35 : i32 to vector<128x16xi32>
    %rem3A_57 = arith.remsi %iota3A_33, %rem3A_56 : vector<128x16xi32>
    %ne3A_58 = arith.constant 0 : i32
    %ne3A_59 = vector.broadcast %ne3A_58 : i32 to vector<128x16xi32>
    %ne3A_60 = arith.cmpi ne, %rem3A_57, %ne3A_59 : vector<128x16xi32>
    %and3A_61 = arith.andi %ne3A_55, %ne3A_60 : vector<128x16xi1>
    %sub3A_62 = arith.constant 1 : i32
    %sub3A_63 = vector.broadcast %sub3A_62 : i32 to vector<128x16xi32>
    %sub3A_64 = arith.subi %div3A_37, %sub3A_63 : vector<128x16xi32>
    %select_n3A_65 = arith.select %and3A_61, %sub3A_64, %div3A_37 : vector<128x16xi1>, vector<128x16xi32>
    %eq3A_66 = arith.cmpi eq, %select_n3A_65, %iota3A_34 : vector<128x16xi32>
    %jit3A_67 = arith.constant 1.000000e+00 : f32
    %jit3A_68 = arith.constant 0.000000e+00 : f32
    %broadcast_in_dim3A_69 = vector.broadcast %jit3A_67 : f32 to vector<128x16xf32>
    %broadcast_in_dim3A_70 = vector.broadcast %jit3A_68 : f32 to vector<128x16xf32>
    %select_n3A_71 = arith.select %eq3A_66, %broadcast_in_dim3A_69, %broadcast_in_dim3A_70 : vector<128x16xi1>, vector<128x16xf32>
    %iota3A_72 = tpu.iota {dimensions = array<i32: 0>} : vector<16x16xi32>
    %iota3A_73 = tpu.iota {dimensions = array<i32: 1>} : vector<16x16xi32>
    %jit3A_74 = arith.constant 8 : i32
    %div3A_75 = vector.broadcast %jit3A_74 : i32 to vector<16x16xi32>
    %div3A_76 = arith.divsi %iota3A_72, %div3A_75 : vector<16x16xi32>
    %sign3A_77 = arith.constant 0 : i32
    %sign3A_78 = vector.broadcast %sign3A_77 : i32 to vector<16x16xi32>
    %sign3A_79 = arith.cmpi sgt, %iota3A_72, %sign3A_78 : vector<16x16xi32>
    %sign3A_80 = arith.extui %sign3A_79 : vector<16x16xi1> to vector<16x16xi32>
    %sign3A_81 = arith.constant 0 : i32
    %sign3A_82 = vector.broadcast %sign3A_81 : i32 to vector<16x16xi32>
    %sign3A_83 = arith.cmpi slt, %iota3A_72, %sign3A_82 : vector<16x16xi32>
    %sign3A_84 = arith.extui %sign3A_83 : vector<16x16xi1> to vector<16x16xi32>
    %sign3A_85 = arith.subi %sign3A_80, %sign3A_84 : vector<16x16xi32>
    %sign3A_86 = arith.constant 0 : i32
    %sign3A_87 = arith.cmpi sgt, %jit3A_74, %sign3A_86 : i32
    %sign3A_88 = arith.extui %sign3A_87 : i1 to i32
    %sign3A_89 = arith.constant 0 : i32
    %sign3A_90 = arith.cmpi slt, %jit3A_74, %sign3A_89 : i32
    %sign3A_91 = arith.extui %sign3A_90 : i1 to i32
    %sign3A_92 = arith.subi %sign3A_88, %sign3A_91 : i32
    %ne3A_93 = vector.broadcast %sign3A_92 : i32 to vector<16x16xi32>
    %ne3A_94 = arith.cmpi ne, %sign3A_85, %ne3A_93 : vector<16x16xi32>
    %rem3A_95 = vector.broadcast %jit3A_74 : i32 to vector<16x16xi32>
    %rem3A_96 = arith.remsi %iota3A_72, %rem3A_95 : vector<16x16xi32>
    %ne3A_97 = arith.constant 0 : i32
    %ne3A_98 = vector.broadcast %ne3A_97 : i32 to vector<16x16xi32>
    %ne3A_99 = arith.cmpi ne, %rem3A_96, %ne3A_98 : vector<16x16xi32>
    %and3A_100 = arith.andi %ne3A_94, %ne3A_99 : vector<16x16xi1>
    %sub3A_101 = arith.constant 1 : i32
    %sub3A_102 = vector.broadcast %sub3A_101 : i32 to vector<16x16xi32>
    %sub3A_103 = arith.subi %div3A_76, %sub3A_102 : vector<16x16xi32>
    %select_n3A_104 = arith.select %and3A_100, %sub3A_103, %div3A_76 : vector<16x16xi1>, vector<16x16xi32>
    %jit3A_105 = arith.constant 8 : i32
    %div3A_106 = vector.broadcast %jit3A_105 : i32 to vector<16x16xi32>
    %div3A_107 = arith.divsi %iota3A_73, %div3A_106 : vector<16x16xi32>
    %sign3A_108 = arith.constant 0 : i32
    %sign3A_109 = vector.broadcast %sign3A_108 : i32 to vector<16x16xi32>
    %sign3A_110 = arith.cmpi sgt, %iota3A_73, %sign3A_109 : vector<16x16xi32>
    %sign3A_111 = arith.extui %sign3A_110 : vector<16x16xi1> to vector<16x16xi32>
    %sign3A_112 = arith.constant 0 : i32
    %sign3A_113 = vector.broadcast %sign3A_112 : i32 to vector<16x16xi32>
    %sign3A_114 = arith.cmpi slt, %iota3A_73, %sign3A_113 : vector<16x16xi32>
    %sign3A_115 = arith.extui %sign3A_114 : vector<16x16xi1> to vector<16x16xi32>
    %sign3A_116 = arith.subi %sign3A_111, %sign3A_115 : vector<16x16xi32>
    %sign3A_117 = arith.constant 0 : i32
    %sign3A_118 = arith.cmpi sgt, %jit3A_105, %sign3A_117 : i32
    %sign3A_119 = arith.extui %sign3A_118 : i1 to i32
    %sign3A_120 = arith.constant 0 : i32
    %sign3A_121 = arith.cmpi slt, %jit3A_105, %sign3A_120 : i32
    %sign3A_122 = arith.extui %sign3A_121 : i1 to i32
    %sign3A_123 = arith.subi %sign3A_119, %sign3A_122 : i32
    %ne3A_124 = vector.broadcast %sign3A_123 : i32 to vector<16x16xi32>
    %ne3A_125 = arith.cmpi ne, %sign3A_116, %ne3A_124 : vector<16x16xi32>
    %rem3A_126 = vector.broadcast %jit3A_105 : i32 to vector<16x16xi32>
    %rem3A_127 = arith.remsi %iota3A_73, %rem3A_126 : vector<16x16xi32>
    %ne3A_128 = arith.constant 0 : i32
    %ne3A_129 = vector.broadcast %ne3A_128 : i32 to vector<16x16xi32>
    %ne3A_130 = arith.cmpi ne, %rem3A_127, %ne3A_129 : vector<16x16xi32>
    %and3A_131 = arith.andi %ne3A_125, %ne3A_130 : vector<16x16xi1>
    %sub3A_132 = arith.constant 1 : i32
    %sub3A_133 = vector.broadcast %sub3A_132 : i32 to vector<16x16xi32>
    %sub3A_134 = arith.subi %div3A_107, %sub3A_133 : vector<16x16xi32>
    %select_n3A_135 = arith.select %and3A_131, %sub3A_134, %div3A_107 : vector<16x16xi1>, vector<16x16xi32>
    %eq3A_136 = arith.cmpi eq, %select_n3A_104, %select_n3A_135 : vector<16x16xi32>
    %jit3A_137 = arith.constant 1.000000e+00 : f32
    %jit3A_138 = arith.constant 0.000000e+00 : f32
    %broadcast_in_dim3A_139 = vector.broadcast %jit3A_137 : f32 to vector<16x16xf32>
    %broadcast_in_dim3A_140 = vector.broadcast %jit3A_138 : f32 to vector<16x16xf32>
    %select_n3A_141 = arith.select %eq3A_136, %broadcast_in_dim3A_139, %broadcast_in_dim3A_140 : vector<16x16xi1>, vector<16x16xf32>
    %concatenate3A = tpu.concatenate %get3A_1, %get3A_1 in 1 : vector<1000x64xf32>, vector<1000x64xf32> -> vector<1000x128xf32>
    %broadcast_in_dim3A_142 = vector.shape_cast %concatenate3A : vector<1000x128xf32> to vector<1000x1x128xf32>
    %broadcast_in_dim3A_143 = vector.shape_cast %broadcast_in_dim3A_142 : vector<1000x1x128xf32> to vector<1000x1x128xf32>
    %broadcast_in_dim3A_144 = vector.broadcast %broadcast_in_dim3A_143 : vector<1000x1x128xf32> to vector<1000x8x128xf32>
    %reshape3A = vector.shape_cast %broadcast_in_dim3A_144 : vector<1000x8x128xf32> to vector<8000x128xf32>
    %mul3A = arith.mulf %get3A_4, %reshape3A : vector<8000x128xf32>
    %dot_general3A = arith.constant dense<0.000000e+00> : vector<8000x16xf32>
    %dot_general3A_145 = tpu.matmul %mul3A, %select_n3A_71, %dot_general3A {dimension_numbers = #tpu.dot_dimension_numbers<[1], [0], [0], [1], [0, 0, 1, 1], [], []>, transpose_lhs_hint = false} : vector<8000x128xf32>, vector<128x16xf32>, vector<8000x16xf32> -> vector<8000x16xf32>
    %exp3A = math.exp %dot_general3A_145 : vector<8000x16xf32>
    %dot_general3A_146 = arith.constant dense<0.000000e+00> : vector<8000x16xf32>
    %dot_general3A_147 = tpu.matmul %exp3A, %select_n3A_141, %dot_general3A_146 {dimension_numbers = #tpu.dot_dimension_numbers<[1], [0], [0], [1], [0, 0, 1, 1], [], []>, transpose_lhs_hint = false} : vector<8000x16xf32>, vector<16x16xf32>, vector<8000x16xf32> -> vector<8000x16xf32>
    %div3A_148 = arith.divf %exp3A, %dot_general3A_147 : vector<8000x16xf32>
    %transpose3A = tpu.transpose %select_n3A_71, [1, 0] : vector<128x16xf32> -> vector<16x128xf32>
    %dot_general3A_149 = arith.constant dense<0.000000e+00> : vector<8000x128xf32>
    %dot_general3A_150 = tpu.matmul %div3A_148, %transpose3A, %dot_general3A_149 {dimension_numbers = #tpu.dot_dimension_numbers<[1], [0], [0], [1], [0, 0, 1, 1], [], []>, transpose_lhs_hint = false} : vector<8000x16xf32>, vector<16x128xf32>, vector<8000x128xf32> -> vector<8000x128xf32>
    %mul3A_151 = arith.mulf %dot_general3A_150, %get3A_4 : vector<8000x128xf32>
    %reshape3A_152 = vector.shape_cast %mul3A_151 : vector<8000x128xf32> to vector<1000x8x128xf32>
    %reduce_sum3A = arith.constant dense<0.000000e+00> : vector<1000x128xf32>
    %reduce_sum3A_153 = vector.multi_reduction <add>, %reshape3A_152, %reduce_sum3A [1] : vector<1000x8x128xf32> to vector<1000x128xf32>
    %slice3A = vector.extract_strided_slice %reduce_sum3A_153 {offsets = [0, 0], sizes = [1000, 64], strides = [1, 1]} : vector<1000x128xf32> to vector<1000x64xf32>
    %slice3A_154 = vector.extract_strided_slice %reduce_sum3A_153 {offsets = [0, 64], sizes = [1000, 64], strides = [1, 1]} : vector<1000x128xf32> to vector<1000x64xf32>
    %add3A = arith.addf %slice3A, %slice3A_154 : vector<1000x64xf32>
    %add3A_155 = arith.addf %add3A, %get3A_1 : vector<1000x64xf32>
    %mul3A_156 = arith.mulf %add3A_155, %add3A_155 : vector<1000x64xf32>
    %dot_general3A_157 = arith.constant dense<0.000000e+00> : vector<1000x8xf32>
    %dot_general3A_158 = tpu.matmul %mul3A_156, %select_n3A_32, %dot_general3A_157 {dimension_numbers = #tpu.dot_dimension_numbers<[1], [0], [0], [1], [0, 0, 1, 1], [], []>, transpose_lhs_hint = false} : vector<1000x64xf32>, vector<64x8xf32>, vector<1000x8xf32> -> vector<1000x8xf32>
    %transpose3A_159 = tpu.transpose %select_n3A_32, [1, 0] : vector<64x8xf32> -> vector<8x64xf32>
    %dot_general3A_160 = arith.constant dense<0.000000e+00> : vector<1000x64xf32>
    %dot_general3A_161 = tpu.matmul %dot_general3A_158, %transpose3A_159, %dot_general3A_160 {dimension_numbers = #tpu.dot_dimension_numbers<[1], [0], [0], [1], [0, 0, 1, 1], [], []>, transpose_lhs_hint = false} : vector<1000x8xf32>, vector<8x64xf32>, vector<1000x64xf32> -> vector<1000x64xf32>
    %max3A = arith.constant 1.000000e-24 : f32
    %max3A_162 = vector.broadcast %max3A : f32 to vector<1000x64xf32>
    %max3A_163 = arith.maximumf %dot_general3A_161, %max3A_162 : vector<1000x64xf32>
    %rsqrt3A = math.rsqrt %max3A_163 : vector<1000x64xf32>
    %mul3A_164 = arith.mulf %add3A_155, %rsqrt3A : vector<1000x64xf32>
    %concatenate3A_165 = tpu.concatenate %mul3A_164, %mul3A_164 in 1 : vector<1000x64xf32>, vector<1000x64xf32> -> vector<1000x128xf32>
    %broadcast_in_dim3A_166 = vector.shape_cast %concatenate3A_165 : vector<1000x128xf32> to vector<1000x1x128xf32>
    %broadcast_in_dim3A_167 = vector.shape_cast %broadcast_in_dim3A_166 : vector<1000x1x128xf32> to vector<1000x1x128xf32>
    %broadcast_in_dim3A_168 = vector.broadcast %broadcast_in_dim3A_167 : vector<1000x1x128xf32> to vector<1000x8x128xf32>
    %reshape3A_169 = vector.shape_cast %broadcast_in_dim3A_168 : vector<1000x8x128xf32> to vector<8000x128xf32>
    %mul3A_170 = arith.mulf %get3A_4, %reshape3A_169 : vector<8000x128xf32>
    %dot_general3A_171 = arith.constant dense<0.000000e+00> : vector<8000x16xf32>
    %dot_general3A_172 = tpu.matmul %mul3A_170, %select_n3A_71, %dot_general3A_171 {dimension_numbers = #tpu.dot_dimension_numbers<[1], [0], [0], [1], [0, 0, 1, 1], [], []>, transpose_lhs_hint = false} : vector<8000x128xf32>, vector<128x16xf32>, vector<8000x16xf32> -> vector<8000x16xf32>
    %exp3A_173 = math.exp %dot_general3A_172 : vector<8000x16xf32>
    %dot_general3A_174 = arith.constant dense<0.000000e+00> : vector<8000x16xf32>
    %dot_general3A_175 = tpu.matmul %exp3A_173, %select_n3A_141, %dot_general3A_174 {dimension_numbers = #tpu.dot_dimension_numbers<[1], [0], [0], [1], [0, 0, 1, 1], [], []>, transpose_lhs_hint = false} : vector<8000x16xf32>, vector<16x16xf32>, vector<8000x16xf32> -> vector<8000x16xf32>
    %div3A_176 = arith.divf %exp3A_173, %dot_general3A_175 : vector<8000x16xf32>
    %transpose3A_177 = tpu.transpose %select_n3A_71, [1, 0] : vector<128x16xf32> -> vector<16x128xf32>
    %dot_general3A_178 = arith.constant dense<0.000000e+00> : vector<8000x128xf32>
    %dot_general3A_179 = tpu.matmul %div3A_176, %transpose3A_177, %dot_general3A_178 {dimension_numbers = #tpu.dot_dimension_numbers<[1], [0], [0], [1], [0, 0, 1, 1], [], []>, transpose_lhs_hint = false} : vector<8000x16xf32>, vector<16x128xf32>, vector<8000x128xf32> -> vector<8000x128xf32>
    %mul3A_180 = arith.mulf %dot_general3A_179, %get3A_4 : vector<8000x128xf32>
    %reshape3A_181 = vector.shape_cast %mul3A_180 : vector<8000x128xf32> to vector<1000x8x128xf32>
    %reduce_sum3A_182 = arith.constant dense<0.000000e+00> : vector<1000x128xf32>
    %reduce_sum3A_183 = vector.multi_reduction <add>, %reshape3A_181, %reduce_sum3A_182 [1] : vector<1000x8x128xf32> to vector<1000x128xf32>
    %slice3A_184 = vector.extract_strided_slice %reduce_sum3A_183 {offsets = [0, 0], sizes = [1000, 64], strides = [1, 1]} : vector<1000x128xf32> to vector<1000x64xf32>
    %slice3A_185 = vector.extract_strided_slice %reduce_sum3A_183 {offsets = [0, 64], sizes = [1000, 64], strides = [1, 1]} : vector<1000x128xf32> to vector<1000x64xf32>
    %add3A_186 = arith.addf %slice3A_184, %slice3A_185 : vector<1000x64xf32>
    %add3A_187 = arith.addf %add3A_186, %get3A_1 : vector<1000x64xf32>
    %swap3A = arith.constant 0 : index
    %swap3A_188 = arith.constant 0 : index
    %swap3A_189 = vector.load %arg4[%swap3A, %swap3A_188] : memref<1000x64xf32, #tpu.memory_space<vmem>>, vector<1000x64xf32>
    tpu.vector_store %arg4[%swap3A, %swap3A_188], %add3A_187 {strides = array<i32>} : memref<1000x64xf32, #tpu.memory_space<vmem>>, vector<1000x64xf32>,
    return
  }
  func.func @transform_0(%arg0: i32) -> (i32, i32) {
    %add3A = arith.constant 30 : i32
    %add3A_0 = arith.addi %arg0, %add3A : i32
    %c0_i32 = arith.constant 0 : i32
    %c0_i32_1 = arith.constant 0 : i32
    return %add3A_0, %c0_i32 : i32, i32
  }
  func.func @transform_1(%arg0: i32) -> (i32, i32) {
    %c0_i32 = arith.constant 0 : i32
    %c0_i32_0 = arith.constant 0 : i32
    return %arg0, %c0_i32 : i32, i32
  }
  func.func @transform_2(%arg0: i32) -> (i32, i32) {
    %add3A = arith.constant 30 : i32
    %add3A_0 = arith.addi %arg0, %add3A : i32
    %c0_i32 = arith.constant 0 : i32
    %c0_i32_1 = arith.constant 0 : i32
    return %add3A_0, %c0_i32 : i32, i32
  }
  func.func @transform_3(%arg0: i32) -> (i32, i32) {
    %add3A = arith.constant 30 : i32
    %add3A_0 = arith.addi %arg0, %add3A : i32
    %c0_i32 = arith.constant 0 : i32
    %c0_i32_1 = arith.constant 0 : i32
    return %add3A_0, %c0_i32 : i32, i32
  }
}

module attributes {stable_mosaic.version = 14 : i64} {
  func.func @_route_body(%arg0: i32, %arg1: memref<1000x64xf32, #tpu.memory_space<vmem>>, %arg2: memref<8000x128xf32, #tpu.memory_space<vmem>>, %arg3: memref<1000x64xf32, #tpu.memory_space<vmem>>, %arg4: memref<1000x64xf32, #tpu.memory_space<vmem>>) attributes {dimension_semantics = [#tpu.dimension_semantics<arbitrary>], iteration_bounds = array<i64: 10>, scalar_prefetch = 0 : i64, scratch_operands = 0 : i64, tpu.core_type = #tpu.core_type<tc>, window_params = [{transform_indices = @transform_0, window_bounds = array<i64: 1000, 64>}, {transform_indices = @transform_1, window_bounds = array<i64: 8000, 128>}, {transform_indices = @transform_2, window_bounds = array<i64: 1000, 64>}, {transform_indices = @transform_3, window_bounds = array<i64: 1000, 64>}]} {
    %get3A = arith.constant 0 : index
    %get3A_0 = arith.constant 0 : index
    %get3A_1 = vector.load %arg1[%get3A, %get3A_0] : memref<1000x64xf32, #tpu.memory_space<vmem>>, vector<1000x64xf32>
    %get3A_2 = arith.constant 0 : index
    %get3A_3 = arith.constant 0 : index
    %get3A_4 = vector.load %arg2[%get3A_2, %get3A_3] : memref<8000x128xf32, #tpu.memory_space<vmem>>, vector<8000x128xf32>
    %iota3A = tpu.iota {dimensions = array<i32: 0>} : vector<64x8xi32>
    %iota3A_5 = tpu.iota {dimensions = array<i32: 1>} : vector<64x8xi32>
    %jit3A = arith.constant 8 : i32
    %div3A = vector.broadcast %jit3A : i32 to vector<64x8xi32>
    %div3A_6 = arith.divsi %iota3A, %div3A : vector<64x8xi32>
    %sign3A = arith.constant 0 : i32
    %sign3A_7 = vector.broadcast %sign3A : i32 to vector<64x8xi32>
    %sign3A_8 = arith.cmpi sgt, %iota3A, %sign3A_7 : vector<64x8xi32>
    %sign3A_9 = arith.extui %sign3A_8 : vector<64x8xi1> to vector<64x8xi32>
    %sign3A_10 = arith.constant 0 : i32
    %sign3A_11 = vector.broadcast %sign3A_10 : i32 to vector<64x8xi32>
    %sign3A_12 = arith.cmpi slt, %iota3A, %sign3A_11 : vector<64x8xi32>
    %sign3A_13 = arith.extui %sign3A_12 : vector<64x8xi1> to vector<64x8xi32>
    %sign3A_14 = arith.subi %sign3A_9, %sign3A_13 : vector<64x8xi32>
    %sign3A_15 = arith.constant 0 : i32
    %sign3A_16 = arith.cmpi sgt, %jit3A, %sign3A_15 : i32
    %sign3A_17 = arith.extui %sign3A_16 : i1 to i32
    %sign3A_18 = arith.constant 0 : i32
    %sign3A_19 = arith.cmpi slt, %jit3A, %sign3A_18 : i32
    %sign3A_20 = arith.extui %sign3A_19 : i1 to i32
    %sign3A_21 = arith.subi %sign3A_17, %sign3A_20 : i32
    %ne3A = vector.broadcast %sign3A_21 : i32 to vector<64x8xi32>
    %ne3A_22 = arith.cmpi ne, %sign3A_14, %ne3A : vector<64x8xi32>
    %rem3A = vector.broadcast %jit3A : i32 to vector<64x8xi32>
    %rem3A_23 = arith.remsi %iota3A, %rem3A : vector<64x8xi32>
    %ne3A_24 = arith.constant 0 : i32
    %ne3A_25 = vector.broadcast %ne3A_24 : i32 to vector<64x8xi32>
    %ne3A_26 = arith.cmpi ne, %rem3A_23, %ne3A_25 : vector<64x8xi32>
    %and3A = arith.andi %ne3A_22, %ne3A_26 : vector<64x8xi1>
    %sub3A = arith.constant 1 : i32
    %sub3A_27 = vector.broadcast %sub3A : i32 to vector<64x8xi32>
    %sub3A_28 = arith.subi %div3A_6, %sub3A_27 : vector<64x8xi32>
    %select_n3A = arith.select %and3A, %sub3A_28, %div3A_6 : vector<64x8xi1>, vector<64x8xi32>
    %eq3A = arith.cmpi eq, %select_n3A, %iota3A_5 : vector<64x8xi32>
    %jit3A_29 = arith.constant 1.000000e+00 : f32
    %jit3A_30 = arith.constant 0.000000e+00 : f32
    %broadcast_in_dim3A = vector.broadcast %jit3A_29 : f32 to vector<64x8xf32>
    %broadcast_in_dim3A_31 = vector.broadcast %jit3A_30 : f32 to vector<64x8xf32>
    %select_n3A_32 = arith.select %eq3A, %broadcast_in_dim3A, %broadcast_in_dim3A_31 : vector<64x8xi1>, vector<64x8xf32>
    %iota3A_33 = tpu.iota {dimensions = array<i32: 0>} : vector<128x16xi32>
    %iota3A_34 = tpu.iota {dimensions = array<i32: 1>} : vector<128x16xi32>
    %jit3A_35 = arith.constant 8 : i32
    %div3A_36 = vector.broadcast %jit3A_35 : i32 to vector<128x16xi32>
    %div3A_37 = arith.divsi %iota3A_33, %div3A_36 : vector<128x16xi32>
    %sign3A_38 = arith.constant 0 : i32
    %sign3A_39 = vector.broadcast %sign3A_38 : i32 to vector<128x16xi32>
    %sign3A_40 = arith.cmpi sgt, %iota3A_33, %sign3A_39 : vector<128x16xi32>
    %sign3A_41 = arith.extui %sign3A_40 : vector<128x16xi1> to vector<128x16xi32>
    %sign3A_42 = arith.constant 0 : i32
    %sign3A_43 = vector.broadcast %sign3A_42 : i32 to vector<128x16xi32>
    %sign3A_44 = arith.cmpi slt, %iota3A_33, %sign3A_43 : vector<128x16xi32>
    %sign3A_45 = arith.extui %sign3A_44 : vector<128x16xi1> to vector<128x16xi32>
    %sign3A_46 = arith.subi %sign3A_41, %sign3A_45 : vector<128x16xi32>
    %sign3A_47 = arith.constant 0 : i32
    %sign3A_48 = arith.cmpi sgt, %jit3A_35, %sign3A_47 : i32
    %sign3A_49 = arith.extui %sign3A_48 : i1 to i32
    %sign3A_50 = arith.constant 0 : i32
    %sign3A_51 = arith.cmpi slt, %jit3A_35, %sign3A_50 : i32
    %sign3A_52 = arith.extui %sign3A_51 : i1 to i32
    %sign3A_53 = arith.subi %sign3A_49, %sign3A_52 : i32
    %ne3A_54 = vector.broadcast %sign3A_53 : i32 to vector<128x16xi32>
    %ne3A_55 = arith.cmpi ne, %sign3A_46, %ne3A_54 : vector<128x16xi32>
    %rem3A_56 = vector.broadcast %jit3A_35 : i32 to vector<128x16xi32>
    %rem3A_57 = arith.remsi %iota3A_33, %rem3A_56 : vector<128x16xi32>
    %ne3A_58 = arith.constant 0 : i32
    %ne3A_59 = vector.broadcast %ne3A_58 : i32 to vector<128x16xi32>
    %ne3A_60 = arith.cmpi ne, %rem3A_57, %ne3A_59 : vector<128x16xi32>
    %and3A_61 = arith.andi %ne3A_55, %ne3A_60 : vector<128x16xi1>
    %sub3A_62 = arith.constant 1 : i32
    %sub3A_63 = vector.broadcast %sub3A_62 : i32 to vector<128x16xi32>
    %sub3A_64 = arith.subi %div3A_37, %sub3A_63 : vector<128x16xi32>
    %select_n3A_65 = arith.select %and3A_61, %sub3A_64, %div3A_37 : vector<128x16xi1>, vector<128x16xi32>
    %eq3A_66 = arith.cmpi eq, %select_n3A_65, %iota3A_34 : vector<128x16xi32>
    %jit3A_67 = arith.constant 1.000000e+00 : f32
    %jit3A_68 = arith.constant 0.000000e+00 : f32
    %broadcast_in_dim3A_69 = vector.broadcast %jit3A_67 : f32 to vector<128x16xf32>
    %broadcast_in_dim3A_70 = vector.broadcast %jit3A_68 : f32 to vector<128x16xf32>
    %select_n3A_71 = arith.select %eq3A_66, %broadcast_in_dim3A_69, %broadcast_in_dim3A_70 : vector<128x16xi1>, vector<128x16xf32>
    %iota3A_72 = tpu.iota {dimensions = array<i32: 0>} : vector<16x16xi32>
    %iota3A_73 = tpu.iota {dimensions = array<i32: 1>} : vector<16x16xi32>
    %jit3A_74 = arith.constant 8 : i32
    %div3A_75 = vector.broadcast %jit3A_74 : i32 to vector<16x16xi32>
    %div3A_76 = arith.divsi %iota3A_72, %div3A_75 : vector<16x16xi32>
    %sign3A_77 = arith.constant 0 : i32
    %sign3A_78 = vector.broadcast %sign3A_77 : i32 to vector<16x16xi32>
    %sign3A_79 = arith.cmpi sgt, %iota3A_72, %sign3A_78 : vector<16x16xi32>
    %sign3A_80 = arith.extui %sign3A_79 : vector<16x16xi1> to vector<16x16xi32>
    %sign3A_81 = arith.constant 0 : i32
    %sign3A_82 = vector.broadcast %sign3A_81 : i32 to vector<16x16xi32>
    %sign3A_83 = arith.cmpi slt, %iota3A_72, %sign3A_82 : vector<16x16xi32>
    %sign3A_84 = arith.extui %sign3A_83 : vector<16x16xi1> to vector<16x16xi32>
    %sign3A_85 = arith.subi %sign3A_80, %sign3A_84 : vector<16x16xi32>
    %sign3A_86 = arith.constant 0 : i32
    %sign3A_87 = arith.cmpi sgt, %jit3A_74, %sign3A_86 : i32
    %sign3A_88 = arith.extui %sign3A_87 : i1 to i32
    %sign3A_89 = arith.constant 0 : i32
    %sign3A_90 = arith.cmpi slt, %jit3A_74, %sign3A_89 : i32
    %sign3A_91 = arith.extui %sign3A_90 : i1 to i32
    %sign3A_92 = arith.subi %sign3A_88, %sign3A_91 : i32
    %ne3A_93 = vector.broadcast %sign3A_92 : i32 to vector<16x16xi32>
    %ne3A_94 = arith.cmpi ne, %sign3A_85, %ne3A_93 : vector<16x16xi32>
    %rem3A_95 = vector.broadcast %jit3A_74 : i32 to vector<16x16xi32>
    %rem3A_96 = arith.remsi %iota3A_72, %rem3A_95 : vector<16x16xi32>
    %ne3A_97 = arith.constant 0 : i32
    %ne3A_98 = vector.broadcast %ne3A_97 : i32 to vector<16x16xi32>
    %ne3A_99 = arith.cmpi ne, %rem3A_96, %ne3A_98 : vector<16x16xi32>
    %and3A_100 = arith.andi %ne3A_94, %ne3A_99 : vector<16x16xi1>
    %sub3A_101 = arith.constant 1 : i32
    %sub3A_102 = vector.broadcast %sub3A_101 : i32 to vector<16x16xi32>
    %sub3A_103 = arith.subi %div3A_76, %sub3A_102 : vector<16x16xi32>
    %select_n3A_104 = arith.select %and3A_100, %sub3A_103, %div3A_76 : vector<16x16xi1>, vector<16x16xi32>
    %jit3A_105 = arith.constant 8 : i32
    %div3A_106 = vector.broadcast %jit3A_105 : i32 to vector<16x16xi32>
    %div3A_107 = arith.divsi %iota3A_73, %div3A_106 : vector<16x16xi32>
    %sign3A_108 = arith.constant 0 : i32
    %sign3A_109 = vector.broadcast %sign3A_108 : i32 to vector<16x16xi32>
    %sign3A_110 = arith.cmpi sgt, %iota3A_73, %sign3A_109 : vector<16x16xi32>
    %sign3A_111 = arith.extui %sign3A_110 : vector<16x16xi1> to vector<16x16xi32>
    %sign3A_112 = arith.constant 0 : i32
    %sign3A_113 = vector.broadcast %sign3A_112 : i32 to vector<16x16xi32>
    %sign3A_114 = arith.cmpi slt, %iota3A_73, %sign3A_113 : vector<16x16xi32>
    %sign3A_115 = arith.extui %sign3A_114 : vector<16x16xi1> to vector<16x16xi32>
    %sign3A_116 = arith.subi %sign3A_111, %sign3A_115 : vector<16x16xi32>
    %sign3A_117 = arith.constant 0 : i32
    %sign3A_118 = arith.cmpi sgt, %jit3A_105, %sign3A_117 : i32
    %sign3A_119 = arith.extui %sign3A_118 : i1 to i32
    %sign3A_120 = arith.constant 0 : i32
    %sign3A_121 = arith.cmpi slt, %jit3A_105, %sign3A_120 : i32
    %sign3A_122 = arith.extui %sign3A_121 : i1 to i32
    %sign3A_123 = arith.subi %sign3A_119, %sign3A_122 : i32
    %ne3A_124 = vector.broadcast %sign3A_123 : i32 to vector<16x16xi32>
    %ne3A_125 = arith.cmpi ne, %sign3A_116, %ne3A_124 : vector<16x16xi32>
    %rem3A_126 = vector.broadcast %jit3A_105 : i32 to vector<16x16xi32>
    %rem3A_127 = arith.remsi %iota3A_73, %rem3A_126 : vector<16x16xi32>
    %ne3A_128 = arith.constant 0 : i32
    %ne3A_129 = vector.broadcast %ne3A_128 : i32 to vector<16x16xi32>
    %ne3A_130 = arith.cmpi ne, %rem3A_127, %ne3A_129 : vector<16x16xi32>
    %and3A_131 = arith.andi %ne3A_125, %ne3A_130 : vector<16x16xi1>
    %sub3A_132 = arith.constant 1 : i32
    %sub3A_133 = vector.broadcast %sub3A_132 : i32 to vector<16x16xi32>
    %sub3A_134 = arith.subi %div3A_107, %sub3A_133 : vector<16x16xi32>
    %select_n3A_135 = arith.select %and3A_131, %sub3A_134, %div3A_107 : vector<16x16xi1>, vector<16x16xi32>
    %eq3A_136 = arith.cmpi eq, %select_n3A_104, %select_n3A_135 : vector<16x16xi32>
    %jit3A_137 = arith.constant 1.000000e+00 : f32
    %jit3A_138 = arith.constant 0.000000e+00 : f32
    %broadcast_in_dim3A_139 = vector.broadcast %jit3A_137 : f32 to vector<16x16xf32>
    %broadcast_in_dim3A_140 = vector.broadcast %jit3A_138 : f32 to vector<16x16xf32>
    %select_n3A_141 = arith.select %eq3A_136, %broadcast_in_dim3A_139, %broadcast_in_dim3A_140 : vector<16x16xi1>, vector<16x16xf32>
    %concatenate3A = tpu.concatenate %get3A_1, %get3A_1 in 1 : vector<1000x64xf32>, vector<1000x64xf32> -> vector<1000x128xf32>
    %broadcast_in_dim3A_142 = vector.shape_cast %concatenate3A : vector<1000x128xf32> to vector<1000x1x128xf32>
    %broadcast_in_dim3A_143 = vector.shape_cast %broadcast_in_dim3A_142 : vector<1000x1x128xf32> to vector<1000x1x128xf32>
    %broadcast_in_dim3A_144 = vector.broadcast %broadcast_in_dim3A_143 : vector<1000x1x128xf32> to vector<1000x8x128xf32>
    %reshape3A = vector.shape_cast %broadcast_in_dim3A_144 : vector<1000x8x128xf32> to vector<8000x128xf32>
    %mul3A = arith.mulf %get3A_4, %reshape3A : vector<8000x128xf32>
    %dot_general3A = arith.constant dense<0.000000e+00> : vector<8000x16xf32>
    %dot_general3A_145 = tpu.matmul %mul3A, %select_n3A_71, %dot_general3A {dimension_numbers = #tpu.dot_dimension_numbers<[1], [0], [0], [1], [0, 0, 1, 1], [], []>, transpose_lhs_hint = false} : vector<8000x128xf32>, vector<128x16xf32>, vector<8000x16xf32> -> vector<8000x16xf32>
    %exp3A = math.exp %dot_general3A_145 : vector<8000x16xf32>
    %dot_general3A_146 = arith.constant dense<0.000000e+00> : vector<8000x16xf32>
    %dot_general3A_147 = tpu.matmul %exp3A, %select_n3A_141, %dot_general3A_146 {dimension_numbers = #tpu.dot_dimension_numbers<[1], [0], [0], [1], [0, 0, 1, 1], [], []>, transpose_lhs_hint = false} : vector<8000x16xf32>, vector<16x16xf32>, vector<8000x16xf32> -> vector<8000x16xf32>
    %div3A_148 = arith.divf %exp3A, %dot_general3A_147 : vector<8000x16xf32>
    %transpose3A = tpu.transpose %select_n3A_71, [1, 0] : vector<128x16xf32> -> vector<16x128xf32>
    %dot_general3A_149 = arith.constant dense<0.000000e+00> : vector<8000x128xf32>
    %dot_general3A_150 = tpu.matmul %div3A_148, %transpose3A, %dot_general3A_149 {dimension_numbers = #tpu.dot_dimension_numbers<[1], [0], [0], [1], [0, 0, 1, 1], [], []>, transpose_lhs_hint = false} : vector<8000x16xf32>, vector<16x128xf32>, vector<8000x128xf32> -> vector<8000x128xf32>
    %mul3A_151 = arith.mulf %dot_general3A_150, %get3A_4 : vector<8000x128xf32>
    %reshape3A_152 = vector.shape_cast %mul3A_151 : vector<8000x128xf32> to vector<1000x8x128xf32>
    %reduce_sum3A = arith.constant dense<0.000000e+00> : vector<1000x128xf32>
    %reduce_sum3A_153 = vector.multi_reduction <add>, %reshape3A_152, %reduce_sum3A [1] : vector<1000x8x128xf32> to vector<1000x128xf32>
    %slice3A = vector.extract_strided_slice %reduce_sum3A_153 {offsets = [0, 0], sizes = [1000, 64], strides = [1, 1]} : vector<1000x128xf32> to vector<1000x64xf32>
    %slice3A_154 = vector.extract_strided_slice %reduce_sum3A_153 {offsets = [0, 64], sizes = [1000, 64], strides = [1, 1]} : vector<1000x128xf32> to vector<1000x64xf32>
    %add3A = arith.addf %slice3A, %slice3A_154 : vector<1000x64xf32>
    %add3A_155 = arith.addf %add3A, %get3A_1 : vector<1000x64xf32>
    %mul3A_156 = arith.mulf %add3A_155, %add3A_155 : vector<1000x64xf32>
    %dot_general3A_157 = arith.constant dense<0.000000e+00> : vector<1000x8xf32>
    %dot_general3A_158 = tpu.matmul %mul3A_156, %select_n3A_32, %dot_general3A_157 {dimension_numbers = #tpu.dot_dimension_numbers<[1], [0], [0], [1], [0, 0, 1, 1], [], []>, transpose_lhs_hint = false} : vector<1000x64xf32>, vector<64x8xf32>, vector<1000x8xf32> -> vector<1000x8xf32>
    %transpose3A_159 = tpu.transpose %select_n3A_32, [1, 0] : vector<64x8xf32> -> vector<8x64xf32>
    %dot_general3A_160 = arith.constant dense<0.000000e+00> : vector<1000x64xf32>
    %dot_general3A_161 = tpu.matmul %dot_general3A_158, %transpose3A_159, %dot_general3A_160 {dimension_numbers = #tpu.dot_dimension_numbers<[1], [0], [0], [1], [0, 0, 1, 1], [], []>, transpose_lhs_hint = false} : vector<1000x8xf32>, vector<8x64xf32>, vector<1000x64xf32> -> vector<1000x64xf32>
    %max3A = arith.constant 1.000000e-24 : f32
    %max3A_162 = vector.broadcast %max3A : f32 to vector<1000x64xf32>
    %max3A_163 = arith.maximumf %dot_general3A_161, %max3A_162 : vector<1000x64xf32>
    %rsqrt3A = math.rsqrt %max3A_163 : vector<1000x64xf32>
    %mul3A_164 = arith.mulf %add3A_155, %rsqrt3A : vector<1000x64xf32>
    %concatenate3A_165 = tpu.concatenate %mul3A_164, %mul3A_164 in 1 : vector<1000x64xf32>, vector<1000x64xf32> -> vector<1000x128xf32>
    %broadcast_in_dim3A_166 = vector.shape_cast %concatenate3A_165 : vector<1000x128xf32> to vector<1000x1x128xf32>
    %broadcast_in_dim3A_167 = vector.shape_cast %broadcast_in_dim3A_166 : vector<1000x1x128xf32> to vector<1000x1x128xf32>
    %broadcast_in_dim3A_168 = vector.broadcast %broadcast_in_dim3A_167 : vector<1000x1x128xf32> to vector<1000x8x128xf32>
    %reshape3A_169 = vector.shape_cast %broadcast_in_dim3A_168 : vector<1000x8x128xf32> to vector<8000x128xf32>
    %mul3A_170 = arith.mulf %get3A_4, %reshape3A_169 : vector<8000x128xf32>
    %dot_general3A_171 = arith.constant dense<0.000000e+00> : vector<8000x16xf32>
    %dot_general3A_172 = tpu.matmul %mul3A_170, %select_n3A_71, %dot_general3A_171 {dimension_numbers = #tpu.dot_dimension_numbers<[1], [0], [0], [1], [0, 0, 1, 1], [], []>, transpose_lhs_hint = false} : vector<8000x128xf32>, vector<128x16xf32>, vector<8000x16xf32> -> vector<8000x16xf32>
    %exp3A_173 = math.exp %dot_general3A_172 : vector<8000x16xf32>
    %dot_general3A_174 = arith.constant dense<0.000000e+00> : vector<8000x16xf32>
    %dot_general3A_175 = tpu.matmul %exp3A_173, %select_n3A_141, %dot_general3A_174 {dimension_numbers = #tpu.dot_dimension_numbers<[1], [0], [0], [1], [0, 0, 1, 1], [], []>, transpose_lhs_hint = false} : vector<8000x16xf32>, vector<16x16xf32>, vector<8000x16xf32> -> vector<8000x16xf32>
    %div3A_176 = arith.divf %exp3A_173, %dot_general3A_175 : vector<8000x16xf32>
    %transpose3A_177 = tpu.transpose %select_n3A_71, [1, 0] : vector<128x16xf32> -> vector<16x128xf32>
    %dot_general3A_178 = arith.constant dense<0.000000e+00> : vector<8000x128xf32>
    %dot_general3A_179 = tpu.matmul %div3A_176, %transpose3A_177, %dot_general3A_178 {dimension_numbers = #tpu.dot_dimension_numbers<[1], [0], [0], [1], [0, 0, 1, 1], [], []>, transpose_lhs_hint = false} : vector<8000x16xf32>, vector<16x128xf32>, vector<8000x128xf32> -> vector<8000x128xf32>
    %mul3A_180 = arith.mulf %dot_general3A_179, %get3A_4 : vector<8000x128xf32>
    %reshape3A_181 = vector.shape_cast %mul3A_180 : vector<8000x128xf32> to vector<1000x8x128xf32>
    %reduce_sum3A_182 = arith.constant dense<0.000000e+00> : vector<1000x128xf32>
    %reduce_sum3A_183 = vector.multi_reduction <add>, %reshape3A_181, %reduce_sum3A_182 [1] : vector<1000x8x128xf32> to vector<1000x128xf32>
    %slice3A_184 = vector.extract_strided_slice %reduce_sum3A_183 {offsets = [0, 0], sizes = [1000, 64], strides = [1, 1]} : vector<1000x128xf32> to vector<1000x64xf32>
    %slice3A_185 = vector.extract_strided_slice %reduce_sum3A_183 {offsets = [0, 64], sizes = [1000, 64], strides = [1, 1]} : vector<1000x128xf32> to vector<1000x64xf32>
    %add3A_186 = arith.addf %slice3A_184, %slice3A_185 : vector<1000x64xf32>
    %add3A_187 = arith.addf %add3A_186, %get3A_1 : vector<1000x64xf32>
    %swap3A = arith.constant 0 : index
    %swap3A_188 = arith.constant 0 : index
    %swap3A_189 = vector.load %arg4[%swap3A, %swap3A_188] : memref<1000x64xf32, #tpu.memory_space<vmem>>, vector<1000x64xf32>
    tpu.vector_store %arg4[%swap3A, %swap3A_188], %add3A_187 {strides = array<i32>} : memref<1000x64xf32, #tpu.memory_space<vmem>>, vector<1000x64xf32>,
    return
  }
  func.func @transform_0(%arg0: i32) -> (i32, i32) {
    %add3A = arith.constant 40 : i32
    %add3A_0 = arith.addi %arg0, %add3A : i32
    %c0_i32 = arith.constant 0 : i32
    %c0_i32_1 = arith.constant 0 : i32
    return %add3A_0, %c0_i32 : i32, i32
  }
  func.func @transform_1(%arg0: i32) -> (i32, i32) {
    %c0_i32 = arith.constant 0 : i32
    %c0_i32_0 = arith.constant 0 : i32
    return %arg0, %c0_i32 : i32, i32
  }
  func.func @transform_2(%arg0: i32) -> (i32, i32) {
    %add3A = arith.constant 40 : i32
    %add3A_0 = arith.addi %arg0, %add3A : i32
    %c0_i32 = arith.constant 0 : i32
    %c0_i32_1 = arith.constant 0 : i32
    return %add3A_0, %c0_i32 : i32, i32
  }
  func.func @transform_3(%arg0: i32) -> (i32, i32) {
    %add3A = arith.constant 40 : i32
    %add3A_0 = arith.addi %arg0, %add3A : i32
    %c0_i32 = arith.constant 0 : i32
    %c0_i32_1 = arith.constant 0 : i32
    return %add3A_0, %c0_i32 : i32, i32
  }
}

</mosaic_0001>

<sc_bundles>
// kernel: kernel.13.cloned.1.call-start
scs
__scs_entry_jumppad:
0x0: {  	(pc) =	sbr.rel $0x88, $3  }
0x1: {  	(tag) =	ssettag $0x0;
	lr =	simm.s32 $0x1  }
0x2: {  	[smem:$0x3F9D] =	sst lr;
	_ =	strace $0xD0000000  }
0x3: {  	_ = 	snop  }
0x4: {  	_ = 	snop  }
0x5: {  	_ = 	snop  }
0x6: {  	_ = 	snop  }
0x7: {  	_ = 	snop  }
__scs_overlays_trampoline_lowered:
0x8: {  	[smem:$0x3FAC] =	sst s0  }
0x9: {  	[smem:$0x3FAD] =	sst s1  }
0xa: {  	[smem:$0x3FAE] =	sst s2  }
0xb: {  	[smem:$0x3FAF] =	sst s3  }
0xc: {  	[smem:$0x3FB0] =	sst s4  }
0xd: {  	[smem:$0x3FB1] =	sst s5  }
0xe: {  	[smem:$0x3FB2] =	sst s6  }
0xf: {  	[smem:$0x3FB3] =	sst s7  }
0x10: {  	[smem:$0x3FB4] =	sst s8  }
0x11: {  	[smem:$0x3FB5] =	sst s9;
	s0 =	simm.s32 @!p0 $0x0  }
0x12: {  	s1 =	sld [smem:$0x3F9B];
	s0 =	simm.s32 @p0 $0x1  }
0x13: {  	[smem:$0x3FB6] =	sst s0;
	s0 =	simm.s32 @!p1 $0x0  }
0x14: {  	s2 =	sld [smem:$0x3F9A];
	s0 =	simm.s32 @p1 $0x1  }
0x15: {  	[smem:$0x3FB7] =	sst s0;
	s0 =	simm.s32 @!p2 $0x0  }
0x16: {  	s3 =	sld [smem:$0x3FDB];
	s0 =	simm.s32 @p2 $0x1  }
0x17: {  	s4 =	simm.s32 $0x1BF5;
	[smem:$0x3FB9] =	sst s0  }
0x18: {  	s0 =	sld [smem:$0x3F9C];
	_ =	swait.ge [sflag:s4], $0x0  }
0x19: {  	s7 =	sld [smem:$0x3F9D]  }
0x1a: {  	s8 =	sadd.s32 $0xFFFFE003, lr  }
0x1b: {  	s9 =	sadd.s32 $0xFFFFFEF7, lr;
	s5 =	simm.s32 $0xFFFFFFFF;
	p2 =	slt.u32 s8, $0xFFFFF086  }
0x1c: {  	p1 =	slt.u32 s9, $0xF7A;
	s5 =	simm.s32 @!p2 $0x0  }
0x1d: {  	s5 =	simm.s32 @p1 $0x1;
	p0 =	seq.s32 s7, s2  }
0x1e: {  	s7 =	smul.u32 @!p0 $0xF7A, s2;
	p2 =	seq.s32 @!p0 s5, $0x0  }
0x1f: {  	s9 =	smul.u32 $0xF7A, s1;
	s8 =	simm.s32 @!p0 $0x1BF5;
	p2 =	por !p2, p0  }
0x20: {  	[sflag:s8] =	ssyncset.s32 @!p0 $0xFFFFF086;
	s6 =	sadd.s32 @!p0 s3, s7;
	s7 =	simm.s32 @!p0 $0x108  }
0x21: {  	s3 =	sadd.s32 s3, s9;
	s6 =	sadd.s32 @!p0 $0x88, s6;
	s7 =	simm.s32 @p2 $0x1082  }
0x22: {  	[simem:s7], [sflag:s8] =	dma.local @!p0 [hbm:s6], $0xF7A  }
0x23: {  	s9 =	sor.u32 $0xD0000000, s2;
	s6 =	simm.s32 $0x108;
	_ =	swait.ge @!p0 [sflag:s8], $0x0  }
0x24: {  	s3 =	sadd.s32 $0x88, s3;
	s6 =	simm.s32 @!p1 $0x1082;
	[sflag:s4] =	ssyncset.s32 $0xFFFFF086  }
0x25: {  	[simem:s6], [sflag:s4] =	dma.local [hbm:s3], $0xF7A  }
0x26: {  	[smem:$0x3F9D] =	sst s1;
	(tag) =	ssettag s2;
	_ =	strace s9  }
0x27: {  	s1 =	sld [smem:$0x3FAD]  }
0x28: {  	s2 =	sld [smem:$0x3FAE]  }
0x29: {  	s4 =	sld [smem:$0x3FB0]  }
0x2a: {  	p0 =	seq.s32 s5, $0x0;
	s5 =	sld [smem:$0x3FB1]  }
0x2b: {  	s6 =	sld [smem:$0x3FB2]  }
0x2c: {  	s7 =	sld [smem:$0x3FB3]  }
0x2d: {  	s3 =	simm.s32 $0x108;
	s8 =	sld [smem:$0x3FB4]  }
0x2e: {  	s3 =	simm.s32 @!p0 $0x1082;
	s9 =	sld [smem:$0x3FB5]  }
0x2f: {  	lr =	sadd.s32 s0, s3;
	s0 =	sld [smem:$0x3FAC]  }
0x30: {  	s3 =	sld [smem:$0x3FAF]  }
0x31: {  	[smem:$0x3FB8] =	sst s10  }
0x32: {  	s10 =	sld [smem:$0x3FB6];
	_ =	sdelay $0x3  }
0x33: {  	p0 =	seq.s32 s10, $0x1;
	s10 =	sld [smem:$0x3FB8];
	_ =	sdelay $0x3  }
0x34: {  	[smem:$0x3FB8] =	sst s10  }
0x35: {  	s10 =	sld [smem:$0x3FB7];
	_ =	sdelay $0x3  }
0x36: {  	p1 =	seq.s32 s10, $0x1;
	s10 =	sld [smem:$0x3FB8];
	_ =	sdelay $0x3  }
0x37: {  	[smem:$0x3FB8] =	sst s10  }
0x38: {  	s10 =	sld [smem:$0x3FB9]  }
0x39: {  	_ = 	snop;
	(pc) =	sbr.ind lr, $3  }
0x3a: {  	_ = 	snop  }
0x3b: {  	_ = 	snop  }
0x3c: {  	p2 =	seq.s32 s10, $0x1;
	s10 =	sld [smem:$0x3FB8]  }
0x3d: {  	_ =	shalt  }
0x3e: {  	_ =	shalt  }
0x3f: {  	_ =	shalt  }
0x40: {  	_ =	shalt  }
0x41: {  	_ =	shalt  }
0x42: {  	_ =	shalt  }
0x43: {  	_ =	shalt  }
0x44: {  	_ =	shalt  }
0x45: {  	_ =	shalt  }
0x46: {  	_ =	shalt  }
0x47: {  	_ =	shalt  }
0x48: {  	_ =	shalt  }
0x49: {  	_ =	shalt  }
0x4a: {  	_ =	shalt  }
0x4b: {  	_ =	shalt  }
0x4c: {  	_ =	shalt  }
0x4d: {  	_ =	shalt  }
0x4e: {  	_ =	shalt  }
0x4f: {  	_ =	shalt  }
0x50: {  	_ =	shalt  }
0x51: {  	_ =	shalt  }
0x52: {  	_ =	shalt  }
0x53: {  	_ =	shalt  }
0x54: {  	_ =	shalt  }
0x55: {  	_ =	shalt  }
0x56: {  	_ =	shalt  }
0x57: {  	_ =	shalt  }
0x58: {  	_ =	shalt  }
0x59: {  	_ =	shalt  }
0x5a: {  	_ =	shalt  }
0x5b: {  	_ =	shalt  }
0x5c: {  	_ =	shalt  }
0x5d: {  	_ =	shalt  }
0x5e: {  	_ =	shalt  }
0x5f: {  	_ =	shalt  }
0x60: {  	_ =	shalt  }
0x61: {  	_ =	shalt  }
0x62: {  	_ =	shalt  }
0x63: {  	_ =	shalt  }
0x64: {  	_ =	shalt  }
0x65: {  	_ =	shalt  }
0x66: {  	_ =	shalt  }
0x67: {  	_ =	shalt  }
0x68: {  	_ =	shalt  }
0x69: {  	_ =	shalt  }
0x6a: {  	_ =	shalt  }
0x6b: {  	_ =	shalt  }
0x6c: {  	_ =	shalt  }
0x6d: {  	_ =	shalt  }
0x6e: {  	_ =	shalt  }
0x6f: {  	_ =	shalt  }
0x70: {  	_ =	shalt  }
0x71: {  	_ =	shalt  }
0x72: {  	_ =	shalt  }
0x73: {  	_ =	shalt  }
0x74: {  	_ =	shalt  }
0x75: {  	_ =	shalt  }
0x76: {  	_ =	shalt  }
0x77: {  	_ =	shalt  }
0x78: {  	_ =	shalt  }
0x79: {  	_ =	shalt  }
0x7a: {  	_ =	shalt  }
0x7b: {  	_ =	shalt  }
0x7c: {  	_ =	shalt  }
0x7d: {  	_ =	shalt  }
0x7e: {  	_ =	shalt  }
0x7f: {  	_ =	shalt  }
0x80: {  	_ =	shalt  }
0x81: {  	_ =	shalt  }
0x82: {  	_ =	shalt  }
0x83: {  	_ =	shalt  }
0x84: {  	_ =	shalt  }
0x85: {  	_ =	shalt  }
0x86: {  	_ =	shalt  }
0x87: {  	_ =	shalt  }
.Lfunc_end0:
.L_simem_size_0:
called_computation_lowered:
.L_overlay_start_0:
0x88: {  	s2 =	sld [smem:$0x3FD9]  }
0x89: {  	s3 =	sld [smem:$0x3FFE];
	_ =	sdelay $0x1  }
0x8a: {  	s1 =	srdreg.scid  }
0x8b: {  	s0 =	sand.u32 $0x1, s1  }
0x8c: {  	s17 =	sshll.u32 s0, $0xA;
	s2 =	sadd.s32 s3, s2  }
0x8d: {  	s2 =	sadd.s32 s2, s17  }
0x8e: {  	[smem:$0x3FC4] =	sst s2  }
0x8f: {  	_ = 	snop  }
0x90: {  	s2 =	sld [smem:$0x3FC8]  }
0x91: {  	s18 =	sld [smem:$0x3FD0];
	(tm) =	ssettm $0x1  }
0x92: {  	s4 =	sld [smem:$0x3FFB];
	_ =	sdelay $0x3  }
0x93: {  	_ =	strace s4  }
0x94: {  	s4 =	sld [smem:$0x3FFC];
	_ =	sdelay $0x3  }
0x95: {  	_ =	strace s4  }
0x96: {  	s4 =	sld [smem:$0x3FFD];
	_ =	sdelay $0x3  }
0x97: {  	_ =	strace s4  }
0x98: {  	_ =	strace $0x8FFFFFFF  }
0x99: {  	s19 =	sld [smem:$0x3FDB];
	_ =	sdelay $0x1  }
0x9a: {  	s5 =	simm.s32 $_scs_section_size  }
0x9b: {  	s6 =	simm.s32 $_size__tile_overlayer_lowered;
	s7 =	simm.s32 $_tile_overlayer_lowered  }
0x9c: {  	s22 =	simm.s32 $0x1BFF;
	s21 =	sshll.u32 s7, $0x1;
	s4 =	sadd.s32 s5, s19  }
0x9d: {  	s8 =	simm.s32 $0x0;
	s20 =	sshll.u32 s6, $0x1;
	s6 =	sadd.s32 s21, s4  }
0x9e: {  	[timem:s8], [sflag:s22] =	dma.local [hbm:s6], s20  }
0x9f: {  	_ =	swait.ge [sflag:s22], s20  }
0xa0: {  	s5 =	ssub.s32 $0x0, s20;
	[sflag:s22] =	ssyncset.done $0x0  }
0xa1: {  	[sflag:s22] =	ssyncadd.s32 s5;
	_ =	sdelay $0x1  }
0xa2: {  	s23 =	simm.s32 $0x1B8B  }
0xa3: {  	_ =	swait.ge [sflag:s23], $0x1  }
0xa4: {  	[sflag:s23] =	ssyncset.done $0x0  }
0xa5: {  	s25 =	simm.s32 $0x1B8E;
	s24 =	sld [smem:$0x3FFE];
	[sflag:s23] =	ssyncadd.s32 $0xFFFFFFFF  }
0xa6: {  	s26 =	simm.s32 $execute0_lowered;
	[smem:$0x3FD2] =	sst s25  }
0xa7: {  	s6 =	sshll.u32 s26, $0x1;
	_ =	strace $0x80000046;
	[dreg:$0x1] =	wrdreg $0xFFFFFFFF  }
0xa8: {  	s28 =	simm.s32 $_size_execute0_lowered;
	s4 =	sadd.s32 s4, s6;
	[dreg:$0x0] =	wrdreg $0x0  }
0xa9: {  	s6 =	sshll.u32 s28, $0x1;
	[dreg:$0x2] =	wrdreg s4  }
0xaa: {  	[dreg:$0x3] =	wrdreg s6  }
0xab: {  	[dreg:$0x4] =	wrdreg $0xC0  }
0xac: {  	_ =	task [dreg:s8], $0x5FFFF  }
0xad: {  	[dreg:$0x1] =	wrdreg $0xFFFFFFFF  }
0xae: {  	[dreg:$0x0] =	wrdreg $0x60  }
0xaf: {  	[dreg:$0x2] =	wrdreg s18  }
0xb0: {  	[dreg:$0x3] =	wrdreg s2  }
0xb1: {  	[dreg:$0x4] =	wrdreg s24  }
0xb2: {  	[dreg:$0x5] =	wrdreg $0x9  }
0xb3: {  	_ =	task.clear_ibuf [dreg:s8], $0x6FFFF;
	_ =	strace $0x90000046  }
0xb4: {  	s29 =	simm.s32 $0x9;
	_ =	strace $0x80000048  }
0xb5: {  	_ =	swait.ge [sflag:s29], $0x1  }
0xb6: {  	[sflag:s29] =	ssyncadd.s32 $0xFFFFFFFF  }
0xb7: {  	_ =	strace $0x90000048  }
0xb8: {  	_ =	sfence  }
0xb9: {  	s30 =	sld [smem:$0x0];
	_ =	sdelay $0x2  }
0xba: {  	s31 =	sshll.u32 s1, $0xD;
	s1 =	sshrl.u32 s1, $0x2  }
0xbb: {  	s3 =	sand.u32 $0x4000, s31;
	s1 =	sadd.s32 s1, s30  }
0xbc: {  	s0 =	sor.u32 s3, s0;
	s1 =	sshll.u32 s1, $0x11  }
0xbd: {  	s0 =	sor.u32 s1, s0  }
0xbe: {  	s0 =	sadd.s32 $0x8F2B, s0  }
0xbf: {  	[sflag:s0] =	ssyncadd.remote.s32 $0x1  }
0xc0: {  	_ =	sfence.sel $0xFFFF  }
0xc1: {  	[dreg:$0x0] =	wrdreg $0xFFFFFFFF;
	(pc) =	sbr.abs _section_cstart, $3  }
0xc2: {  	[dreg:$0x1] =	wrdreg $0xFFFFFFFF  }
0xc3: {  	_ =	task.clear_ibuf [dreg:s8], $0x2FFFF;
	_ =	strace $0x9FFFFFFF  }
0xc4: {  	(tm) =	ssettm $0x7FFFFFFF  }
0xc5: {  	_ =	shalt  }
tec
execute0_lowered:
.L_overlay_start_1:
0x0: {  	(tag) =	ssettag $0x1  }
0x1: {  	s1 =	srdreg.scid;
	s0 =	stileid.u32  }
0x2: {  	s2 =	rddreg [dreg:$0x0];
	s16 =	sand.u32 $0x1, s1;
	s26 =	sshll.u32 s0, $0x1  }
0x3: {  	s15 =	rddreg [dreg:$0x1];
	s8 =	sor.u32 s16, s26  }
0x4: {  	s9 =	rddreg [dreg:$0x2];
	s18 =	smul.u32 $0x1388, s8  }
0x5: {  	s3 =	simm.s32 $0x0;
	s1 =	rddreg [dreg:$0x3]  }
0x6: {  	[smem:$0x7FF] =	sst s3;
	s4 =	sshrl.u32 s18, $0x3  }
0x7: {  	_ =	strace $0x80000047;
	s5 =	sadd.s32 s15, s4;
	s4 =	simm.s32 $0x2  }
0x8: {  	[tilespmem:s3], [sflag:$0x2] =	stream.linear.gather [hbm4b:s5+s3], $0x3E8, $0x38;
	[tilespmem:$0xFDE8] =	vst v63  }
0x9: {  	_ =	swait.ge [sflag:s4], $0x3E8  }
0xa: {  	[sflag:s4] =	ssyncset.done $0x0  }
0xb: {  	s6 =	simm.s32 $0x3E8;
	s7 =	simm.s32 $0x1;
	[sflag:s4] =	ssyncadd.s32 $0xFFFFFC18  }
0xc: {  	[tilespmem:s6], [sflag:$0x1] =	stream.indirect.gather [hbm4b:s2+s6], $0x40, s3, s6, $0xb8;
	[tilespmem:$0xFDE8] =	vst v63  }
0xd: {  	s8 =	smul.u32 $0x9C40, s8;
	_ =	swait.ge [sflag:s7], $0xFA00  }
0xe: {  	s17 =	sadd.s32 $0xC4C00, s9;
	[sflag:s7] =	ssyncset.done $0x0  }
0xf: {  	s8 =	sadd.s32 s17, s8;
	[sflag:s7] =	ssyncadd.s32 $0xFFFF0600  }
0x10: {  	[hbm4b:s8+s3] =	stream.linear.scatter [tilespmem:s6], [sflag:$0x2], $0xFA00, $0x38;
	[tilespmem:$0xFDE8] =	vst v63  }
0x11: {  	s10 =	sadd.s32 $0x3E8, s18;
	_ =	swait.ge [sflag:s4], $0xFA00  }
0x12: {  	s28 =	sshrl.u32 s10, $0x3;
	[sflag:s4] =	ssyncset.done $0x0  }
0x13: {  	s9 =	sadd.s32 s15, s28;
	[sflag:s4] =	ssyncadd.s32 $0xFFFF0600  }
0x14: {  	[tilespmem:s3], [sflag:$0x2] =	stream.linear.gather [hbm4b:s9+s3], $0x3E8, $0x38;
	[tilespmem:$0xFDE8] =	vst v63  }
0x15: {  	_ =	swait.ge [sflag:s4], $0x3E8  }
0x16: {  	[sflag:s4] =	ssyncset.done $0x0  }
0x17: {  	[sflag:s4] =	ssyncadd.s32 $0xFFFFFC18  }
0x18: {  	[tilespmem:s6], [sflag:$0x1] =	stream.indirect.gather [hbm4b:s2+s6], $0x40, s3, s6, $0xb8;
	[tilespmem:$0xFDE8] =	vst v63  }
0x19: {  	_ =	swait.ge [sflag:s7], $0xFA00  }
0x1a: {  	s10 =	sshll.u32 s10, $0x3;
	[sflag:s7] =	ssyncset.done $0x0  }
0x1b: {  	s10 =	sadd.s32 s17, s10;
	[sflag:s7] =	ssyncadd.s32 $0xFFFF0600  }
0x1c: {  	[hbm4b:s10+s3] =	stream.linear.scatter [tilespmem:s6], [sflag:$0x2], $0xFA00, $0x38;
	[tilespmem:$0xFDE8] =	vst v63  }
0x1d: {  	s12 =	sadd.s32 $0x7D0, s18;
	_ =	swait.ge [sflag:s4], $0xFA00  }
0x1e: {  	s11 =	sshrl.u32 s12, $0x3;
	[sflag:s4] =	ssyncset.done $0x0  }
0x1f: {  	s11 =	sadd.s32 s15, s11;
	[sflag:s4] =	ssyncadd.s32 $0xFFFF0600  }
0x20: {  	[tilespmem:s3], [sflag:$0x2] =	stream.linear.gather [hbm4b:s11+s3], $0x3E8, $0x38;
	[tilespmem:$0xFDE8] =	vst v63  }
0x21: {  	_ =	swait.ge [sflag:s4], $0x3E8  }
0x22: {  	[sflag:s4] =	ssyncset.done $0x0  }
0x23: {  	[sflag:s4] =	ssyncadd.s32 $0xFFFFFC18  }
0x24: {  	[tilespmem:s6], [sflag:$0x1] =	stream.indirect.gather [hbm4b:s2+s6], $0x40, s3, s6, $0xb8;
	[tilespmem:$0xFDE8] =	vst v63  }
0x25: {  	_ =	swait.ge [sflag:s7], $0xFA00  }
0x26: {  	s12 =	sshll.u32 s12, $0x3;
	[sflag:s7] =	ssyncset.done $0x0  }
0x27: {  	s12 =	sadd.s32 s17, s12;
	[sflag:s7] =	ssyncadd.s32 $0xFFFF0600  }
0x28: {  	[hbm4b:s12+s3] =	stream.linear.scatter [tilespmem:s6], [sflag:$0x2], $0xFA00, $0x38;
	[tilespmem:$0xFDE8] =	vst v63  }
0x29: {  	s14 =	sadd.s32 $0xBB8, s18;
	_ =	swait.ge [sflag:s4], $0xFA00  }
0x2a: {  	s13 =	sshrl.u32 s14, $0x3;
	[sflag:s4] =	ssyncset.done $0x0  }
0x2b: {  	s13 =	sadd.s32 s15, s13;
	[sflag:s4] =	ssyncadd.s32 $0xFFFF0600  }
0x2c: {  	[tilespmem:s3], [sflag:$0x2] =	stream.linear.gather [hbm4b:s13+s3], $0x3E8, $0x38;
	[tilespmem:$0xFDE8] =	vst v63  }
0x2d: {  	_ =	swait.ge [sflag:s4], $0x3E8  }
0x2e: {  	[sflag:s4] =	ssyncset.done $0x0  }
0x2f: {  	[sflag:s4] =	ssyncadd.s32 $0xFFFFFC18  }
0x30: {  	[tilespmem:s6], [sflag:$0x1] =	stream.indirect.gather [hbm4b:s2+s6], $0x40, s3, s6, $0xb8;
	[tilespmem:$0xFDE8] =	vst v63  }
0x31: {  	_ =	swait.ge [sflag:s7], $0xFA00  }
0x32: {  	s14 =	sshll.u32 s14, $0x3;
	[sflag:s7] =	ssyncset.done $0x0  }
0x33: {  	s14 =	sadd.s32 s17, s14;
	[sflag:s7] =	ssyncadd.s32 $0xFFFF0600  }
0x34: {  	[hbm4b:s14+s3] =	stream.linear.scatter [tilespmem:s6], [sflag:$0x2], $0xFA00, $0x38;
	[tilespmem:$0xFDE8] =	vst v63  }
0x35: {  	s18 =	sadd.s32 $0xFA0, s18;
	_ =	swait.ge [sflag:s4], $0xFA00  }
0x36: {  	s19 =	sshrl.u32 s18, $0x3;
	[sflag:s4] =	ssyncset.done $0x0  }
0x37: {  	s16 =	ssub.s32 $0x2, s16;
	s15 =	sadd.s32 s15, s19;
	[sflag:s4] =	ssyncadd.s32 $0xFFFF0600  }
0x38: {  	[tilespmem:s3], [sflag:$0x2] =	stream.linear.gather [hbm4b:s15+s3], $0x3E8, $0x38;
	[tilespmem:$0xFDE8] =	vst v63  }
0x39: {  	s29 =	sshrl.u32 s16, $0x1;
	_ =	swait.ge [sflag:s4], $0x3E8  }
0x3a: {  	s19 =	ssub.s32 s16, s29;
	[sflag:s4] =	ssyncset.done $0x0  }
0x3b: {  	s31 =	smax.u32 s19, $0x1;
	[sflag:s4] =	ssyncadd.s32 $0xFFFFFC18  }
0x3c: {  	[tilespmem:s6], [sflag:$0x1] =	stream.indirect.gather [hbm4b:s2+s6], $0x40, s3, s6, $0xb8;
	[tilespmem:$0xFDE8] =	vst v63  }
0x3d: {  	p0 =	sne.s32 s31, $0x1;
	_ =	swait.ge [sflag:s7], $0xFA00  }
.Ltmp0:
0x3e: {  	s30 =	sshll.u32 s18, $0x3;
	[sflag:s7] =	ssyncset.done $0x0;
	(pc) =	sbr.rel @!p0 .LBB2_2-.Ltmp0, $4  }
0x3f: {  	s16 =	sadd.s32 s17, s30;
	[sflag:s7] =	ssyncadd.s32 $0xFFFF0600  }
0x40: {  	[hbm4b:s16+s3] =	stream.linear.scatter [tilespmem:s6], [sflag:$0x2], $0xFA00, $0x38;
	[tilespmem:$0xFDE8] =	vst v63  }
0x41: {  	_ =	swait.ge [sflag:s4], $0xFA00  }
0x42: {  	s17 =	sadd.s32 $0xFFFFFFFF, s31;
	[sflag:s4] =	ssyncset.done $0x0  }
.LBB2_1:
0x43: {  	p0 =	sne.s32 s17, $0x1;
	s17 =	sadd.s32 $0xFFFFFFFF, s17;
	[sflag:s4] =	ssyncadd.s32 $0xFFFF0600  }
0x44: {  	[tilespmem:s3], [sflag:$0x2] =	stream.linear.gather [hbm4b:s5+s3], $0x3E8, $0x38;
	[tilespmem:$0xFDE8] =	vst v63  }
0x45: {  	_ =	swait.ge [sflag:s4], $0x3E8  }
0x46: {  	[sflag:s4] =	ssyncset.done $0x0  }
0x47: {  	[sflag:s4] =	ssyncadd.s32 $0xFFFFFC18  }
0x48: {  	[tilespmem:s6], [sflag:$0x1] =	stream.indirect.gather [hbm4b:s2+s6], $0x40, s3, s6, $0xb8;
	[tilespmem:$0xFDE8] =	vst v63  }
0x49: {  	_ =	swait.ge [sflag:s7], $0xFA00  }
0x4a: {  	[sflag:s7] =	ssyncset.done $0x0  }
0x4b: {  	[sflag:s7] =	ssyncadd.s32 $0xFFFF0600  }
0x4c: {  	[hbm4b:s8+s3] =	stream.linear.scatter [tilespmem:s6], [sflag:$0x2], $0xFA00, $0x38;
	[tilespmem:$0xFDE8] =	vst v63  }
0x4d: {  	_ =	swait.ge [sflag:s4], $0xFA00  }
0x4e: {  	[sflag:s4] =	ssyncset.done $0x0  }
0x4f: {  	[sflag:s4] =	ssyncadd.s32 $0xFFFF0600  }
0x50: {  	[tilespmem:s3], [sflag:$0x2] =	stream.linear.gather [hbm4b:s9+s3], $0x3E8, $0x38;
	[tilespmem:$0xFDE8] =	vst v63  }
0x51: {  	_ =	swait.ge [sflag:s4], $0x3E8  }
0x52: {  	[sflag:s4] =	ssyncset.done $0x0  }
0x53: {  	[sflag:s4] =	ssyncadd.s32 $0xFFFFFC18  }
0x54: {  	[tilespmem:s6], [sflag:$0x1] =	stream.indirect.gather [hbm4b:s2+s6], $0x40, s3, s6, $0xb8;
	[tilespmem:$0xFDE8] =	vst v63  }
0x55: {  	_ =	swait.ge [sflag:s7], $0xFA00  }
0x56: {  	[sflag:s7] =	ssyncset.done $0x0  }
0x57: {  	[sflag:s7] =	ssyncadd.s32 $0xFFFF0600  }
0x58: {  	[hbm4b:s10+s3] =	stream.linear.scatter [tilespmem:s6], [sflag:$0x2], $0xFA00, $0x38;
	[tilespmem:$0xFDE8] =	vst v63  }
0x59: {  	_ =	swait.ge [sflag:s4], $0xFA00  }
0x5a: {  	[sflag:s4] =	ssyncset.done $0x0  }
0x5b: {  	[sflag:s4] =	ssyncadd.s32 $0xFFFF0600  }
0x5c: {  	[tilespmem:s3], [sflag:$0x2] =	stream.linear.gather [hbm4b:s11+s3], $0x3E8, $0x38;
	[tilespmem:$0xFDE8] =	vst v63  }
0x5d: {  	_ =	swait.ge [sflag:s4], $0x3E8  }
0x5e: {  	[sflag:s4] =	ssyncset.done $0x0  }
0x5f: {  	[sflag:s4] =	ssyncadd.s32 $0xFFFFFC18  }
0x60: {  	[tilespmem:s6], [sflag:$0x1] =	stream.indirect.gather [hbm4b:s2+s6], $0x40, s3, s6, $0xb8;
	[tilespmem:$0xFDE8] =	vst v63  }
0x61: {  	_ =	swait.ge [sflag:s7], $0xFA00  }
0x62: {  	[sflag:s7] =	ssyncset.done $0x0  }
0x63: {  	[sflag:s7] =	ssyncadd.s32 $0xFFFF0600  }
0x64: {  	[hbm4b:s12+s3] =	stream.linear.scatter [tilespmem:s6], [sflag:$0x2], $0xFA00, $0x38;
	[tilespmem:$0xFDE8] =	vst v63  }
0x65: {  	_ =	swait.ge [sflag:s4], $0xFA00  }
0x66: {  	[sflag:s4] =	ssyncset.done $0x0  }
0x67: {  	[sflag:s4] =	ssyncadd.s32 $0xFFFF0600  }
0x68: {  	[tilespmem:s3], [sflag:$0x2] =	stream.linear.gather [hbm4b:s13+s3], $0x3E8, $0x38;
	[tilespmem:$0xFDE8] =	vst v63  }
0x69: {  	_ =	swait.ge [sflag:s4], $0x3E8  }
0x6a: {  	[sflag:s4] =	ssyncset.done $0x0  }
0x6b: {  	[sflag:s4] =	ssyncadd.s32 $0xFFFFFC18  }
0x6c: {  	[tilespmem:s6], [sflag:$0x1] =	stream.indirect.gather [hbm4b:s2+s6], $0x40, s3, s6, $0xb8;
	[tilespmem:$0xFDE8] =	vst v63  }
0x6d: {  	_ =	swait.ge [sflag:s7], $0xFA00  }
0x6e: {  	[sflag:s7] =	ssyncset.done $0x0  }
0x6f: {  	[sflag:s7] =	ssyncadd.s32 $0xFFFF0600  }
0x70: {  	[hbm4b:s14+s3] =	stream.linear.scatter [tilespmem:s6], [sflag:$0x2], $0xFA00, $0x38;
	[tilespmem:$0xFDE8] =	vst v63  }
0x71: {  	_ =	swait.ge [sflag:s4], $0xFA00  }
0x72: {  	[sflag:s4] =	ssyncset.done $0x0  }
0x73: {  	[sflag:s4] =	ssyncadd.s32 $0xFFFF0600  }
0x74: {  	[tilespmem:s3], [sflag:$0x2] =	stream.linear.gather [hbm4b:s15+s3], $0x3E8, $0x38;
	[tilespmem:$0xFDE8] =	vst v63  }
0x75: {  	_ =	swait.ge [sflag:s4], $0x3E8  }
0x76: {  	[sflag:s4] =	ssyncset.done $0x0  }
0x77: {  	[sflag:s4] =	ssyncadd.s32 $0xFFFFFC18  }
0x78: {  	[tilespmem:s6], [sflag:$0x1] =	stream.indirect.gather [hbm4b:s2+s6], $0x40, s3, s6, $0xb8;
	[tilespmem:$0xFDE8] =	vst v63  }
0x79: {  	_ =	swait.ge [sflag:s7], $0xFA00  }
.Ltmp1:
0x7a: {  	[sflag:s7] =	ssyncset.done $0x0;
	(pc) =	sbr.rel @p0 .LBB2_1-.Ltmp1, $4  }
0x7b: {  	[sflag:s7] =	ssyncadd.s32 $0xFFFF0600  }
0x7c: {  	[hbm4b:s16+s3] =	stream.linear.scatter [tilespmem:s6], [sflag:$0x2], $0xFA00, $0x38;
	[tilespmem:$0xFDE8] =	vst v63  }
0x7d: {  	_ =	swait.ge [sflag:s4], $0xFA00  }
0x7e: {  	[sflag:s4] =	ssyncset.done $0x0  }
.LBB2_2:
0x7f: {  	[sflag:s4] =	ssyncadd.s32 $0xFFFF0600  }
0x80: {  	_ =	sfence.sel $0x180000  }
0x81: {  	[bflag:$0x0] =	sbarrier.arrive $0xFFFF  }
0x82: {  	p0 =	sne.s32 s0, $0x0;
	_ =	strace $0x90000047  }
0x83: {  	s0 =	sadd.s32 @!p0 $0x100000, s1;
	[bflag:$0x2] =	sbarrier.arrive $0xFFFF  }
0x84: {  	[sflag:s0] =	ssyncadd.tile.s32 @!p0 $0x1;
	_ =	shalt  }
.Lfunc_end2:
_tile_overlayer_lowered:
.L_overlay_start_2:
0x85: {  	(tag) =	ssettag $0x2  }
0x86: {  	s0 =	rddreg [dreg:$0x0];
	s2 =	stileid.u32  }
0x87: {  	s1 =	rddreg [dreg:$0x1];
	p0 =	sne.s32 s2, $0x0  }
0x88: {  	s3 =	rddreg [dreg:$0x2];
	[bflag:$0x3] =	sbarrier.arrive $0xFFFF;
	s2 =	simm.s32 @!p0 $0x1C02  }
0x89: {  	[timem:s3], [sflag:s2] =	dma.local @!p0 [hbm:s0], s1  }
0x8a: {  	s0 =	simm.s32 @!p0 $0x2  }
0x8b: {  	_ =	swait.ge @!p0 [sflag:s0], s1  }
0x8c: {  	s1 =	ssub.s32 @!p0 $0x0, s1;
	[sflag:s0] =	ssyncset.done @!p0 $0x0  }
0x8d: {  	[sflag:s0] =	ssyncadd.s32 @!p0 s1  }
0x8e: {  	[bflag:$0x3] =	sbarrier.arrive $0xFFFF  }
0x8f: {  	_ =	shalt  }

// kernel: kernel.16.cloned.1.call-start
scs
__scs_entry_jumppad:
0x0: {  	(pc) =	sbr.rel $0x88, $3  }
0x1: {  	(tag) =	ssettag $0x0;
	lr =	simm.s32 $0x1  }
0x2: {  	[smem:$0x3F9D] =	sst lr;
	_ =	strace $0xD0000000  }
0x3: {  	_ = 	snop  }
0x4: {  	_ = 	snop  }
0x5: {  	_ = 	snop  }
0x6: {  	_ = 	snop  }
0x7: {  	_ = 	snop  }
__scs_overlays_trampoline_lowered:
0x8: {  	[smem:$0x3FAC] =	sst s0  }
0x9: {  	[smem:$0x3FAD] =	sst s1  }
0xa: {  	[smem:$0x3FAE] =	sst s2  }
0xb: {  	[smem:$0x3FAF] =	sst s3  }
0xc: {  	[smem:$0x3FB0] =	sst s4  }
0xd: {  	[smem:$0x3FB1] =	sst s5  }
0xe: {  	[smem:$0x3FB2] =	sst s6  }
0xf: {  	[smem:$0x3FB3] =	sst s7  }
0x10: {  	[smem:$0x3FB4] =	sst s8  }
0x11: {  	[smem:$0x3FB5] =	sst s9;
	s0 =	simm.s32 @!p0 $0x0  }
0x12: {  	s1 =	sld [smem:$0x3F9B];
	s0 =	simm.s32 @p0 $0x1  }
0x13: {  	[smem:$0x3FB6] =	sst s0;
	s0 =	simm.s32 @!p1 $0x0  }
0x14: {  	s2 =	sld [smem:$0x3F9A];
	s0 =	simm.s32 @p1 $0x1  }
0x15: {  	[smem:$0x3FB7] =	sst s0;
	s0 =	simm.s32 @!p2 $0x0  }
0x16: {  	s3 =	sld [smem:$0x3FDB];
	s0 =	simm.s32 @p2 $0x1  }
0x17: {  	s4 =	simm.s32 $0x1BF5;
	[smem:$0x3FB9] =	sst s0  }
0x18: {  	s0 =	sld [smem:$0x3F9C];
	_ =	swait.ge [sflag:s4], $0x0  }
0x19: {  	s7 =	sld [smem:$0x3F9D]  }
0x1a: {  	s8 =	sadd.s32 $0xFFFFE003, lr  }
0x1b: {  	s9 =	sadd.s32 $0xFFFFFEF7, lr;
	s5 =	simm.s32 $0xFFFFFFFF;
	p2 =	slt.u32 s8, $0xFFFFF086  }
0x1c: {  	p1 =	slt.u32 s9, $0xF7A;
	s5 =	simm.s32 @!p2 $0x0  }
0x1d: {  	s5 =	simm.s32 @p1 $0x1;
	p0 =	seq.s32 s7, s2  }
0x1e: {  	s7 =	smul.u32 @!p0 $0xF7A, s2;
	p2 =	seq.s32 @!p0 s5, $0x0  }
0x1f: {  	s9 =	smul.u32 $0xF7A, s1;
	s8 =	simm.s32 @!p0 $0x1BF5;
	p2 =	por !p2, p0  }
0x20: {  	[sflag:s8] =	ssyncset.s32 @!p0 $0xFFFFF086;
	s6 =	sadd.s32 @!p0 s3, s7;
	s7 =	simm.s32 @!p0 $0x108  }
0x21: {  	s3 =	sadd.s32 s3, s9;
	s6 =	sadd.s32 @!p0 $0x88, s6;
	s7 =	simm.s32 @p2 $0x1082  }
0x22: {  	[simem:s7], [sflag:s8] =	dma.local @!p0 [hbm:s6], $0xF7A  }
0x23: {  	s9 =	sor.u32 $0xD0000000, s2;
	s6 =	simm.s32 $0x108;
	_ =	swait.ge @!p0 [sflag:s8], $0x0  }
0x24: {  	s3 =	sadd.s32 $0x88, s3;
	s6 =	simm.s32 @!p1 $0x1082;
	[sflag:s4] =	ssyncset.s32 $0xFFFFF086  }
0x25: {  	[simem:s6], [sflag:s4] =	dma.local [hbm:s3], $0xF7A  }
0x26: {  	[smem:$0x3F9D] =	sst s1;
	(tag) =	ssettag s2;
	_ =	strace s9  }
0x27: {  	s1 =	sld [smem:$0x3FAD]  }
0x28: {  	s2 =	sld [smem:$0x3FAE]  }
0x29: {  	s4 =	sld [smem:$0x3FB0]  }
0x2a: {  	p0 =	seq.s32 s5, $0x0;
	s5 =	sld [smem:$0x3FB1]  }
0x2b: {  	s6 =	sld [smem:$0x3FB2]  }
0x2c: {  	s7 =	sld [smem:$0x3FB3]  }
0x2d: {  	s3 =	simm.s32 $0x108;
	s8 =	sld [smem:$0x3FB4]  }
0x2e: {  	s3 =	simm.s32 @!p0 $0x1082;
	s9 =	sld [smem:$0x3FB5]  }
0x2f: {  	lr =	sadd.s32 s0, s3;
	s0 =	sld [smem:$0x3FAC]  }
0x30: {  	s3 =	sld [smem:$0x3FAF]  }
0x31: {  	[smem:$0x3FB8] =	sst s10  }
0x32: {  	s10 =	sld [smem:$0x3FB6];
	_ =	sdelay $0x3  }
0x33: {  	p0 =	seq.s32 s10, $0x1;
	s10 =	sld [smem:$0x3FB8];
	_ =	sdelay $0x3  }
0x34: {  	[smem:$0x3FB8] =	sst s10  }
0x35: {  	s10 =	sld [smem:$0x3FB7];
	_ =	sdelay $0x3  }
0x36: {  	p1 =	seq.s32 s10, $0x1;
	s10 =	sld [smem:$0x3FB8];
	_ =	sdelay $0x3  }
0x37: {  	[smem:$0x3FB8] =	sst s10  }
0x38: {  	s10 =	sld [smem:$0x3FB9]  }
0x39: {  	_ = 	snop;
	(pc) =	sbr.ind lr, $3  }
0x3a: {  	_ = 	snop  }
0x3b: {  	_ = 	snop  }
0x3c: {  	p2 =	seq.s32 s10, $0x1;
	s10 =	sld [smem:$0x3FB8]  }
0x3d: {  	_ =	shalt  }
0x3e: {  	_ =	shalt  }
0x3f: {  	_ =	shalt  }
0x40: {  	_ =	shalt  }
0x41: {  	_ =	shalt  }
0x42: {  	_ =	shalt  }
0x43: {  	_ =	shalt  }
0x44: {  	_ =	shalt  }
0x45: {  	_ =	shalt  }
0x46: {  	_ =	shalt  }
0x47: {  	_ =	shalt  }
0x48: {  	_ =	shalt  }
0x49: {  	_ =	shalt  }
0x4a: {  	_ =	shalt  }
0x4b: {  	_ =	shalt  }
0x4c: {  	_ =	shalt  }
0x4d: {  	_ =	shalt  }
0x4e: {  	_ =	shalt  }
0x4f: {  	_ =	shalt  }
0x50: {  	_ =	shalt  }
0x51: {  	_ =	shalt  }
0x52: {  	_ =	shalt  }
0x53: {  	_ =	shalt  }
0x54: {  	_ =	shalt  }
0x55: {  	_ =	shalt  }
0x56: {  	_ =	shalt  }
0x57: {  	_ =	shalt  }
0x58: {  	_ =	shalt  }
0x59: {  	_ =	shalt  }
0x5a: {  	_ =	shalt  }
0x5b: {  	_ =	shalt  }
0x5c: {  	_ =	shalt  }
0x5d: {  	_ =	shalt  }
0x5e: {  	_ =	shalt  }
0x5f: {  	_ =	shalt  }
0x60: {  	_ =	shalt  }
0x61: {  	_ =	shalt  }
0x62: {  	_ =	shalt  }
0x63: {  	_ =	shalt  }
0x64: {  	_ =	shalt  }
0x65: {  	_ =	shalt  }
0x66: {  	_ =	shalt  }
0x67: {  	_ =	shalt  }
0x68: {  	_ =	shalt  }
0x69: {  	_ =	shalt  }
0x6a: {  	_ =	shalt  }
0x6b: {  	_ =	shalt  }
0x6c: {  	_ =	shalt  }
0x6d: {  	_ =	shalt  }
0x6e: {  	_ =	shalt  }
0x6f: {  	_ =	shalt  }
0x70: {  	_ =	shalt  }
0x71: {  	_ =	shalt  }
0x72: {  	_ =	shalt  }
0x73: {  	_ =	shalt  }
0x74: {  	_ =	shalt  }
0x75: {  	_ =	shalt  }
0x76: {  	_ =	shalt  }
0x77: {  	_ =	shalt  }
0x78: {  	_ =	shalt  }
0x79: {  	_ =	shalt  }
0x7a: {  	_ =	shalt  }
0x7b: {  	_ =	shalt  }
0x7c: {  	_ =	shalt  }
0x7d: {  	_ =	shalt  }
0x7e: {  	_ =	shalt  }
0x7f: {  	_ =	shalt  }
0x80: {  	_ =	shalt  }
0x81: {  	_ =	shalt  }
0x82: {  	_ =	shalt  }
0x83: {  	_ =	shalt  }
0x84: {  	_ =	shalt  }
0x85: {  	_ =	shalt  }
0x86: {  	_ =	shalt  }
0x87: {  	_ =	shalt  }
.Lfunc_end0:
.L_simem_size_0:
called_computation.1_lowered:
.L_overlay_start_0:
0x88: {  	s2 =	sld [smem:$0x3FD9]  }
0x89: {  	s3 =	sld [smem:$0x3FFE];
	_ =	sdelay $0x1  }
0x8a: {  	s1 =	srdreg.scid  }
0x8b: {  	s0 =	sand.u32 $0x1, s1  }
0x8c: {  	s17 =	sshll.u32 s0, $0xA;
	s2 =	sadd.s32 s3, s2  }
0x8d: {  	s2 =	sadd.s32 s2, s17  }
0x8e: {  	[smem:$0x3FC4] =	sst s2  }
0x8f: {  	_ = 	snop  }
0x90: {  	s18 =	sld [smem:$0x3FC8]  }
0x91: {  	s4 =	sld [smem:$0x3FD0];
	(tm) =	ssettm $0x1  }
0x92: {  	s19 =	sld [smem:$0x3FFB];
	_ =	sdelay $0x3  }
0x93: {  	_ =	strace s19  }
0x94: {  	s2 =	sld [smem:$0x3FFC];
	_ =	sdelay $0x3  }
0x95: {  	_ =	strace s2  }
0x96: {  	s2 =	sld [smem:$0x3FFD];
	_ =	sdelay $0x3  }
0x97: {  	_ =	strace s2  }
0x98: {  	_ =	strace $0x8FFFFFFF  }
0x99: {  	s20 =	sld [smem:$0x3FDB];
	_ =	sdelay $0x1  }
0x9a: {  	s5 =	simm.s32 $_scs_section_size  }
0x9b: {  	s6 =	simm.s32 $_size__tile_overlayer_lowered;
	s7 =	simm.s32 $_tile_overlayer_lowered  }
0x9c: {  	s8 =	simm.s32 $0x1BFF;
	s21 =	sshll.u32 s7, $0x1;
	s5 =	sadd.s32 s5, s20  }
0x9d: {  	s22 =	simm.s32 $0x0;
	s6 =	sshll.u32 s6, $0x1;
	s7 =	sadd.s32 s21, s5  }
0x9e: {  	[timem:s22], [sflag:s8] =	dma.local [hbm:s7], s6  }
0x9f: {  	_ =	swait.ge [sflag:s8], s6  }
0xa0: {  	s6 =	ssub.s32 $0x0, s6;
	[sflag:s8] =	ssyncset.done $0x0  }
0xa1: {  	[sflag:s8] =	ssyncadd.s32 s6;
	_ =	sdelay $0x1  }
0xa2: {  	s23 =	simm.s32 $0x1B8B  }
0xa3: {  	_ =	swait.ge [sflag:s23], $0x1  }
0xa4: {  	[sflag:s23] =	ssyncset.done $0x0  }
0xa5: {  	[sflag:s23] =	ssyncadd.s32 $0xFFFFFFFF  }
0xa6: {  	s6 =	sld [smem:$0x0]  }
0xa7: {  	s7 =	sand.u32 $0xFFFFFFFE, s1  }
0xa8: {  	p0 =	sne.s32 s1, s7  }
0xa9: {  	s7 =	sshll.u32 @p0 s7, $0xE  }
0xaa: {  	s7 =	sadd.s32 @p0 $0x11B8D, s7;
	s8 =	sshll.u32 @p0 s6, $0x11  }
0xab: {  	s7 =	sor.u32 @p0 s8, s7  }
0xac: {  	[sflag:s7] =	ssyncadd.remote.s32 @p0 $0x1;
	_ =	sdelay $0x1  }
0xad: {  	s7 =	simm.s32 @p0 $0x1B8D  }
0xae: {  	_ =	swait.eq @p0 [sflag:s7], $0x1  }
0xaf: {  	[sflag:s7] =	ssyncadd.s32 @p0 $0xFFFFFFFF  }
0xb0: {  	s8 =	sshll.u32 @!p0 s1, $0xE  }
0xb1: {  	s8 =	sor.u32 @!p0 $0x4000, s8;
	s7 =	simm.s32 @!p0 $0x1B8D  }
0xb2: {  	s6 =	sshll.u32 @!p0 s6, $0x11;
	s8 =	sadd.s32 @!p0 $0x11B8D, s8;
	_ =	swait.eq @!p0 [sflag:s7], $0x1  }
0xb3: {  	s6 =	sor.u32 @!p0 s6, s8;
	[sflag:s7] =	ssyncadd.s32 @!p0 $0xFFFFFFFF  }
0xb4: {  	s25 =	simm.s32 $0x1B8E;
	s24 =	sld [smem:$0x3FFE];
	[sflag:s6] =	ssyncadd.remote.s32 @!p0 $0x1  }
0xb5: {  	s26 =	simm.s32 $execute0_lowered;
	[smem:$0x3FD2] =	sst s25  }
0xb6: {  	s7 =	sshll.u32 s26, $0x1;
	_ =	strace $0x80000049;
	[dreg:$0x1] =	wrdreg $0xFFFFFFFF  }
0xb7: {  	s28 =	simm.s32 $_size_execute0_lowered;
	s5 =	sadd.s32 s5, s7;
	[dreg:$0x0] =	wrdreg $0x0  }
0xb8: {  	s7 =	sshll.u32 s28, $0x1;
	[dreg:$0x2] =	wrdreg s5  }
0xb9: {  	[dreg:$0x3] =	wrdreg s7  }
0xba: {  	[dreg:$0x4] =	wrdreg $0xC0  }
0xbb: {  	_ =	task [dreg:s22], $0x5FFFF  }
0xbc: {  	[dreg:$0x1] =	wrdreg $0xFFFFFFFF  }
0xbd: {  	[dreg:$0x0] =	wrdreg $0x60  }
0xbe: {  	[dreg:$0x2] =	wrdreg s4  }
0xbf: {  	[dreg:$0x3] =	wrdreg s18  }
0xc0: {  	[dreg:$0x4] =	wrdreg s24  }
0xc1: {  	[dreg:$0x5] =	wrdreg $0xA  }
0xc2: {  	_ =	task.clear_ibuf [dreg:s22], $0x6FFFF;
	_ =	strace $0x90000049  }
0xc3: {  	s29 =	simm.s32 $0xA;
	_ =	strace $0x8000004B  }
0xc4: {  	_ =	swait.ge [sflag:s29], $0x1  }
0xc5: {  	[sflag:s29] =	ssyncadd.s32 $0xFFFFFFFF  }
0xc6: {  	_ =	strace $0x9000004B  }
0xc7: {  	_ =	sfence  }
0xc8: {  	s30 =	sld [smem:$0x0];
	_ =	sdelay $0x2  }
0xc9: {  	s31 =	sshll.u32 s1, $0xD;
	s1 =	sshrl.u32 s1, $0x2  }
0xca: {  	s4 =	sand.u32 $0x4000, s31;
	s1 =	sadd.s32 s1, s30  }
0xcb: {  	s0 =	sor.u32 s4, s0;
	s1 =	sshll.u32 s1, $0x11  }
0xcc: {  	s0 =	sor.u32 s1, s0  }
0xcd: {  	s0 =	sadd.s32 $0x8F2B, s0  }
0xce: {  	[sflag:s0] =	ssyncadd.remote.s32 $0x1  }
0xcf: {  	_ =	sfence.sel $0xFFFF  }
0xd0: {  	[dreg:$0x0] =	wrdreg $0xFFFFFFFF;
	(pc) =	sbr.abs _section_cstart, $3  }
0xd1: {  	[dreg:$0x1] =	wrdreg $0xFFFFFFFF  }
0xd2: {  	_ =	task.clear_ibuf [dreg:s22], $0x2FFFF;
	_ =	strace $0x9FFFFFFF  }
0xd3: {  	(tm) =	ssettm $0x7FFFFFFF  }
tec
execute0_lowered:
.L_overlay_start_1:
0x0: {  	(tag) =	ssettag $0x1  }
0x1: {  	s1 =	srdreg.scid;
	s0 =	stileid.u32  }
0x2: {  	s16 =	sand.u32 $0x1, s1;
	s30 =	sshll.u32 s0, $0x1  }
0x3: {  	s2 =	rddreg [dreg:$0x0];
	s6 =	sor.u32 s16, s30  }
0x4: {  	s13 =	rddreg [dreg:$0x1];
	s14 =	smul.u32 $0x1388, s6  }
0x5: {  	s8 =	rddreg [dreg:$0x2]  }
0x6: {  	s3 =	simm.s32 $0x0;
	s1 =	rddreg [dreg:$0x3];
	s4 =	sshrl.u32 s14, $0x3  }
0x7: {  	[smem:$0x7FF] =	sst s3;
	s15 =	sadd.s32 s13, s4  }
0x8: {  	_ =	strace $0x8000004A;
	s4 =	simm.s32 $0x2;
	s5 =	sadd.s32 $0x4E20, s15  }
0x9: {  	[tilespmem:s3], [sflag:$0x2] =	stream.linear.gather [hbm4b:s5+s3], $0x3E8, $0x38;
	[tilespmem:$0xFDE8] =	vst v63  }
0xa: {  	_ =	swait.ge [sflag:s4], $0x3E8  }
0xb: {  	s7 =	simm.s32 $0x1;
	[sflag:s4] =	ssyncset.done $0x0  }
0xc: {  	s9 =	smul.u32 $0x9C40, s6;
	s6 =	simm.s32 $0x3E8;
	[sflag:s4] =	ssyncadd.s32 $0xFFFFFC18  }
0xd: {  	[tilespmem:s6], [sflag:$0x1] =	stream.indirect.gather [hbm4b:s2+s6], $0x40, s3, s6, $0xb8;
	[tilespmem:$0xFDE8] =	vst v63  }
0xe: {  	_ =	swait.ge [sflag:s7], $0xFA00  }
0xf: {  	s17 =	sadd.s32 s9, s8;
	[sflag:s7] =	ssyncset.done $0x0  }
0x10: {  	s8 =	sadd.s32 $0x1FD400, s17;
	[sflag:s7] =	ssyncadd.s32 $0xFFFF0600  }
0x11: {  	[hbm4b:s8+s3] =	stream.linear.scatter [tilespmem:s6], [sflag:$0x2], $0xFA00, $0x38;
	[tilespmem:$0xFDE8] =	vst v63  }
0x12: {  	s31 =	sadd.s32 $0x274E8, s14;
	_ =	swait.ge [sflag:s4], $0xFA00  }
0x13: {  	s9 =	sshrl.u32 s31, $0x3;
	[sflag:s4] =	ssyncset.done $0x0  }
0x14: {  	s9 =	sadd.s32 s13, s9;
	[sflag:s4] =	ssyncadd.s32 $0xFFFF0600  }
0x15: {  	[tilespmem:s3], [sflag:$0x2] =	stream.linear.gather [hbm4b:s9+s3], $0x3E8, $0x38;
	[tilespmem:$0xFDE8] =	vst v63  }
0x16: {  	_ =	swait.ge [sflag:s4], $0x3E8  }
0x17: {  	[sflag:s4] =	ssyncset.done $0x0  }
0x18: {  	[sflag:s4] =	ssyncadd.s32 $0xFFFFFC18  }
0x19: {  	[tilespmem:s6], [sflag:$0x1] =	stream.indirect.gather [hbm4b:s2+s6], $0x40, s3, s6, $0xb8;
	[tilespmem:$0xFDE8] =	vst v63  }
0x1a: {  	_ =	swait.ge [sflag:s7], $0xFA00  }
0x1b: {  	[sflag:s7] =	ssyncset.done $0x0  }
0x1c: {  	s10 =	sadd.s32 $0x1FF340, s17;
	[sflag:s7] =	ssyncadd.s32 $0xFFFF0600  }
0x1d: {  	[hbm4b:s10+s3] =	stream.linear.scatter [tilespmem:s6], [sflag:$0x2], $0xFA00, $0x38;
	[tilespmem:$0xFDE8] =	vst v63  }
0x1e: {  	_ =	swait.ge [sflag:s4], $0xFA00  }
0x1f: {  	[sflag:s4] =	ssyncset.done $0x0  }
0x20: {  	s11 =	sadd.s32 $0x4F1A, s15;
	[sflag:s4] =	ssyncadd.s32 $0xFFFF0600  }
0x21: {  	[tilespmem:s3], [sflag:$0x2] =	stream.linear.gather [hbm4b:s11+s3], $0x3E8, $0x38;
	[tilespmem:$0xFDE8] =	vst v63  }
0x22: {  	_ =	swait.ge [sflag:s4], $0x3E8  }
0x23: {  	[sflag:s4] =	ssyncset.done $0x0  }
0x24: {  	[sflag:s4] =	ssyncadd.s32 $0xFFFFFC18  }
0x25: {  	[tilespmem:s6], [sflag:$0x1] =	stream.indirect.gather [hbm4b:s2+s6], $0x40, s3, s6, $0xb8;
	[tilespmem:$0xFDE8] =	vst v63  }
0x26: {  	_ =	swait.ge [sflag:s7], $0xFA00  }
0x27: {  	[sflag:s7] =	ssyncset.done $0x0  }
0x28: {  	s12 =	sadd.s32 $0x201280, s17;
	[sflag:s7] =	ssyncadd.s32 $0xFFFF0600  }
0x29: {  	[hbm4b:s12+s3] =	stream.linear.scatter [tilespmem:s6], [sflag:$0x2], $0xFA00, $0x38;
	[tilespmem:$0xFDE8] =	vst v63  }
0x2a: {  	s14 =	sadd.s32 $0x27CB8, s14;
	_ =	swait.ge [sflag:s4], $0xFA00  }
0x2b: {  	s14 =	sshrl.u32 s14, $0x3;
	[sflag:s4] =	ssyncset.done $0x0  }
0x2c: {  	s13 =	sadd.s32 s13, s14;
	[sflag:s4] =	ssyncadd.s32 $0xFFFF0600  }
0x2d: {  	[tilespmem:s3], [sflag:$0x2] =	stream.linear.gather [hbm4b:s13+s3], $0x3E8, $0x38;
	[tilespmem:$0xFDE8] =	vst v63  }
0x2e: {  	_ =	swait.ge [sflag:s4], $0x3E8  }
0x2f: {  	[sflag:s4] =	ssyncset.done $0x0  }
0x30: {  	[sflag:s4] =	ssyncadd.s32 $0xFFFFFC18  }
0x31: {  	[tilespmem:s6], [sflag:$0x1] =	stream.indirect.gather [hbm4b:s2+s6], $0x40, s3, s6, $0xb8;
	[tilespmem:$0xFDE8] =	vst v63  }
0x32: {  	_ =	swait.ge [sflag:s7], $0xFA00  }
0x33: {  	[sflag:s7] =	ssyncset.done $0x0  }
0x34: {  	s14 =	sadd.s32 $0x2031C0, s17;
	[sflag:s7] =	ssyncadd.s32 $0xFFFF0600  }
0x35: {  	[hbm4b:s14+s3] =	stream.linear.scatter [tilespmem:s6], [sflag:$0x2], $0xFA00, $0x38;
	[tilespmem:$0xFDE8] =	vst v63  }
0x36: {  	_ =	swait.ge [sflag:s4], $0xFA00  }
0x37: {  	[sflag:s4] =	ssyncset.done $0x0  }
0x38: {  	s16 =	ssub.s32 $0x2, s16;
	s15 =	sadd.s32 $0x5014, s15;
	[sflag:s4] =	ssyncadd.s32 $0xFFFF0600  }
0x39: {  	[tilespmem:s3], [sflag:$0x2] =	stream.linear.gather [hbm4b:s15+s3], $0x3E8, $0x38;
	[tilespmem:$0xFDE8] =	vst v63  }
0x3a: {  	s18 =	sshrl.u32 s16, $0x1;
	_ =	swait.ge [sflag:s4], $0x3E8  }
0x3b: {  	s16 =	ssub.s32 s16, s18;
	[sflag:s4] =	ssyncset.done $0x0  }
0x3c: {  	s18 =	smax.u32 s16, $0x1;
	[sflag:s4] =	ssyncadd.s32 $0xFFFFFC18  }
0x3d: {  	[tilespmem:s6], [sflag:$0x1] =	stream.indirect.gather [hbm4b:s2+s6], $0x40, s3, s6, $0xb8;
	[tilespmem:$0xFDE8] =	vst v63  }
0x3e: {  	p0 =	sne.s32 s18, $0x1;
	_ =	swait.ge [sflag:s7], $0xFA00  }
.Ltmp0:
0x3f: {  	[sflag:s7] =	ssyncset.done $0x0;
	(pc) =	sbr.rel @!p0 .LBB2_2-.Ltmp0, $4  }
0x40: {  	s16 =	sadd.s32 $0x205100, s17;
	[sflag:s7] =	ssyncadd.s32 $0xFFFF0600  }
0x41: {  	[hbm4b:s16+s3] =	stream.linear.scatter [tilespmem:s6], [sflag:$0x2], $0xFA00, $0x38;
	[tilespmem:$0xFDE8] =	vst v63  }
0x42: {  	_ =	swait.ge [sflag:s4], $0xFA00  }
0x43: {  	s17 =	sadd.s32 $0xFFFFFFFF, s18;
	[sflag:s4] =	ssyncset.done $0x0  }
.LBB2_1:
0x44: {  	p0 =	sne.s32 s17, $0x1;
	s17 =	sadd.s32 $0xFFFFFFFF, s17;
	[sflag:s4] =	ssyncadd.s32 $0xFFFF0600  }
0x45: {  	[tilespmem:s3], [sflag:$0x2] =	stream.linear.gather [hbm4b:s5+s3], $0x3E8, $0x38;
	[tilespmem:$0xFDE8] =	vst v63  }
0x46: {  	_ =	swait.ge [sflag:s4], $0x3E8  }
0x47: {  	[sflag:s4] =	ssyncset.done $0x0  }
0x48: {  	[sflag:s4] =	ssyncadd.s32 $0xFFFFFC18  }
0x49: {  	[tilespmem:s6], [sflag:$0x1] =	stream.indirect.gather [hbm4b:s2+s6], $0x40, s3, s6, $0xb8;
	[tilespmem:$0xFDE8] =	vst v63  }
0x4a: {  	_ =	swait.ge [sflag:s7], $0xFA00  }
0x4b: {  	[sflag:s7] =	ssyncset.done $0x0  }
0x4c: {  	[sflag:s7] =	ssyncadd.s32 $0xFFFF0600  }
0x4d: {  	[hbm4b:s8+s3] =	stream.linear.scatter [tilespmem:s6], [sflag:$0x2], $0xFA00, $0x38;
	[tilespmem:$0xFDE8] =	vst v63  }
0x4e: {  	_ =	swait.ge [sflag:s4], $0xFA00  }
0x4f: {  	[sflag:s4] =	ssyncset.done $0x0  }
0x50: {  	[sflag:s4] =	ssyncadd.s32 $0xFFFF0600  }
0x51: {  	[tilespmem:s3], [sflag:$0x2] =	stream.linear.gather [hbm4b:s9+s3], $0x3E8, $0x38;
	[tilespmem:$0xFDE8] =	vst v63  }
0x52: {  	_ =	swait.ge [sflag:s4], $0x3E8  }
0x53: {  	[sflag:s4] =	ssyncset.done $0x0  }
0x54: {  	[sflag:s4] =	ssyncadd.s32 $0xFFFFFC18  }
0x55: {  	[tilespmem:s6], [sflag:$0x1] =	stream.indirect.gather [hbm4b:s2+s6], $0x40, s3, s6, $0xb8;
	[tilespmem:$0xFDE8] =	vst v63  }
0x56: {  	_ =	swait.ge [sflag:s7], $0xFA00  }
0x57: {  	[sflag:s7] =	ssyncset.done $0x0  }
0x58: {  	[sflag:s7] =	ssyncadd.s32 $0xFFFF0600  }
0x59: {  	[hbm4b:s10+s3] =	stream.linear.scatter [tilespmem:s6], [sflag:$0x2], $0xFA00, $0x38;
	[tilespmem:$0xFDE8] =	vst v63  }
0x5a: {  	_ =	swait.ge [sflag:s4], $0xFA00  }
0x5b: {  	[sflag:s4] =	ssyncset.done $0x0  }
0x5c: {  	[sflag:s4] =	ssyncadd.s32 $0xFFFF0600  }
0x5d: {  	[tilespmem:s3], [sflag:$0x2] =	stream.linear.gather [hbm4b:s11+s3], $0x3E8, $0x38;
	[tilespmem:$0xFDE8] =	vst v63  }
0x5e: {  	_ =	swait.ge [sflag:s4], $0x3E8  }
0x5f: {  	[sflag:s4] =	ssyncset.done $0x0  }
0x60: {  	[sflag:s4] =	ssyncadd.s32 $0xFFFFFC18  }
0x61: {  	[tilespmem:s6], [sflag:$0x1] =	stream.indirect.gather [hbm4b:s2+s6], $0x40, s3, s6, $0xb8;
	[tilespmem:$0xFDE8] =	vst v63  }
0x62: {  	_ =	swait.ge [sflag:s7], $0xFA00  }
0x63: {  	[sflag:s7] =	ssyncset.done $0x0  }
0x64: {  	[sflag:s7] =	ssyncadd.s32 $0xFFFF0600  }
0x65: {  	[hbm4b:s12+s3] =	stream.linear.scatter [tilespmem:s6], [sflag:$0x2], $0xFA00, $0x38;
	[tilespmem:$0xFDE8] =	vst v63  }
0x66: {  	_ =	swait.ge [sflag:s4], $0xFA00  }
0x67: {  	[sflag:s4] =	ssyncset.done $0x0  }
0x68: {  	[sflag:s4] =	ssyncadd.s32 $0xFFFF0600  }
0x69: {  	[tilespmem:s3], [sflag:$0x2] =	stream.linear.gather [hbm4b:s13+s3], $0x3E8, $0x38;
	[tilespmem:$0xFDE8] =	vst v63  }
0x6a: {  	_ =	swait.ge [sflag:s4], $0x3E8  }
0x6b: {  	[sflag:s4] =	ssyncset.done $0x0  }
0x6c: {  	[sflag:s4] =	ssyncadd.s32 $0xFFFFFC18  }
0x6d: {  	[tilespmem:s6], [sflag:$0x1] =	stream.indirect.gather [hbm4b:s2+s6], $0x40, s3, s6, $0xb8;
	[tilespmem:$0xFDE8] =	vst v63  }
0x6e: {  	_ =	swait.ge [sflag:s7], $0xFA00  }
0x6f: {  	[sflag:s7] =	ssyncset.done $0x0  }
0x70: {  	[sflag:s7] =	ssyncadd.s32 $0xFFFF0600  }
0x71: {  	[hbm4b:s14+s3] =	stream.linear.scatter [tilespmem:s6], [sflag:$0x2], $0xFA00, $0x38;
	[tilespmem:$0xFDE8] =	vst v63  }
0x72: {  	_ =	swait.ge [sflag:s4], $0xFA00  }
0x73: {  	[sflag:s4] =	ssyncset.done $0x0  }
0x74: {  	[sflag:s4] =	ssyncadd.s32 $0xFFFF0600  }
0x75: {  	[tilespmem:s3], [sflag:$0x2] =	stream.linear.gather [hbm4b:s15+s3], $0x3E8, $0x38;
	[tilespmem:$0xFDE8] =	vst v63  }
0x76: {  	_ =	swait.ge [sflag:s4], $0x3E8  }
0x77: {  	[sflag:s4] =	ssyncset.done $0x0  }
0x78: {  	[sflag:s4] =	ssyncadd.s32 $0xFFFFFC18  }
0x79: {  	[tilespmem:s6], [sflag:$0x1] =	stream.indirect.gather [hbm4b:s2+s6], $0x40, s3, s6, $0xb8;
	[tilespmem:$0xFDE8] =	vst v63  }
0x7a: {  	_ =	swait.ge [sflag:s7], $0xFA00  }
.Ltmp1:
0x7b: {  	[sflag:s7] =	ssyncset.done $0x0;
	(pc) =	sbr.rel @p0 .LBB2_1-.Ltmp1, $4  }
0x7c: {  	[sflag:s7] =	ssyncadd.s32 $0xFFFF0600  }
0x7d: {  	[hbm4b:s16+s3] =	stream.linear.scatter [tilespmem:s6], [sflag:$0x2], $0xFA00, $0x38;
	[tilespmem:$0xFDE8] =	vst v63  }
0x7e: {  	_ =	swait.ge [sflag:s4], $0xFA00  }
0x7f: {  	[sflag:s4] =	ssyncset.done $0x0  }
.LBB2_2:
0x80: {  	[sflag:s4] =	ssyncadd.s32 $0xFFFF0600  }
0x81: {  	_ =	sfence.sel $0x180000  }
0x82: {  	[bflag:$0x0] =	sbarrier.arrive $0xFFFF  }
0x83: {  	p0 =	sne.s32 s0, $0x0;
	_ =	strace $0x9000004A  }
0x84: {  	s0 =	sadd.s32 @!p0 $0x100000, s1;
	[bflag:$0x2] =	sbarrier.arrive $0xFFFF  }
0x85: {  	[sflag:s0] =	ssyncadd.tile.s32 @!p0 $0x1;
	_ =	shalt  }
.Lfunc_end2:
_tile_overlayer_lowered:
.L_overlay_start_2:
0x86: {  	(tag) =	ssettag $0x2  }
0x87: {  	s0 =	rddreg [dreg:$0x0];
	s2 =	stileid.u32  }
0x88: {  	s1 =	rddreg [dreg:$0x1];
	p0 =	sne.s32 s2, $0x0  }
0x89: {  	s3 =	rddreg [dreg:$0x2];
	[bflag:$0x3] =	sbarrier.arrive $0xFFFF;
	s2 =	simm.s32 @!p0 $0x1C02  }
0x8a: {  	[timem:s3], [sflag:s2] =	dma.local @!p0 [hbm:s0], s1  }
0x8b: {  	s0 =	simm.s32 @!p0 $0x2  }
0x8c: {  	_ =	swait.ge @!p0 [sflag:s0], s1  }
0x8d: {  	s1 =	ssub.s32 @!p0 $0x0, s1;
	[sflag:s0] =	ssyncset.done @!p0 $0x0  }
0x8e: {  	[sflag:s0] =	ssyncadd.s32 @!p0 s1  }
0x8f: {  	[bflag:$0x3] =	sbarrier.arrive $0xFFFF  }
0x90: {  	_ =	shalt  }

// kernel: kernel.19.cloned.1.call-start
scs
__scs_entry_jumppad:
0x0: {  	(pc) =	sbr.rel $0x88, $3  }
0x1: {  	(tag) =	ssettag $0x0;
	lr =	simm.s32 $0x1  }
0x2: {  	[smem:$0x3F9D] =	sst lr;
	_ =	strace $0xD0000000  }
0x3: {  	_ = 	snop  }
0x4: {  	_ = 	snop  }
0x5: {  	_ = 	snop  }
0x6: {  	_ = 	snop  }
0x7: {  	_ = 	snop  }
__scs_overlays_trampoline_lowered:
0x8: {  	[smem:$0x3FAC] =	sst s0  }
0x9: {  	[smem:$0x3FAD] =	sst s1  }
0xa: {  	[smem:$0x3FAE] =	sst s2  }
0xb: {  	[smem:$0x3FAF] =	sst s3  }
0xc: {  	[smem:$0x3FB0] =	sst s4  }
0xd: {  	[smem:$0x3FB1] =	sst s5  }
0xe: {  	[smem:$0x3FB2] =	sst s6  }
0xf: {  	[smem:$0x3FB3] =	sst s7  }
0x10: {  	[smem:$0x3FB4] =	sst s8  }
0x11: {  	[smem:$0x3FB5] =	sst s9;
	s0 =	simm.s32 @!p0 $0x0  }
0x12: {  	s1 =	sld [smem:$0x3F9B];
	s0 =	simm.s32 @p0 $0x1  }
0x13: {  	[smem:$0x3FB6] =	sst s0;
	s0 =	simm.s32 @!p1 $0x0  }
0x14: {  	s2 =	sld [smem:$0x3F9A];
	s0 =	simm.s32 @p1 $0x1  }
0x15: {  	[smem:$0x3FB7] =	sst s0;
	s0 =	simm.s32 @!p2 $0x0  }
0x16: {  	s3 =	sld [smem:$0x3FDB];
	s0 =	simm.s32 @p2 $0x1  }
0x17: {  	s4 =	simm.s32 $0x1BF5;
	[smem:$0x3FB9] =	sst s0  }
0x18: {  	s0 =	sld [smem:$0x3F9C];
	_ =	swait.ge [sflag:s4], $0x0  }
0x19: {  	s7 =	sld [smem:$0x3F9D]  }
0x1a: {  	s8 =	sadd.s32 $0xFFFFE003, lr  }
0x1b: {  	s9 =	sadd.s32 $0xFFFFFEF7, lr;
	s5 =	simm.s32 $0xFFFFFFFF;
	p2 =	slt.u32 s8, $0xFFFFF086  }
0x1c: {  	p1 =	slt.u32 s9, $0xF7A;
	s5 =	simm.s32 @!p2 $0x0  }
0x1d: {  	s5 =	simm.s32 @p1 $0x1;
	p0 =	seq.s32 s7, s2  }
0x1e: {  	s7 =	smul.u32 @!p0 $0xF7A, s2;
	p2 =	seq.s32 @!p0 s5, $0x0  }
0x1f: {  	s9 =	smul.u32 $0xF7A, s1;
	s8 =	simm.s32 @!p0 $0x1BF5;
	p2 =	por !p2, p0  }
0x20: {  	[sflag:s8] =	ssyncset.s32 @!p0 $0xFFFFF086;
	s6 =	sadd.s32 @!p0 s3, s7;
	s7 =	simm.s32 @!p0 $0x108  }
0x21: {  	s3 =	sadd.s32 s3, s9;
	s6 =	sadd.s32 @!p0 $0x88, s6;
	s7 =	simm.s32 @p2 $0x1082  }
0x22: {  	[simem:s7], [sflag:s8] =	dma.local @!p0 [hbm:s6], $0xF7A  }
0x23: {  	s9 =	sor.u32 $0xD0000000, s2;
	s6 =	simm.s32 $0x108;
	_ =	swait.ge @!p0 [sflag:s8], $0x0  }
0x24: {  	s3 =	sadd.s32 $0x88, s3;
	s6 =	simm.s32 @!p1 $0x1082;
	[sflag:s4] =	ssyncset.s32 $0xFFFFF086  }
0x25: {  	[simem:s6], [sflag:s4] =	dma.local [hbm:s3], $0xF7A  }
0x26: {  	[smem:$0x3F9D] =	sst s1;
	(tag) =	ssettag s2;
	_ =	strace s9  }
0x27: {  	s1 =	sld [smem:$0x3FAD]  }
0x28: {  	s2 =	sld [smem:$0x3FAE]  }
0x29: {  	s4 =	sld [smem:$0x3FB0]  }
0x2a: {  	p0 =	seq.s32 s5, $0x0;
	s5 =	sld [smem:$0x3FB1]  }
0x2b: {  	s6 =	sld [smem:$0x3FB2]  }
0x2c: {  	s7 =	sld [smem:$0x3FB3]  }
0x2d: {  	s3 =	simm.s32 $0x108;
	s8 =	sld [smem:$0x3FB4]  }
0x2e: {  	s3 =	simm.s32 @!p0 $0x1082;
	s9 =	sld [smem:$0x3FB5]  }
0x2f: {  	lr =	sadd.s32 s0, s3;
	s0 =	sld [smem:$0x3FAC]  }
0x30: {  	s3 =	sld [smem:$0x3FAF]  }
0x31: {  	[smem:$0x3FB8] =	sst s10  }
0x32: {  	s10 =	sld [smem:$0x3FB6];
	_ =	sdelay $0x3  }
0x33: {  	p0 =	seq.s32 s10, $0x1;
	s10 =	sld [smem:$0x3FB8];
	_ =	sdelay $0x3  }
0x34: {  	[smem:$0x3FB8] =	sst s10  }
0x35: {  	s10 =	sld [smem:$0x3FB7];
	_ =	sdelay $0x3  }
0x36: {  	p1 =	seq.s32 s10, $0x1;
	s10 =	sld [smem:$0x3FB8];
	_ =	sdelay $0x3  }
0x37: {  	[smem:$0x3FB8] =	sst s10  }
0x38: {  	s10 =	sld [smem:$0x3FB9]  }
0x39: {  	_ = 	snop;
	(pc) =	sbr.ind lr, $3  }
0x3a: {  	_ = 	snop  }
0x3b: {  	_ = 	snop  }
0x3c: {  	p2 =	seq.s32 s10, $0x1;
	s10 =	sld [smem:$0x3FB8]  }
0x3d: {  	_ =	shalt  }
0x3e: {  	_ =	shalt  }
0x3f: {  	_ =	shalt  }
0x40: {  	_ =	shalt  }
0x41: {  	_ =	shalt  }
0x42: {  	_ =	shalt  }
0x43: {  	_ =	shalt  }
0x44: {  	_ =	shalt  }
0x45: {  	_ =	shalt  }
0x46: {  	_ =	shalt  }
0x47: {  	_ =	shalt  }
0x48: {  	_ =	shalt  }
0x49: {  	_ =	shalt  }
0x4a: {  	_ =	shalt  }
0x4b: {  	_ =	shalt  }
0x4c: {  	_ =	shalt  }
0x4d: {  	_ =	shalt  }
0x4e: {  	_ =	shalt  }
0x4f: {  	_ =	shalt  }
0x50: {  	_ =	shalt  }
0x51: {  	_ =	shalt  }
0x52: {  	_ =	shalt  }
0x53: {  	_ =	shalt  }
0x54: {  	_ =	shalt  }
0x55: {  	_ =	shalt  }
0x56: {  	_ =	shalt  }
0x57: {  	_ =	shalt  }
0x58: {  	_ =	shalt  }
0x59: {  	_ =	shalt  }
0x5a: {  	_ =	shalt  }
0x5b: {  	_ =	shalt  }
0x5c: {  	_ =	shalt  }
0x5d: {  	_ =	shalt  }
0x5e: {  	_ =	shalt  }
0x5f: {  	_ =	shalt  }
0x60: {  	_ =	shalt  }
0x61: {  	_ =	shalt  }
0x62: {  	_ =	shalt  }
0x63: {  	_ =	shalt  }
0x64: {  	_ =	shalt  }
0x65: {  	_ =	shalt  }
0x66: {  	_ =	shalt  }
0x67: {  	_ =	shalt  }
0x68: {  	_ =	shalt  }
0x69: {  	_ =	shalt  }
0x6a: {  	_ =	shalt  }
0x6b: {  	_ =	shalt  }
0x6c: {  	_ =	shalt  }
0x6d: {  	_ =	shalt  }
0x6e: {  	_ =	shalt  }
0x6f: {  	_ =	shalt  }
0x70: {  	_ =	shalt  }
0x71: {  	_ =	shalt  }
0x72: {  	_ =	shalt  }
0x73: {  	_ =	shalt  }
0x74: {  	_ =	shalt  }
0x75: {  	_ =	shalt  }
0x76: {  	_ =	shalt  }
0x77: {  	_ =	shalt  }
0x78: {  	_ =	shalt  }
0x79: {  	_ =	shalt  }
0x7a: {  	_ =	shalt  }
0x7b: {  	_ =	shalt  }
0x7c: {  	_ =	shalt  }
0x7d: {  	_ =	shalt  }
0x7e: {  	_ =	shalt  }
0x7f: {  	_ =	shalt  }
0x80: {  	_ =	shalt  }
0x81: {  	_ =	shalt  }
0x82: {  	_ =	shalt  }
0x83: {  	_ =	shalt  }
0x84: {  	_ =	shalt  }
0x85: {  	_ =	shalt  }
0x86: {  	_ =	shalt  }
0x87: {  	_ =	shalt  }
.Lfunc_end0:
.L_simem_size_0:
called_computation.2_lowered:
.L_overlay_start_0:
0x88: {  	s2 =	sld [smem:$0x3FD9]  }
0x89: {  	s3 =	sld [smem:$0x3FFE];
	_ =	sdelay $0x1  }
0x8a: {  	s1 =	srdreg.scid  }
0x8b: {  	s0 =	sand.u32 $0x1, s1  }
0x8c: {  	s17 =	sshll.u32 s0, $0xA;
	s2 =	sadd.s32 s3, s2  }
0x8d: {  	s2 =	sadd.s32 s2, s17  }
0x8e: {  	[smem:$0x3FC4] =	sst s2  }
0x8f: {  	_ = 	snop  }
0x90: {  	s18 =	sld [smem:$0x3FC8]  }
0x91: {  	s4 =	sld [smem:$0x3FD0];
	(tm) =	ssettm $0x1  }
0x92: {  	s19 =	sld [smem:$0x3FFB];
	_ =	sdelay $0x3  }
0x93: {  	_ =	strace s19  }
0x94: {  	s2 =	sld [smem:$0x3FFC];
	_ =	sdelay $0x3  }
0x95: {  	_ =	strace s2  }
0x96: {  	s2 =	sld [smem:$0x3FFD];
	_ =	sdelay $0x3  }
0x97: {  	_ =	strace s2  }
0x98: {  	_ =	strace $0x8FFFFFFF  }
0x99: {  	s20 =	sld [smem:$0x3FDB];
	_ =	sdelay $0x1  }
0x9a: {  	s5 =	simm.s32 $_scs_section_size  }
0x9b: {  	s6 =	simm.s32 $_size__tile_overlayer_lowered;
	s7 =	simm.s32 $_tile_overlayer_lowered  }
0x9c: {  	s8 =	simm.s32 $0x1BFF;
	s21 =	sshll.u32 s7, $0x1;
	s5 =	sadd.s32 s5, s20  }
0x9d: {  	s22 =	simm.s32 $0x0;
	s6 =	sshll.u32 s6, $0x1;
	s7 =	sadd.s32 s21, s5  }
0x9e: {  	[timem:s22], [sflag:s8] =	dma.local [hbm:s7], s6  }
0x9f: {  	_ =	swait.ge [sflag:s8], s6  }
0xa0: {  	s6 =	ssub.s32 $0x0, s6;
	[sflag:s8] =	ssyncset.done $0x0  }
0xa1: {  	[sflag:s8] =	ssyncadd.s32 s6;
	_ =	sdelay $0x1  }
0xa2: {  	s23 =	simm.s32 $0x1B8B  }
0xa3: {  	_ =	swait.ge [sflag:s23], $0x1  }
0xa4: {  	[sflag:s23] =	ssyncset.done $0x0  }
0xa5: {  	[sflag:s23] =	ssyncadd.s32 $0xFFFFFFFF  }
0xa6: {  	s6 =	sld [smem:$0x0]  }
0xa7: {  	s7 =	sand.u32 $0xFFFFFFFE, s1  }
0xa8: {  	p0 =	sne.s32 s1, s7  }
0xa9: {  	s7 =	sshll.u32 @p0 s7, $0xE  }
0xaa: {  	s7 =	sadd.s32 @p0 $0x11B8D, s7;
	s8 =	sshll.u32 @p0 s6, $0x11  }
0xab: {  	s7 =	sor.u32 @p0 s8, s7  }
0xac: {  	[sflag:s7] =	ssyncadd.remote.s32 @p0 $0x1;
	_ =	sdelay $0x1  }
0xad: {  	s7 =	simm.s32 @p0 $0x1B8D  }
0xae: {  	_ =	swait.eq @p0 [sflag:s7], $0x1  }
0xaf: {  	[sflag:s7] =	ssyncadd.s32 @p0 $0xFFFFFFFF  }
0xb0: {  	s8 =	sshll.u32 @!p0 s1, $0xE  }
0xb1: {  	s8 =	sor.u32 @!p0 $0x4000, s8;
	s7 =	simm.s32 @!p0 $0x1B8D  }
0xb2: {  	s6 =	sshll.u32 @!p0 s6, $0x11;
	s8 =	sadd.s32 @!p0 $0x11B8D, s8;
	_ =	swait.eq @!p0 [sflag:s7], $0x1  }
0xb3: {  	s6 =	sor.u32 @!p0 s6, s8;
	[sflag:s7] =	ssyncadd.s32 @!p0 $0xFFFFFFFF  }
0xb4: {  	s25 =	simm.s32 $0x1B8E;
	s24 =	sld [smem:$0x3FFE];
	[sflag:s6] =	ssyncadd.remote.s32 @!p0 $0x1  }
0xb5: {  	s26 =	simm.s32 $execute0_lowered;
	[smem:$0x3FD2] =	sst s25  }
0xb6: {  	s7 =	sshll.u32 s26, $0x1;
	_ =	strace $0x8000004C;
	[dreg:$0x1] =	wrdreg $0xFFFFFFFF  }
0xb7: {  	s28 =	simm.s32 $_size_execute0_lowered;
	s5 =	sadd.s32 s5, s7;
	[dreg:$0x0] =	wrdreg $0x0  }
0xb8: {  	s7 =	sshll.u32 s28, $0x1;
	[dreg:$0x2] =	wrdreg s5  }
0xb9: {  	[dreg:$0x3] =	wrdreg s7  }
0xba: {  	[dreg:$0x4] =	wrdreg $0xC0  }
0xbb: {  	_ =	task [dreg:s22], $0x5FFFF  }
0xbc: {  	[dreg:$0x1] =	wrdreg $0xFFFFFFFF  }
0xbd: {  	[dreg:$0x0] =	wrdreg $0x60  }
0xbe: {  	[dreg:$0x2] =	wrdreg s4  }
0xbf: {  	[dreg:$0x3] =	wrdreg s18  }
0xc0: {  	[dreg:$0x4] =	wrdreg s24  }
0xc1: {  	[dreg:$0x5] =	wrdreg $0xB  }
0xc2: {  	_ =	task.clear_ibuf [dreg:s22], $0x6FFFF;
	_ =	strace $0x9000004C  }
0xc3: {  	s29 =	simm.s32 $0xB;
	_ =	strace $0x8000004E  }
0xc4: {  	_ =	swait.ge [sflag:s29], $0x1  }
0xc5: {  	[sflag:s29] =	ssyncadd.s32 $0xFFFFFFFF  }
0xc6: {  	_ =	strace $0x9000004E  }
0xc7: {  	_ =	sfence  }
0xc8: {  	s30 =	sld [smem:$0x0];
	_ =	sdelay $0x2  }
0xc9: {  	s31 =	sshll.u32 s1, $0xD;
	s1 =	sshrl.u32 s1, $0x2  }
0xca: {  	s4 =	sand.u32 $0x4000, s31;
	s1 =	sadd.s32 s1, s30  }
0xcb: {  	s0 =	sor.u32 s4, s0;
	s1 =	sshll.u32 s1, $0x11  }
0xcc: {  	s0 =	sor.u32 s1, s0  }
0xcd: {  	s0 =	sadd.s32 $0x8F2B, s0  }
0xce: {  	[sflag:s0] =	ssyncadd.remote.s32 $0x1  }
0xcf: {  	_ =	sfence.sel $0xFFFF  }
0xd0: {  	[dreg:$0x0] =	wrdreg $0xFFFFFFFF;
	(pc) =	sbr.abs _section_cstart, $3  }
0xd1: {  	[dreg:$0x1] =	wrdreg $0xFFFFFFFF  }
0xd2: {  	_ =	task.clear_ibuf [dreg:s22], $0x2FFFF;
	_ =	strace $0x9FFFFFFF  }
0xd3: {  	(tm) =	ssettm $0x7FFFFFFF  }
tec
execute0_lowered:
.L_overlay_start_1:
0x0: {  	(tag) =	ssettag $0x1  }
0x1: {  	s1 =	srdreg.scid;
	s0 =	stileid.u32  }
0x2: {  	s16 =	sand.u32 $0x1, s1;
	s30 =	sshll.u32 s0, $0x1  }
0x3: {  	s2 =	rddreg [dreg:$0x0];
	s6 =	sor.u32 s16, s30  }
0x4: {  	s13 =	rddreg [dreg:$0x1];
	s14 =	smul.u32 $0x1388, s6  }
0x5: {  	s8 =	rddreg [dreg:$0x2]  }
0x6: {  	s3 =	simm.s32 $0x0;
	s1 =	rddreg [dreg:$0x3];
	s4 =	sshrl.u32 s14, $0x3  }
0x7: {  	[smem:$0x7FF] =	sst s3;
	s15 =	sadd.s32 s13, s4  }
0x8: {  	_ =	strace $0x8000004D;
	s4 =	simm.s32 $0x2;
	s5 =	sadd.s32 $0x9C40, s15  }
0x9: {  	[tilespmem:s3], [sflag:$0x2] =	stream.linear.gather [hbm4b:s5+s3], $0x3E8, $0x38;
	[tilespmem:$0xFDE8] =	vst v63  }
0xa: {  	_ =	swait.ge [sflag:s4], $0x3E8  }
0xb: {  	s7 =	simm.s32 $0x1;
	[sflag:s4] =	ssyncset.done $0x0  }
0xc: {  	s9 =	smul.u32 $0x9C40, s6;
	s6 =	simm.s32 $0x3E8;
	[sflag:s4] =	ssyncadd.s32 $0xFFFFFC18  }
0xd: {  	[tilespmem:s6], [sflag:$0x1] =	stream.indirect.gather [hbm4b:s2+s6], $0x40, s3, s6, $0xb8;
	[tilespmem:$0xFDE8] =	vst v63  }
0xe: {  	_ =	swait.ge [sflag:s7], $0xFA00  }
0xf: {  	s17 =	sadd.s32 s9, s8;
	[sflag:s7] =	ssyncset.done $0x0  }
0x10: {  	s8 =	sadd.s32 $0x335C00, s17;
	[sflag:s7] =	ssyncadd.s32 $0xFFFF0600  }
0x11: {  	[hbm4b:s8+s3] =	stream.linear.scatter [tilespmem:s6], [sflag:$0x2], $0xFA00, $0x38;
	[tilespmem:$0xFDE8] =	vst v63  }
0x12: {  	s31 =	sadd.s32 $0x4E5E8, s14;
	_ =	swait.ge [sflag:s4], $0xFA00  }
0x13: {  	s9 =	sshrl.u32 s31, $0x3;
	[sflag:s4] =	ssyncset.done $0x0  }
0x14: {  	s9 =	sadd.s32 s13, s9;
	[sflag:s4] =	ssyncadd.s32 $0xFFFF0600  }
0x15: {  	[tilespmem:s3], [sflag:$0x2] =	stream.linear.gather [hbm4b:s9+s3], $0x3E8, $0x38;
	[tilespmem:$0xFDE8] =	vst v63  }
0x16: {  	_ =	swait.ge [sflag:s4], $0x3E8  }
0x17: {  	[sflag:s4] =	ssyncset.done $0x0  }
0x18: {  	[sflag:s4] =	ssyncadd.s32 $0xFFFFFC18  }
0x19: {  	[tilespmem:s6], [sflag:$0x1] =	stream.indirect.gather [hbm4b:s2+s6], $0x40, s3, s6, $0xb8;
	[tilespmem:$0xFDE8] =	vst v63  }
0x1a: {  	_ =	swait.ge [sflag:s7], $0xFA00  }
0x1b: {  	[sflag:s7] =	ssyncset.done $0x0  }
0x1c: {  	s10 =	sadd.s32 $0x337B40, s17;
	[sflag:s7] =	ssyncadd.s32 $0xFFFF0600  }
0x1d: {  	[hbm4b:s10+s3] =	stream.linear.scatter [tilespmem:s6], [sflag:$0x2], $0xFA00, $0x38;
	[tilespmem:$0xFDE8] =	vst v63  }
0x1e: {  	_ =	swait.ge [sflag:s4], $0xFA00  }
0x1f: {  	[sflag:s4] =	ssyncset.done $0x0  }
0x20: {  	s11 =	sadd.s32 $0x9D3A, s15;
	[sflag:s4] =	ssyncadd.s32 $0xFFFF0600  }
0x21: {  	[tilespmem:s3], [sflag:$0x2] =	stream.linear.gather [hbm4b:s11+s3], $0x3E8, $0x38;
	[tilespmem:$0xFDE8] =	vst v63  }
0x22: {  	_ =	swait.ge [sflag:s4], $0x3E8  }
0x23: {  	[sflag:s4] =	ssyncset.done $0x0  }
0x24: {  	[sflag:s4] =	ssyncadd.s32 $0xFFFFFC18  }
0x25: {  	[tilespmem:s6], [sflag:$0x1] =	stream.indirect.gather [hbm4b:s2+s6], $0x40, s3, s6, $0xb8;
	[tilespmem:$0xFDE8] =	vst v63  }
0x26: {  	_ =	swait.ge [sflag:s7], $0xFA00  }
0x27: {  	[sflag:s7] =	ssyncset.done $0x0  }
0x28: {  	s12 =	sadd.s32 $0x339A80, s17;
	[sflag:s7] =	ssyncadd.s32 $0xFFFF0600  }
0x29: {  	[hbm4b:s12+s3] =	stream.linear.scatter [tilespmem:s6], [sflag:$0x2], $0xFA00, $0x38;
	[tilespmem:$0xFDE8] =	vst v63  }
0x2a: {  	s14 =	sadd.s32 $0x4EDB8, s14;
	_ =	swait.ge [sflag:s4], $0xFA00  }
0x2b: {  	s14 =	sshrl.u32 s14, $0x3;
	[sflag:s4] =	ssyncset.done $0x0  }
0x2c: {  	s13 =	sadd.s32 s13, s14;
	[sflag:s4] =	ssyncadd.s32 $0xFFFF0600  }
0x2d: {  	[tilespmem:s3], [sflag:$0x2] =	stream.linear.gather [hbm4b:s13+s3], $0x3E8, $0x38;
	[tilespmem:$0xFDE8] =	vst v63  }
0x2e: {  	_ =	swait.ge [sflag:s4], $0x3E8  }
0x2f: {  	[sflag:s4] =	ssyncset.done $0x0  }
0x30: {  	[sflag:s4] =	ssyncadd.s32 $0xFFFFFC18  }
0x31: {  	[tilespmem:s6], [sflag:$0x1] =	stream.indirect.gather [hbm4b:s2+s6], $0x40, s3, s6, $0xb8;
	[tilespmem:$0xFDE8] =	vst v63  }
0x32: {  	_ =	swait.ge [sflag:s7], $0xFA00  }
0x33: {  	[sflag:s7] =	ssyncset.done $0x0  }
0x34: {  	s14 =	sadd.s32 $0x33B9C0, s17;
	[sflag:s7] =	ssyncadd.s32 $0xFFFF0600  }
0x35: {  	[hbm4b:s14+s3] =	stream.linear.scatter [tilespmem:s6], [sflag:$0x2], $0xFA00, $0x38;
	[tilespmem:$0xFDE8] =	vst v63  }
0x36: {  	_ =	swait.ge [sflag:s4], $0xFA00  }
0x37: {  	[sflag:s4] =	ssyncset.done $0x0  }
0x38: {  	s16 =	ssub.s32 $0x2, s16;
	s15 =	sadd.s32 $0x9E34, s15;
	[sflag:s4] =	ssyncadd.s32 $0xFFFF0600  }
0x39: {  	[tilespmem:s3], [sflag:$0x2] =	stream.linear.gather [hbm4b:s15+s3], $0x3E8, $0x38;
	[tilespmem:$0xFDE8] =	vst v63  }
0x3a: {  	s18 =	sshrl.u32 s16, $0x1;
	_ =	swait.ge [sflag:s4], $0x3E8  }
0x3b: {  	s16 =	ssub.s32 s16, s18;
	[sflag:s4] =	ssyncset.done $0x0  }
0x3c: {  	s18 =	smax.u32 s16, $0x1;
	[sflag:s4] =	ssyncadd.s32 $0xFFFFFC18  }
0x3d: {  	[tilespmem:s6], [sflag:$0x1] =	stream.indirect.gather [hbm4b:s2+s6], $0x40, s3, s6, $0xb8;
	[tilespmem:$0xFDE8] =	vst v63  }
0x3e: {  	p0 =	sne.s32 s18, $0x1;
	_ =	swait.ge [sflag:s7], $0xFA00  }
.Ltmp0:
0x3f: {  	[sflag:s7] =	ssyncset.done $0x0;
	(pc) =	sbr.rel @!p0 .LBB2_2-.Ltmp0, $4  }
0x40: {  	s16 =	sadd.s32 $0x33D900, s17;
	[sflag:s7] =	ssyncadd.s32 $0xFFFF0600  }
0x41: {  	[hbm4b:s16+s3] =	stream.linear.scatter [tilespmem:s6], [sflag:$0x2], $0xFA00, $0x38;
	[tilespmem:$0xFDE8] =	vst v63  }
0x42: {  	_ =	swait.ge [sflag:s4], $0xFA00  }
0x43: {  	s17 =	sadd.s32 $0xFFFFFFFF, s18;
	[sflag:s4] =	ssyncset.done $0x0  }
.LBB2_1:
0x44: {  	p0 =	sne.s32 s17, $0x1;
	s17 =	sadd.s32 $0xFFFFFFFF, s17;
	[sflag:s4] =	ssyncadd.s32 $0xFFFF0600  }
0x45: {  	[tilespmem:s3], [sflag:$0x2] =	stream.linear.gather [hbm4b:s5+s3], $0x3E8, $0x38;
	[tilespmem:$0xFDE8] =	vst v63  }
0x46: {  	_ =	swait.ge [sflag:s4], $0x3E8  }
0x47: {  	[sflag:s4] =	ssyncset.done $0x0  }
0x48: {  	[sflag:s4] =	ssyncadd.s32 $0xFFFFFC18  }
0x49: {  	[tilespmem:s6], [sflag:$0x1] =	stream.indirect.gather [hbm4b:s2+s6], $0x40, s3, s6, $0xb8;
	[tilespmem:$0xFDE8] =	vst v63  }
0x4a: {  	_ =	swait.ge [sflag:s7], $0xFA00  }
0x4b: {  	[sflag:s7] =	ssyncset.done $0x0  }
0x4c: {  	[sflag:s7] =	ssyncadd.s32 $0xFFFF0600  }
0x4d: {  	[hbm4b:s8+s3] =	stream.linear.scatter [tilespmem:s6], [sflag:$0x2], $0xFA00, $0x38;
	[tilespmem:$0xFDE8] =	vst v63  }
0x4e: {  	_ =	swait.ge [sflag:s4], $0xFA00  }
0x4f: {  	[sflag:s4] =	ssyncset.done $0x0  }
0x50: {  	[sflag:s4] =	ssyncadd.s32 $0xFFFF0600  }
0x51: {  	[tilespmem:s3], [sflag:$0x2] =	stream.linear.gather [hbm4b:s9+s3], $0x3E8, $0x38;
	[tilespmem:$0xFDE8] =	vst v63  }
0x52: {  	_ =	swait.ge [sflag:s4], $0x3E8  }
0x53: {  	[sflag:s4] =	ssyncset.done $0x0  }
0x54: {  	[sflag:s4] =	ssyncadd.s32 $0xFFFFFC18  }
0x55: {  	[tilespmem:s6], [sflag:$0x1] =	stream.indirect.gather [hbm4b:s2+s6], $0x40, s3, s6, $0xb8;
	[tilespmem:$0xFDE8] =	vst v63  }
0x56: {  	_ =	swait.ge [sflag:s7], $0xFA00  }
0x57: {  	[sflag:s7] =	ssyncset.done $0x0  }
0x58: {  	[sflag:s7] =	ssyncadd.s32 $0xFFFF0600  }
0x59: {  	[hbm4b:s10+s3] =	stream.linear.scatter [tilespmem:s6], [sflag:$0x2], $0xFA00, $0x38;
	[tilespmem:$0xFDE8] =	vst v63  }
0x5a: {  	_ =	swait.ge [sflag:s4], $0xFA00  }
0x5b: {  	[sflag:s4] =	ssyncset.done $0x0  }
0x5c: {  	[sflag:s4] =	ssyncadd.s32 $0xFFFF0600  }
0x5d: {  	[tilespmem:s3], [sflag:$0x2] =	stream.linear.gather [hbm4b:s11+s3], $0x3E8, $0x38;
	[tilespmem:$0xFDE8] =	vst v63  }
0x5e: {  	_ =	swait.ge [sflag:s4], $0x3E8  }
0x5f: {  	[sflag:s4] =	ssyncset.done $0x0  }
0x60: {  	[sflag:s4] =	ssyncadd.s32 $0xFFFFFC18  }
0x61: {  	[tilespmem:s6], [sflag:$0x1] =	stream.indirect.gather [hbm4b:s2+s6], $0x40, s3, s6, $0xb8;
	[tilespmem:$0xFDE8] =	vst v63  }
0x62: {  	_ =	swait.ge [sflag:s7], $0xFA00  }
0x63: {  	[sflag:s7] =	ssyncset.done $0x0  }
0x64: {  	[sflag:s7] =	ssyncadd.s32 $0xFFFF0600  }
0x65: {  	[hbm4b:s12+s3] =	stream.linear.scatter [tilespmem:s6], [sflag:$0x2], $0xFA00, $0x38;
	[tilespmem:$0xFDE8] =	vst v63  }
0x66: {  	_ =	swait.ge [sflag:s4], $0xFA00  }
0x67: {  	[sflag:s4] =	ssyncset.done $0x0  }
0x68: {  	[sflag:s4] =	ssyncadd.s32 $0xFFFF0600  }
0x69: {  	[tilespmem:s3], [sflag:$0x2] =	stream.linear.gather [hbm4b:s13+s3], $0x3E8, $0x38;
	[tilespmem:$0xFDE8] =	vst v63  }
0x6a: {  	_ =	swait.ge [sflag:s4], $0x3E8  }
0x6b: {  	[sflag:s4] =	ssyncset.done $0x0  }
0x6c: {  	[sflag:s4] =	ssyncadd.s32 $0xFFFFFC18  }
0x6d: {  	[tilespmem:s6], [sflag:$0x1] =	stream.indirect.gather [hbm4b:s2+s6], $0x40, s3, s6, $0xb8;
	[tilespmem:$0xFDE8] =	vst v63  }
0x6e: {  	_ =	swait.ge [sflag:s7], $0xFA00  }
0x6f: {  	[sflag:s7] =	ssyncset.done $0x0  }
0x70: {  	[sflag:s7] =	ssyncadd.s32 $0xFFFF0600  }
0x71: {  	[hbm4b:s14+s3] =	stream.linear.scatter [tilespmem:s6], [sflag:$0x2], $0xFA00, $0x38;
	[tilespmem:$0xFDE8] =	vst v63  }
0x72: {  	_ =	swait.ge [sflag:s4], $0xFA00  }
0x73: {  	[sflag:s4] =	ssyncset.done $0x0  }
0x74: {  	[sflag:s4] =	ssyncadd.s32 $0xFFFF0600  }
0x75: {  	[tilespmem:s3], [sflag:$0x2] =	stream.linear.gather [hbm4b:s15+s3], $0x3E8, $0x38;
	[tilespmem:$0xFDE8] =	vst v63  }
0x76: {  	_ =	swait.ge [sflag:s4], $0x3E8  }
0x77: {  	[sflag:s4] =	ssyncset.done $0x0  }
0x78: {  	[sflag:s4] =	ssyncadd.s32 $0xFFFFFC18  }
0x79: {  	[tilespmem:s6], [sflag:$0x1] =	stream.indirect.gather [hbm4b:s2+s6], $0x40, s3, s6, $0xb8;
	[tilespmem:$0xFDE8] =	vst v63  }
0x7a: {  	_ =	swait.ge [sflag:s7], $0xFA00  }
.Ltmp1:
0x7b: {  	[sflag:s7] =	ssyncset.done $0x0;
	(pc) =	sbr.rel @p0 .LBB2_1-.Ltmp1, $4  }
0x7c: {  	[sflag:s7] =	ssyncadd.s32 $0xFFFF0600  }
0x7d: {  	[hbm4b:s16+s3] =	stream.linear.scatter [tilespmem:s6], [sflag:$0x2], $0xFA00, $0x38;
	[tilespmem:$0xFDE8] =	vst v63  }
0x7e: {  	_ =	swait.ge [sflag:s4], $0xFA00  }
0x7f: {  	[sflag:s4] =	ssyncset.done $0x0  }
.LBB2_2:
0x80: {  	[sflag:s4] =	ssyncadd.s32 $0xFFFF0600  }
0x81: {  	_ =	sfence.sel $0x180000  }
0x82: {  	[bflag:$0x0] =	sbarrier.arrive $0xFFFF  }
0x83: {  	p0 =	sne.s32 s0, $0x0;
	_ =	strace $0x9000004D  }
0x84: {  	s0 =	sadd.s32 @!p0 $0x100000, s1;
	[bflag:$0x2] =	sbarrier.arrive $0xFFFF  }
0x85: {  	[sflag:s0] =	ssyncadd.tile.s32 @!p0 $0x1;
	_ =	shalt  }
.Lfunc_end2:
_tile_overlayer_lowered:
.L_overlay_start_2:
0x86: {  	(tag) =	ssettag $0x2  }
0x87: {  	s0 =	rddreg [dreg:$0x0];
	s2 =	stileid.u32  }
0x88: {  	s1 =	rddreg [dreg:$0x1];
	p0 =	sne.s32 s2, $0x0  }
0x89: {  	s3 =	rddreg [dreg:$0x2];
	[bflag:$0x3] =	sbarrier.arrive $0xFFFF;
	s2 =	simm.s32 @!p0 $0x1C02  }
0x8a: {  	[timem:s3], [sflag:s2] =	dma.local @!p0 [hbm:s0], s1  }
0x8b: {  	s0 =	simm.s32 @!p0 $0x2  }
0x8c: {  	_ =	swait.ge @!p0 [sflag:s0], s1  }
0x8d: {  	s1 =	ssub.s32 @!p0 $0x0, s1;
	[sflag:s0] =	ssyncset.done @!p0 $0x0  }
0x8e: {  	[sflag:s0] =	ssyncadd.s32 @!p0 s1  }
0x8f: {  	[bflag:$0x3] =	sbarrier.arrive $0xFFFF  }
0x90: {  	_ =	shalt  }

// kernel: kernel.22.cloned.1.call-start
scs
__scs_entry_jumppad:
0x0: {  	(pc) =	sbr.rel $0x88, $3  }
0x1: {  	(tag) =	ssettag $0x0;
	lr =	simm.s32 $0x1  }
0x2: {  	[smem:$0x3F9D] =	sst lr;
	_ =	strace $0xD0000000  }
0x3: {  	_ = 	snop  }
0x4: {  	_ = 	snop  }
0x5: {  	_ = 	snop  }
0x6: {  	_ = 	snop  }
0x7: {  	_ = 	snop  }
__scs_overlays_trampoline_lowered:
0x8: {  	[smem:$0x3FAC] =	sst s0  }
0x9: {  	[smem:$0x3FAD] =	sst s1  }
0xa: {  	[smem:$0x3FAE] =	sst s2  }
0xb: {  	[smem:$0x3FAF] =	sst s3  }
0xc: {  	[smem:$0x3FB0] =	sst s4  }
0xd: {  	[smem:$0x3FB1] =	sst s5  }
0xe: {  	[smem:$0x3FB2] =	sst s6  }
0xf: {  	[smem:$0x3FB3] =	sst s7  }
0x10: {  	[smem:$0x3FB4] =	sst s8  }
0x11: {  	[smem:$0x3FB5] =	sst s9;
	s0 =	simm.s32 @!p0 $0x0  }
0x12: {  	s1 =	sld [smem:$0x3F9B];
	s0 =	simm.s32 @p0 $0x1  }
0x13: {  	[smem:$0x3FB6] =	sst s0;
	s0 =	simm.s32 @!p1 $0x0  }
0x14: {  	s2 =	sld [smem:$0x3F9A];
	s0 =	simm.s32 @p1 $0x1  }
0x15: {  	[smem:$0x3FB7] =	sst s0;
	s0 =	simm.s32 @!p2 $0x0  }
0x16: {  	s3 =	sld [smem:$0x3FDB];
	s0 =	simm.s32 @p2 $0x1  }
0x17: {  	s4 =	simm.s32 $0x1BF5;
	[smem:$0x3FB9] =	sst s0  }
0x18: {  	s0 =	sld [smem:$0x3F9C];
	_ =	swait.ge [sflag:s4], $0x0  }
0x19: {  	s7 =	sld [smem:$0x3F9D]  }
0x1a: {  	s8 =	sadd.s32 $0xFFFFE003, lr  }
0x1b: {  	s9 =	sadd.s32 $0xFFFFFEF7, lr;
	s5 =	simm.s32 $0xFFFFFFFF;
	p2 =	slt.u32 s8, $0xFFFFF086  }
0x1c: {  	p1 =	slt.u32 s9, $0xF7A;
	s5 =	simm.s32 @!p2 $0x0  }
0x1d: {  	s5 =	simm.s32 @p1 $0x1;
	p0 =	seq.s32 s7, s2  }
0x1e: {  	s7 =	smul.u32 @!p0 $0xF7A, s2;
	p2 =	seq.s32 @!p0 s5, $0x0  }
0x1f: {  	s9 =	smul.u32 $0xF7A, s1;
	s8 =	simm.s32 @!p0 $0x1BF5;
	p2 =	por !p2, p0  }
0x20: {  	[sflag:s8] =	ssyncset.s32 @!p0 $0xFFFFF086;
	s6 =	sadd.s32 @!p0 s3, s7;
	s7 =	simm.s32 @!p0 $0x108  }
0x21: {  	s3 =	sadd.s32 s3, s9;
	s6 =	sadd.s32 @!p0 $0x88, s6;
	s7 =	simm.s32 @p2 $0x1082  }
0x22: {  	[simem:s7], [sflag:s8] =	dma.local @!p0 [hbm:s6], $0xF7A  }
0x23: {  	s9 =	sor.u32 $0xD0000000, s2;
	s6 =	simm.s32 $0x108;
	_ =	swait.ge @!p0 [sflag:s8], $0x0  }
0x24: {  	s3 =	sadd.s32 $0x88, s3;
	s6 =	simm.s32 @!p1 $0x1082;
	[sflag:s4] =	ssyncset.s32 $0xFFFFF086  }
0x25: {  	[simem:s6], [sflag:s4] =	dma.local [hbm:s3], $0xF7A  }
0x26: {  	[smem:$0x3F9D] =	sst s1;
	(tag) =	ssettag s2;
	_ =	strace s9  }
0x27: {  	s1 =	sld [smem:$0x3FAD]  }
0x28: {  	s2 =	sld [smem:$0x3FAE]  }
0x29: {  	s4 =	sld [smem:$0x3FB0]  }
0x2a: {  	p0 =	seq.s32 s5, $0x0;
	s5 =	sld [smem:$0x3FB1]  }
0x2b: {  	s6 =	sld [smem:$0x3FB2]  }
0x2c: {  	s7 =	sld [smem:$0x3FB3]  }
0x2d: {  	s3 =	simm.s32 $0x108;
	s8 =	sld [smem:$0x3FB4]  }
0x2e: {  	s3 =	simm.s32 @!p0 $0x1082;
	s9 =	sld [smem:$0x3FB5]  }
0x2f: {  	lr =	sadd.s32 s0, s3;
	s0 =	sld [smem:$0x3FAC]  }
0x30: {  	s3 =	sld [smem:$0x3FAF]  }
0x31: {  	[smem:$0x3FB8] =	sst s10  }
0x32: {  	s10 =	sld [smem:$0x3FB6];
	_ =	sdelay $0x3  }
0x33: {  	p0 =	seq.s32 s10, $0x1;
	s10 =	sld [smem:$0x3FB8];
	_ =	sdelay $0x3  }
0x34: {  	[smem:$0x3FB8] =	sst s10  }
0x35: {  	s10 =	sld [smem:$0x3FB7];
	_ =	sdelay $0x3  }
0x36: {  	p1 =	seq.s32 s10, $0x1;
	s10 =	sld [smem:$0x3FB8];
	_ =	sdelay $0x3  }
0x37: {  	[smem:$0x3FB8] =	sst s10  }
0x38: {  	s10 =	sld [smem:$0x3FB9]  }
0x39: {  	_ = 	snop;
	(pc) =	sbr.ind lr, $3  }
0x3a: {  	_ = 	snop  }
0x3b: {  	_ = 	snop  }
0x3c: {  	p2 =	seq.s32 s10, $0x1;
	s10 =	sld [smem:$0x3FB8]  }
0x3d: {  	_ =	shalt  }
0x3e: {  	_ =	shalt  }
0x3f: {  	_ =	shalt  }
0x40: {  	_ =	shalt  }
0x41: {  	_ =	shalt  }
0x42: {  	_ =	shalt  }
0x43: {  	_ =	shalt  }
0x44: {  	_ =	shalt  }
0x45: {  	_ =	shalt  }
0x46: {  	_ =	shalt  }
0x47: {  	_ =	shalt  }
0x48: {  	_ =	shalt  }
0x49: {  	_ =	shalt  }
0x4a: {  	_ =	shalt  }
0x4b: {  	_ =	shalt  }
0x4c: {  	_ =	shalt  }
0x4d: {  	_ =	shalt  }
0x4e: {  	_ =	shalt  }
0x4f: {  	_ =	shalt  }
0x50: {  	_ =	shalt  }
0x51: {  	_ =	shalt  }
0x52: {  	_ =	shalt  }
0x53: {  	_ =	shalt  }
0x54: {  	_ =	shalt  }
0x55: {  	_ =	shalt  }
0x56: {  	_ =	shalt  }
0x57: {  	_ =	shalt  }
0x58: {  	_ =	shalt  }
0x59: {  	_ =	shalt  }
0x5a: {  	_ =	shalt  }
0x5b: {  	_ =	shalt  }
0x5c: {  	_ =	shalt  }
0x5d: {  	_ =	shalt  }
0x5e: {  	_ =	shalt  }
0x5f: {  	_ =	shalt  }
0x60: {  	_ =	shalt  }
0x61: {  	_ =	shalt  }
0x62: {  	_ =	shalt  }
0x63: {  	_ =	shalt  }
0x64: {  	_ =	shalt  }
0x65: {  	_ =	shalt  }
0x66: {  	_ =	shalt  }
0x67: {  	_ =	shalt  }
0x68: {  	_ =	shalt  }
0x69: {  	_ =	shalt  }
0x6a: {  	_ =	shalt  }
0x6b: {  	_ =	shalt  }
0x6c: {  	_ =	shalt  }
0x6d: {  	_ =	shalt  }
0x6e: {  	_ =	shalt  }
0x6f: {  	_ =	shalt  }
0x70: {  	_ =	shalt  }
0x71: {  	_ =	shalt  }
0x72: {  	_ =	shalt  }
0x73: {  	_ =	shalt  }
0x74: {  	_ =	shalt  }
0x75: {  	_ =	shalt  }
0x76: {  	_ =	shalt  }
0x77: {  	_ =	shalt  }
0x78: {  	_ =	shalt  }
0x79: {  	_ =	shalt  }
0x7a: {  	_ =	shalt  }
0x7b: {  	_ =	shalt  }
0x7c: {  	_ =	shalt  }
0x7d: {  	_ =	shalt  }
0x7e: {  	_ =	shalt  }
0x7f: {  	_ =	shalt  }
0x80: {  	_ =	shalt  }
0x81: {  	_ =	shalt  }
0x82: {  	_ =	shalt  }
0x83: {  	_ =	shalt  }
0x84: {  	_ =	shalt  }
0x85: {  	_ =	shalt  }
0x86: {  	_ =	shalt  }
0x87: {  	_ =	shalt  }
.Lfunc_end0:
.L_simem_size_0:
called_computation.3_lowered:
.L_overlay_start_0:
0x88: {  	s2 =	sld [smem:$0x3FD9]  }
0x89: {  	s3 =	sld [smem:$0x3FFE];
	_ =	sdelay $0x1  }
0x8a: {  	s1 =	srdreg.scid  }
0x8b: {  	s0 =	sand.u32 $0x1, s1  }
0x8c: {  	s17 =	sshll.u32 s0, $0xA;
	s2 =	sadd.s32 s3, s2  }
0x8d: {  	s2 =	sadd.s32 s2, s17  }
0x8e: {  	[smem:$0x3FC4] =	sst s2  }
0x8f: {  	_ = 	snop  }
0x90: {  	s18 =	sld [smem:$0x3FC8]  }
0x91: {  	s4 =	sld [smem:$0x3FD0];
	(tm) =	ssettm $0x1  }
0x92: {  	s19 =	sld [smem:$0x3FFB];
	_ =	sdelay $0x3  }
0x93: {  	_ =	strace s19  }
0x94: {  	s2 =	sld [smem:$0x3FFC];
	_ =	sdelay $0x3  }
0x95: {  	_ =	strace s2  }
0x96: {  	s2 =	sld [smem:$0x3FFD];
	_ =	sdelay $0x3  }
0x97: {  	_ =	strace s2  }
0x98: {  	_ =	strace $0x8FFFFFFF  }
0x99: {  	s20 =	sld [smem:$0x3FDB];
	_ =	sdelay $0x1  }
0x9a: {  	s5 =	simm.s32 $_scs_section_size  }
0x9b: {  	s6 =	simm.s32 $_size__tile_overlayer_lowered;
	s7 =	simm.s32 $_tile_overlayer_lowered  }
0x9c: {  	s8 =	simm.s32 $0x1BFF;
	s21 =	sshll.u32 s7, $0x1;
	s5 =	sadd.s32 s5, s20  }
0x9d: {  	s22 =	simm.s32 $0x0;
	s6 =	sshll.u32 s6, $0x1;
	s7 =	sadd.s32 s21, s5  }
0x9e: {  	[timem:s22], [sflag:s8] =	dma.local [hbm:s7], s6  }
0x9f: {  	_ =	swait.ge [sflag:s8], s6  }
0xa0: {  	s6 =	ssub.s32 $0x0, s6;
	[sflag:s8] =	ssyncset.done $0x0  }
0xa1: {  	[sflag:s8] =	ssyncadd.s32 s6;
	_ =	sdelay $0x1  }
0xa2: {  	s23 =	simm.s32 $0x1B8B  }
0xa3: {  	_ =	swait.ge [sflag:s23], $0x1  }
0xa4: {  	[sflag:s23] =	ssyncset.done $0x0  }
0xa5: {  	[sflag:s23] =	ssyncadd.s32 $0xFFFFFFFF  }
0xa6: {  	s6 =	sld [smem:$0x0]  }
0xa7: {  	s7 =	sand.u32 $0xFFFFFFFE, s1  }
0xa8: {  	p0 =	sne.s32 s1, s7  }
0xa9: {  	s7 =	sshll.u32 @p0 s7, $0xE  }
0xaa: {  	s7 =	sadd.s32 @p0 $0x11B8D, s7;
	s8 =	sshll.u32 @p0 s6, $0x11  }
0xab: {  	s7 =	sor.u32 @p0 s8, s7  }
0xac: {  	[sflag:s7] =	ssyncadd.remote.s32 @p0 $0x1;
	_ =	sdelay $0x1  }
0xad: {  	s7 =	simm.s32 @p0 $0x1B8D  }
0xae: {  	_ =	swait.eq @p0 [sflag:s7], $0x1  }
0xaf: {  	[sflag:s7] =	ssyncadd.s32 @p0 $0xFFFFFFFF  }
0xb0: {  	s8 =	sshll.u32 @!p0 s1, $0xE  }
0xb1: {  	s8 =	sor.u32 @!p0 $0x4000, s8;
	s7 =	simm.s32 @!p0 $0x1B8D  }
0xb2: {  	s6 =	sshll.u32 @!p0 s6, $0x11;
	s8 =	sadd.s32 @!p0 $0x11B8D, s8;
	_ =	swait.eq @!p0 [sflag:s7], $0x1  }
0xb3: {  	s6 =	sor.u32 @!p0 s6, s8;
	[sflag:s7] =	ssyncadd.s32 @!p0 $0xFFFFFFFF  }
0xb4: {  	s25 =	simm.s32 $0x1B8E;
	s24 =	sld [smem:$0x3FFE];
	[sflag:s6] =	ssyncadd.remote.s32 @!p0 $0x1  }
0xb5: {  	s26 =	simm.s32 $execute0_lowered;
	[smem:$0x3FD2] =	sst s25  }
0xb6: {  	s7 =	sshll.u32 s26, $0x1;
	_ =	strace $0x8000004F;
	[dreg:$0x1] =	wrdreg $0xFFFFFFFF  }
0xb7: {  	s28 =	simm.s32 $_size_execute0_lowered;
	s5 =	sadd.s32 s5, s7;
	[dreg:$0x0] =	wrdreg $0x0  }
0xb8: {  	s7 =	sshll.u32 s28, $0x1;
	[dreg:$0x2] =	wrdreg s5  }
0xb9: {  	[dreg:$0x3] =	wrdreg s7  }
0xba: {  	[dreg:$0x4] =	wrdreg $0xC0  }
0xbb: {  	_ =	task [dreg:s22], $0x5FFFF  }
0xbc: {  	[dreg:$0x1] =	wrdreg $0xFFFFFFFF  }
0xbd: {  	[dreg:$0x0] =	wrdreg $0x60  }
0xbe: {  	[dreg:$0x2] =	wrdreg s4  }
0xbf: {  	[dreg:$0x3] =	wrdreg s18  }
0xc0: {  	[dreg:$0x4] =	wrdreg s24  }
0xc1: {  	[dreg:$0x5] =	wrdreg $0xC  }
0xc2: {  	_ =	task.clear_ibuf [dreg:s22], $0x6FFFF;
	_ =	strace $0x9000004F  }
0xc3: {  	s29 =	simm.s32 $0xC;
	_ =	strace $0x80000051  }
0xc4: {  	_ =	swait.ge [sflag:s29], $0x1  }
0xc5: {  	[sflag:s29] =	ssyncadd.s32 $0xFFFFFFFF  }
0xc6: {  	_ =	strace $0x90000051  }
0xc7: {  	_ =	sfence  }
0xc8: {  	s30 =	sld [smem:$0x0];
	_ =	sdelay $0x2  }
0xc9: {  	s31 =	sshll.u32 s1, $0xD;
	s1 =	sshrl.u32 s1, $0x2  }
0xca: {  	s4 =	sand.u32 $0x4000, s31;
	s1 =	sadd.s32 s1, s30  }
0xcb: {  	s0 =	sor.u32 s4, s0;
	s1 =	sshll.u32 s1, $0x11  }
0xcc: {  	s0 =	sor.u32 s1, s0  }
0xcd: {  	s0 =	sadd.s32 $0x8F2B, s0  }
0xce: {  	[sflag:s0] =	ssyncadd.remote.s32 $0x1  }
0xcf: {  	_ =	sfence.sel $0xFFFF  }
0xd0: {  	[dreg:$0x0] =	wrdreg $0xFFFFFFFF;
	(pc) =	sbr.abs _section_cstart, $3  }
0xd1: {  	[dreg:$0x1] =	wrdreg $0xFFFFFFFF  }
0xd2: {  	_ =	task.clear_ibuf [dreg:s22], $0x2FFFF;
	_ =	strace $0x9FFFFFFF  }
0xd3: {  	(tm) =	ssettm $0x7FFFFFFF  }
tec
execute0_lowered:
.L_overlay_start_1:
0x0: {  	(tag) =	ssettag $0x1  }
0x1: {  	s1 =	srdreg.scid;
	s0 =	stileid.u32  }
0x2: {  	s16 =	sand.u32 $0x1, s1;
	s30 =	sshll.u32 s0, $0x1  }
0x3: {  	s2 =	rddreg [dreg:$0x0];
	s6 =	sor.u32 s16, s30  }
0x4: {  	s13 =	rddreg [dreg:$0x1];
	s14 =	smul.u32 $0x1388, s6  }
0x5: {  	s8 =	rddreg [dreg:$0x2]  }
0x6: {  	s3 =	simm.s32 $0x0;
	s1 =	rddreg [dreg:$0x3];
	s4 =	sshrl.u32 s14, $0x3  }
0x7: {  	[smem:$0x7FF] =	sst s3;
	s15 =	sadd.s32 s13, s4  }
0x8: {  	_ =	strace $0x80000050;
	s4 =	simm.s32 $0x2;
	s5 =	sadd.s32 $0xEA60, s15  }
0x9: {  	[tilespmem:s3], [sflag:$0x2] =	stream.linear.gather [hbm4b:s5+s3], $0x3E8, $0x38;
	[tilespmem:$0xFDE8] =	vst v63  }
0xa: {  	_ =	swait.ge [sflag:s4], $0x3E8  }
0xb: {  	s7 =	simm.s32 $0x1;
	[sflag:s4] =	ssyncset.done $0x0  }
0xc: {  	s9 =	smul.u32 $0x9C40, s6;
	s6 =	simm.s32 $0x3E8;
	[sflag:s4] =	ssyncadd.s32 $0xFFFFFC18  }
0xd: {  	[tilespmem:s6], [sflag:$0x1] =	stream.indirect.gather [hbm4b:s2+s6], $0x40, s3, s6, $0xb8;
	[tilespmem:$0xFDE8] =	vst v63  }
0xe: {  	_ =	swait.ge [sflag:s7], $0xFA00  }
0xf: {  	s17 =	sadd.s32 s9, s8;
	[sflag:s7] =	ssyncset.done $0x0  }
0x10: {  	s8 =	sadd.s32 $0x46E400, s17;
	[sflag:s7] =	ssyncadd.s32 $0xFFFF0600  }
0x11: {  	[hbm4b:s8+s3] =	stream.linear.scatter [tilespmem:s6], [sflag:$0x2], $0xFA00, $0x38;
	[tilespmem:$0xFDE8] =	vst v63  }
0x12: {  	s31 =	sadd.s32 $0x756E8, s14;
	_ =	swait.ge [sflag:s4], $0xFA00  }
0x13: {  	s9 =	sshrl.u32 s31, $0x3;
	[sflag:s4] =	ssyncset.done $0x0  }
0x14: {  	s9 =	sadd.s32 s13, s9;
	[sflag:s4] =	ssyncadd.s32 $0xFFFF0600  }
0x15: {  	[tilespmem:s3], [sflag:$0x2] =	stream.linear.gather [hbm4b:s9+s3], $0x3E8, $0x38;
	[tilespmem:$0xFDE8] =	vst v63  }
0x16: {  	_ =	swait.ge [sflag:s4], $0x3E8  }
0x17: {  	[sflag:s4] =	ssyncset.done $0x0  }
0x18: {  	[sflag:s4] =	ssyncadd.s32 $0xFFFFFC18  }
0x19: {  	[tilespmem:s6], [sflag:$0x1] =	stream.indirect.gather [hbm4b:s2+s6], $0x40, s3, s6, $0xb8;
	[tilespmem:$0xFDE8] =	vst v63  }
0x1a: {  	_ =	swait.ge [sflag:s7], $0xFA00  }
0x1b: {  	[sflag:s7] =	ssyncset.done $0x0  }
0x1c: {  	s10 =	sadd.s32 $0x470340, s17;
	[sflag:s7] =	ssyncadd.s32 $0xFFFF0600  }
0x1d: {  	[hbm4b:s10+s3] =	stream.linear.scatter [tilespmem:s6], [sflag:$0x2], $0xFA00, $0x38;
	[tilespmem:$0xFDE8] =	vst v63  }
0x1e: {  	_ =	swait.ge [sflag:s4], $0xFA00  }
0x1f: {  	[sflag:s4] =	ssyncset.done $0x0  }
0x20: {  	s11 =	sadd.s32 $0xEB5A, s15;
	[sflag:s4] =	ssyncadd.s32 $0xFFFF0600  }
0x21: {  	[tilespmem:s3], [sflag:$0x2] =	stream.linear.gather [hbm4b:s11+s3], $0x3E8, $0x38;
	[tilespmem:$0xFDE8] =	vst v63  }
0x22: {  	_ =	swait.ge [sflag:s4], $0x3E8  }
0x23: {  	[sflag:s4] =	ssyncset.done $0x0  }
0x24: {  	[sflag:s4] =	ssyncadd.s32 $0xFFFFFC18  }
0x25: {  	[tilespmem:s6], [sflag:$0x1] =	stream.indirect.gather [hbm4b:s2+s6], $0x40, s3, s6, $0xb8;
	[tilespmem:$0xFDE8] =	vst v63  }
0x26: {  	_ =	swait.ge [sflag:s7], $0xFA00  }
0x27: {  	[sflag:s7] =	ssyncset.done $0x0  }
0x28: {  	s12 =	sadd.s32 $0x472280, s17;
	[sflag:s7] =	ssyncadd.s32 $0xFFFF0600  }
0x29: {  	[hbm4b:s12+s3] =	stream.linear.scatter [tilespmem:s6], [sflag:$0x2], $0xFA00, $0x38;
	[tilespmem:$0xFDE8] =	vst v63  }
0x2a: {  	s14 =	sadd.s32 $0x75EB8, s14;
	_ =	swait.ge [sflag:s4], $0xFA00  }
0x2b: {  	s14 =	sshrl.u32 s14, $0x3;
	[sflag:s4] =	ssyncset.done $0x0  }
0x2c: {  	s13 =	sadd.s32 s13, s14;
	[sflag:s4] =	ssyncadd.s32 $0xFFFF0600  }
0x2d: {  	[tilespmem:s3], [sflag:$0x2] =	stream.linear.gather [hbm4b:s13+s3], $0x3E8, $0x38;
	[tilespmem:$0xFDE8] =	vst v63  }
0x2e: {  	_ =	swait.ge [sflag:s4], $0x3E8  }
0x2f: {  	[sflag:s4] =	ssyncset.done $0x0  }
0x30: {  	[sflag:s4] =	ssyncadd.s32 $0xFFFFFC18  }
0x31: {  	[tilespmem:s6], [sflag:$0x1] =	stream.indirect.gather [hbm4b:s2+s6], $0x40, s3, s6, $0xb8;
	[tilespmem:$0xFDE8] =	vst v63  }
0x32: {  	_ =	swait.ge [sflag:s7], $0xFA00  }
0x33: {  	[sflag:s7] =	ssyncset.done $0x0  }
0x34: {  	s14 =	sadd.s32 $0x4741C0, s17;
	[sflag:s7] =	ssyncadd.s32 $0xFFFF0600  }
0x35: {  	[hbm4b:s14+s3] =	stream.linear.scatter [tilespmem:s6], [sflag:$0x2], $0xFA00, $0x38;
	[tilespmem:$0xFDE8] =	vst v63  }
0x36: {  	_ =	swait.ge [sflag:s4], $0xFA00  }
0x37: {  	[sflag:s4] =	ssyncset.done $0x0  }
0x38: {  	s16 =	ssub.s32 $0x2, s16;
	s15 =	sadd.s32 $0xEC54, s15;
	[sflag:s4] =	ssyncadd.s32 $0xFFFF0600  }
0x39: {  	[tilespmem:s3], [sflag:$0x2] =	stream.linear.gather [hbm4b:s15+s3], $0x3E8, $0x38;
	[tilespmem:$0xFDE8] =	vst v63  }
0x3a: {  	s18 =	sshrl.u32 s16, $0x1;
	_ =	swait.ge [sflag:s4], $0x3E8  }
0x3b: {  	s16 =	ssub.s32 s16, s18;
	[sflag:s4] =	ssyncset.done $0x0  }
0x3c: {  	s18 =	smax.u32 s16, $0x1;
	[sflag:s4] =	ssyncadd.s32 $0xFFFFFC18  }
0x3d: {  	[tilespmem:s6], [sflag:$0x1] =	stream.indirect.gather [hbm4b:s2+s6], $0x40, s3, s6, $0xb8;
	[tilespmem:$0xFDE8] =	vst v63  }
0x3e: {  	p0 =	sne.s32 s18, $0x1;
	_ =	swait.ge [sflag:s7], $0xFA00  }
.Ltmp0:
0x3f: {  	[sflag:s7] =	ssyncset.done $0x0;
	(pc) =	sbr.rel @!p0 .LBB2_2-.Ltmp0, $4  }
0x40: {  	s16 =	sadd.s32 $0x476100, s17;
	[sflag:s7] =	ssyncadd.s32 $0xFFFF0600  }
0x41: {  	[hbm4b:s16+s3] =	stream.linear.scatter [tilespmem:s6], [sflag:$0x2], $0xFA00, $0x38;
	[tilespmem:$0xFDE8] =	vst v63  }
0x42: {  	_ =	swait.ge [sflag:s4], $0xFA00  }
0x43: {  	s17 =	sadd.s32 $0xFFFFFFFF, s18;
	[sflag:s4] =	ssyncset.done $0x0  }
.LBB2_1:
0x44: {  	p0 =	sne.s32 s17, $0x1;
	s17 =	sadd.s32 $0xFFFFFFFF, s17;
	[sflag:s4] =	ssyncadd.s32 $0xFFFF0600  }
0x45: {  	[tilespmem:s3], [sflag:$0x2] =	stream.linear.gather [hbm4b:s5+s3], $0x3E8, $0x38;
	[tilespmem:$0xFDE8] =	vst v63  }
0x46: {  	_ =	swait.ge [sflag:s4], $0x3E8  }
0x47: {  	[sflag:s4] =	ssyncset.done $0x0  }
0x48: {  	[sflag:s4] =	ssyncadd.s32 $0xFFFFFC18  }
0x49: {  	[tilespmem:s6], [sflag:$0x1] =	stream.indirect.gather [hbm4b:s2+s6], $0x40, s3, s6, $0xb8;
	[tilespmem:$0xFDE8] =	vst v63  }
0x4a: {  	_ =	swait.ge [sflag:s7], $0xFA00  }
0x4b: {  	[sflag:s7] =	ssyncset.done $0x0  }
0x4c: {  	[sflag:s7] =	ssyncadd.s32 $0xFFFF0600  }
0x4d: {  	[hbm4b:s8+s3] =	stream.linear.scatter [tilespmem:s6], [sflag:$0x2], $0xFA00, $0x38;
	[tilespmem:$0xFDE8] =	vst v63  }
0x4e: {  	_ =	swait.ge [sflag:s4], $0xFA00  }
0x4f: {  	[sflag:s4] =	ssyncset.done $0x0  }
0x50: {  	[sflag:s4] =	ssyncadd.s32 $0xFFFF0600  }
0x51: {  	[tilespmem:s3], [sflag:$0x2] =	stream.linear.gather [hbm4b:s9+s3], $0x3E8, $0x38;
	[tilespmem:$0xFDE8] =	vst v63  }
0x52: {  	_ =	swait.ge [sflag:s4], $0x3E8  }
0x53: {  	[sflag:s4] =	ssyncset.done $0x0  }
0x54: {  	[sflag:s4] =	ssyncadd.s32 $0xFFFFFC18  }
0x55: {  	[tilespmem:s6], [sflag:$0x1] =	stream.indirect.gather [hbm4b:s2+s6], $0x40, s3, s6, $0xb8;
	[tilespmem:$0xFDE8] =	vst v63  }
0x56: {  	_ =	swait.ge [sflag:s7], $0xFA00  }
0x57: {  	[sflag:s7] =	ssyncset.done $0x0  }
0x58: {  	[sflag:s7] =	ssyncadd.s32 $0xFFFF0600  }
0x59: {  	[hbm4b:s10+s3] =	stream.linear.scatter [tilespmem:s6], [sflag:$0x2], $0xFA00, $0x38;
	[tilespmem:$0xFDE8] =	vst v63  }
0x5a: {  	_ =	swait.ge [sflag:s4], $0xFA00  }
0x5b: {  	[sflag:s4] =	ssyncset.done $0x0  }
0x5c: {  	[sflag:s4] =	ssyncadd.s32 $0xFFFF0600  }
0x5d: {  	[tilespmem:s3], [sflag:$0x2] =	stream.linear.gather [hbm4b:s11+s3], $0x3E8, $0x38;
	[tilespmem:$0xFDE8] =	vst v63  }
0x5e: {  	_ =	swait.ge [sflag:s4], $0x3E8  }
0x5f: {  	[sflag:s4] =	ssyncset.done $0x0  }
0x60: {  	[sflag:s4] =	ssyncadd.s32 $0xFFFFFC18  }
0x61: {  	[tilespmem:s6], [sflag:$0x1] =	stream.indirect.gather [hbm4b:s2+s6], $0x40, s3, s6, $0xb8;
	[tilespmem:$0xFDE8] =	vst v63  }
0x62: {  	_ =	swait.ge [sflag:s7], $0xFA00  }
0x63: {  	[sflag:s7] =	ssyncset.done $0x0  }
0x64: {  	[sflag:s7] =	ssyncadd.s32 $0xFFFF0600  }
0x65: {  	[hbm4b:s12+s3] =	stream.linear.scatter [tilespmem:s6], [sflag:$0x2], $0xFA00, $0x38;
	[tilespmem:$0xFDE8] =	vst v63  }
0x66: {  	_ =	swait.ge [sflag:s4], $0xFA00  }
0x67: {  	[sflag:s4] =	ssyncset.done $0x0  }
0x68: {  	[sflag:s4] =	ssyncadd.s32 $0xFFFF0600  }
0x69: {  	[tilespmem:s3], [sflag:$0x2] =	stream.linear.gather [hbm4b:s13+s3], $0x3E8, $0x38;
	[tilespmem:$0xFDE8] =	vst v63  }
0x6a: {  	_ =	swait.ge [sflag:s4], $0x3E8  }
0x6b: {  	[sflag:s4] =	ssyncset.done $0x0  }
0x6c: {  	[sflag:s4] =	ssyncadd.s32 $0xFFFFFC18  }
0x6d: {  	[tilespmem:s6], [sflag:$0x1] =	stream.indirect.gather [hbm4b:s2+s6], $0x40, s3, s6, $0xb8;
	[tilespmem:$0xFDE8] =	vst v63  }
0x6e: {  	_ =	swait.ge [sflag:s7], $0xFA00  }
0x6f: {  	[sflag:s7] =	ssyncset.done $0x0  }
0x70: {  	[sflag:s7] =	ssyncadd.s32 $0xFFFF0600  }
0x71: {  	[hbm4b:s14+s3] =	stream.linear.scatter [tilespmem:s6], [sflag:$0x2], $0xFA00, $0x38;
	[tilespmem:$0xFDE8] =	vst v63  }
0x72: {  	_ =	swait.ge [sflag:s4], $0xFA00  }
0x73: {  	[sflag:s4] =	ssyncset.done $0x0  }
0x74: {  	[sflag:s4] =	ssyncadd.s32 $0xFFFF0600  }
0x75: {  	[tilespmem:s3], [sflag:$0x2] =	stream.linear.gather [hbm4b:s15+s3], $0x3E8, $0x38;
	[tilespmem:$0xFDE8] =	vst v63  }
0x76: {  	_ =	swait.ge [sflag:s4], $0x3E8  }
0x77: {  	[sflag:s4] =	ssyncset.done $0x0  }
0x78: {  	[sflag:s4] =	ssyncadd.s32 $0xFFFFFC18  }
0x79: {  	[tilespmem:s6], [sflag:$0x1] =	stream.indirect.gather [hbm4b:s2+s6], $0x40, s3, s6, $0xb8;
	[tilespmem:$0xFDE8] =	vst v63  }
0x7a: {  	_ =	swait.ge [sflag:s7], $0xFA00  }
.Ltmp1:
0x7b: {  	[sflag:s7] =	ssyncset.done $0x0;
	(pc) =	sbr.rel @p0 .LBB2_1-.Ltmp1, $4  }
0x7c: {  	[sflag:s7] =	ssyncadd.s32 $0xFFFF0600  }
0x7d: {  	[hbm4b:s16+s3] =	stream.linear.scatter [tilespmem:s6], [sflag:$0x2], $0xFA00, $0x38;
	[tilespmem:$0xFDE8] =	vst v63  }
0x7e: {  	_ =	swait.ge [sflag:s4], $0xFA00  }
0x7f: {  	[sflag:s4] =	ssyncset.done $0x0  }
.LBB2_2:
0x80: {  	[sflag:s4] =	ssyncadd.s32 $0xFFFF0600  }
0x81: {  	_ =	sfence.sel $0x180000  }
0x82: {  	[bflag:$0x0] =	sbarrier.arrive $0xFFFF  }
0x83: {  	p0 =	sne.s32 s0, $0x0;
	_ =	strace $0x90000050  }
0x84: {  	s0 =	sadd.s32 @!p0 $0x100000, s1;
	[bflag:$0x2] =	sbarrier.arrive $0xFFFF  }
0x85: {  	[sflag:s0] =	ssyncadd.tile.s32 @!p0 $0x1;
	_ =	shalt  }
.Lfunc_end2:
_tile_overlayer_lowered:
.L_overlay_start_2:
0x86: {  	(tag) =	ssettag $0x2  }
0x87: {  	s0 =	rddreg [dreg:$0x0];
	s2 =	stileid.u32  }
0x88: {  	s1 =	rddreg [dreg:$0x1];
	p0 =	sne.s32 s2, $0x0  }
0x89: {  	s3 =	rddreg [dreg:$0x2];
	[bflag:$0x3] =	sbarrier.arrive $0xFFFF;
	s2 =	simm.s32 @!p0 $0x1C02  }
0x8a: {  	[timem:s3], [sflag:s2] =	dma.local @!p0 [hbm:s0], s1  }
0x8b: {  	s0 =	simm.s32 @!p0 $0x2  }
0x8c: {  	_ =	swait.ge @!p0 [sflag:s0], s1  }
0x8d: {  	s1 =	ssub.s32 @!p0 $0x0, s1;
	[sflag:s0] =	ssyncset.done @!p0 $0x0  }
0x8e: {  	[sflag:s0] =	ssyncadd.s32 @!p0 s1  }
0x8f: {  	[bflag:$0x3] =	sbarrier.arrive $0xFFFF  }
0x90: {  	_ =	shalt  }

// kernel: kernel.25.cloned.1.call-start
scs
__scs_entry_jumppad:
0x0: {  	(pc) =	sbr.rel $0x88, $3  }
0x1: {  	(tag) =	ssettag $0x0;
	lr =	simm.s32 $0x1  }
0x2: {  	[smem:$0x3F9D] =	sst lr;
	_ =	strace $0xD0000000  }
0x3: {  	_ = 	snop  }
0x4: {  	_ = 	snop  }
0x5: {  	_ = 	snop  }
0x6: {  	_ = 	snop  }
0x7: {  	_ = 	snop  }
__scs_overlays_trampoline_lowered:
0x8: {  	[smem:$0x3FAC] =	sst s0  }
0x9: {  	[smem:$0x3FAD] =	sst s1  }
0xa: {  	[smem:$0x3FAE] =	sst s2  }
0xb: {  	[smem:$0x3FAF] =	sst s3  }
0xc: {  	[smem:$0x3FB0] =	sst s4  }
0xd: {  	[smem:$0x3FB1] =	sst s5  }
0xe: {  	[smem:$0x3FB2] =	sst s6  }
0xf: {  	[smem:$0x3FB3] =	sst s7  }
0x10: {  	[smem:$0x3FB4] =	sst s8  }
0x11: {  	[smem:$0x3FB5] =	sst s9;
	s0 =	simm.s32 @!p0 $0x0  }
0x12: {  	s1 =	sld [smem:$0x3F9B];
	s0 =	simm.s32 @p0 $0x1  }
0x13: {  	[smem:$0x3FB6] =	sst s0;
	s0 =	simm.s32 @!p1 $0x0  }
0x14: {  	s2 =	sld [smem:$0x3F9A];
	s0 =	simm.s32 @p1 $0x1  }
0x15: {  	[smem:$0x3FB7] =	sst s0;
	s0 =	simm.s32 @!p2 $0x0  }
0x16: {  	s3 =	sld [smem:$0x3FDB];
	s0 =	simm.s32 @p2 $0x1  }
0x17: {  	s4 =	simm.s32 $0x1BF5;
	[smem:$0x3FB9] =	sst s0  }
0x18: {  	s0 =	sld [smem:$0x3F9C];
	_ =	swait.ge [sflag:s4], $0x0  }
0x19: {  	s7 =	sld [smem:$0x3F9D]  }
0x1a: {  	s8 =	sadd.s32 $0xFFFFE003, lr  }
0x1b: {  	s9 =	sadd.s32 $0xFFFFFEF7, lr;
	s5 =	simm.s32 $0xFFFFFFFF;
	p2 =	slt.u32 s8, $0xFFFFF086  }
0x1c: {  	p1 =	slt.u32 s9, $0xF7A;
	s5 =	simm.s32 @!p2 $0x0  }
0x1d: {  	s5 =	simm.s32 @p1 $0x1;
	p0 =	seq.s32 s7, s2  }
0x1e: {  	s7 =	smul.u32 @!p0 $0xF7A, s2;
	p2 =	seq.s32 @!p0 s5, $0x0  }
0x1f: {  	s9 =	smul.u32 $0xF7A, s1;
	s8 =	simm.s32 @!p0 $0x1BF5;
	p2 =	por !p2, p0  }
0x20: {  	[sflag:s8] =	ssyncset.s32 @!p0 $0xFFFFF086;
	s6 =	sadd.s32 @!p0 s3, s7;
	s7 =	simm.s32 @!p0 $0x108  }
0x21: {  	s3 =	sadd.s32 s3, s9;
	s6 =	sadd.s32 @!p0 $0x88, s6;
	s7 =	simm.s32 @p2 $0x1082  }
0x22: {  	[simem:s7], [sflag:s8] =	dma.local @!p0 [hbm:s6], $0xF7A  }
0x23: {  	s9 =	sor.u32 $0xD0000000, s2;
	s6 =	simm.s32 $0x108;
	_ =	swait.ge @!p0 [sflag:s8], $0x0  }
0x24: {  	s3 =	sadd.s32 $0x88, s3;
	s6 =	simm.s32 @!p1 $0x1082;
	[sflag:s4] =	ssyncset.s32 $0xFFFFF086  }
0x25: {  	[simem:s6], [sflag:s4] =	dma.local [hbm:s3], $0xF7A  }
0x26: {  	[smem:$0x3F9D] =	sst s1;
	(tag) =	ssettag s2;
	_ =	strace s9  }
0x27: {  	s1 =	sld [smem:$0x3FAD]  }
0x28: {  	s2 =	sld [smem:$0x3FAE]  }
0x29: {  	s4 =	sld [smem:$0x3FB0]  }
0x2a: {  	p0 =	seq.s32 s5, $0x0;
	s5 =	sld [smem:$0x3FB1]  }
0x2b: {  	s6 =	sld [smem:$0x3FB2]  }
0x2c: {  	s7 =	sld [smem:$0x3FB3]  }
0x2d: {  	s3 =	simm.s32 $0x108;
	s8 =	sld [smem:$0x3FB4]  }
0x2e: {  	s3 =	simm.s32 @!p0 $0x1082;
	s9 =	sld [smem:$0x3FB5]  }
0x2f: {  	lr =	sadd.s32 s0, s3;
	s0 =	sld [smem:$0x3FAC]  }
0x30: {  	s3 =	sld [smem:$0x3FAF]  }
0x31: {  	[smem:$0x3FB8] =	sst s10  }
0x32: {  	s10 =	sld [smem:$0x3FB6];
	_ =	sdelay $0x3  }
0x33: {  	p0 =	seq.s32 s10, $0x1;
	s10 =	sld [smem:$0x3FB8];
	_ =	sdelay $0x3  }
0x34: {  	[smem:$0x3FB8] =	sst s10  }
0x35: {  	s10 =	sld [smem:$0x3FB7];
	_ =	sdelay $0x3  }
0x36: {  	p1 =	seq.s32 s10, $0x1;
	s10 =	sld [smem:$0x3FB8];
	_ =	sdelay $0x3  }
0x37: {  	[smem:$0x3FB8] =	sst s10  }
0x38: {  	s10 =	sld [smem:$0x3FB9]  }
0x39: {  	_ = 	snop;
	(pc) =	sbr.ind lr, $3  }
0x3a: {  	_ = 	snop  }
0x3b: {  	_ = 	snop  }
0x3c: {  	p2 =	seq.s32 s10, $0x1;
	s10 =	sld [smem:$0x3FB8]  }
0x3d: {  	_ =	shalt  }
0x3e: {  	_ =	shalt  }
0x3f: {  	_ =	shalt  }
0x40: {  	_ =	shalt  }
0x41: {  	_ =	shalt  }
0x42: {  	_ =	shalt  }
0x43: {  	_ =	shalt  }
0x44: {  	_ =	shalt  }
0x45: {  	_ =	shalt  }
0x46: {  	_ =	shalt  }
0x47: {  	_ =	shalt  }
0x48: {  	_ =	shalt  }
0x49: {  	_ =	shalt  }
0x4a: {  	_ =	shalt  }
0x4b: {  	_ =	shalt  }
0x4c: {  	_ =	shalt  }
0x4d: {  	_ =	shalt  }
0x4e: {  	_ =	shalt  }
0x4f: {  	_ =	shalt  }
0x50: {  	_ =	shalt  }
0x51: {  	_ =	shalt  }
0x52: {  	_ =	shalt  }
0x53: {  	_ =	shalt  }
0x54: {  	_ =	shalt  }
0x55: {  	_ =	shalt  }
0x56: {  	_ =	shalt  }
0x57: {  	_ =	shalt  }
0x58: {  	_ =	shalt  }
0x59: {  	_ =	shalt  }
0x5a: {  	_ =	shalt  }
0x5b: {  	_ =	shalt  }
0x5c: {  	_ =	shalt  }
0x5d: {  	_ =	shalt  }
0x5e: {  	_ =	shalt  }
0x5f: {  	_ =	shalt  }
0x60: {  	_ =	shalt  }
0x61: {  	_ =	shalt  }
0x62: {  	_ =	shalt  }
0x63: {  	_ =	shalt  }
0x64: {  	_ =	shalt  }
0x65: {  	_ =	shalt  }
0x66: {  	_ =	shalt  }
0x67: {  	_ =	shalt  }
0x68: {  	_ =	shalt  }
0x69: {  	_ =	shalt  }
0x6a: {  	_ =	shalt  }
0x6b: {  	_ =	shalt  }
0x6c: {  	_ =	shalt  }
0x6d: {  	_ =	shalt  }
0x6e: {  	_ =	shalt  }
0x6f: {  	_ =	shalt  }
0x70: {  	_ =	shalt  }
0x71: {  	_ =	shalt  }
0x72: {  	_ =	shalt  }
0x73: {  	_ =	shalt  }
0x74: {  	_ =	shalt  }
0x75: {  	_ =	shalt  }
0x76: {  	_ =	shalt  }
0x77: {  	_ =	shalt  }
0x78: {  	_ =	shalt  }
0x79: {  	_ =	shalt  }
0x7a: {  	_ =	shalt  }
0x7b: {  	_ =	shalt  }
0x7c: {  	_ =	shalt  }
0x7d: {  	_ =	shalt  }
0x7e: {  	_ =	shalt  }
0x7f: {  	_ =	shalt  }
0x80: {  	_ =	shalt  }
0x81: {  	_ =	shalt  }
0x82: {  	_ =	shalt  }
0x83: {  	_ =	shalt  }
0x84: {  	_ =	shalt  }
0x85: {  	_ =	shalt  }
0x86: {  	_ =	shalt  }
0x87: {  	_ =	shalt  }
.Lfunc_end0:
.L_simem_size_0:
called_computation.4_lowered:
.L_overlay_start_0:
0x88: {  	s2 =	sld [smem:$0x3FD9]  }
0x89: {  	s3 =	sld [smem:$0x3FFE];
	_ =	sdelay $0x1  }
0x8a: {  	s1 =	srdreg.scid  }
0x8b: {  	s0 =	sand.u32 $0x1, s1  }
0x8c: {  	s17 =	sshll.u32 s0, $0xA;
	s2 =	sadd.s32 s3, s2  }
0x8d: {  	s2 =	sadd.s32 s2, s17  }
0x8e: {  	[smem:$0x3FC4] =	sst s2  }
0x8f: {  	_ = 	snop  }
0x90: {  	s18 =	sld [smem:$0x3FC8]  }
0x91: {  	s4 =	sld [smem:$0x3FD0];
	(tm) =	ssettm $0x1  }
0x92: {  	s19 =	sld [smem:$0x3FFB];
	_ =	sdelay $0x3  }
0x93: {  	_ =	strace s19  }
0x94: {  	s2 =	sld [smem:$0x3FFC];
	_ =	sdelay $0x3  }
0x95: {  	_ =	strace s2  }
0x96: {  	s2 =	sld [smem:$0x3FFD];
	_ =	sdelay $0x3  }
0x97: {  	_ =	strace s2  }
0x98: {  	_ =	strace $0x8FFFFFFF  }
0x99: {  	s20 =	sld [smem:$0x3FDB];
	_ =	sdelay $0x1  }
0x9a: {  	s5 =	simm.s32 $_scs_section_size  }
0x9b: {  	s6 =	simm.s32 $_size__tile_overlayer_lowered;
	s7 =	simm.s32 $_tile_overlayer_lowered  }
0x9c: {  	s8 =	simm.s32 $0x1BFF;
	s21 =	sshll.u32 s7, $0x1;
	s5 =	sadd.s32 s5, s20  }
0x9d: {  	s22 =	simm.s32 $0x0;
	s6 =	sshll.u32 s6, $0x1;
	s7 =	sadd.s32 s21, s5  }
0x9e: {  	[timem:s22], [sflag:s8] =	dma.local [hbm:s7], s6  }
0x9f: {  	_ =	swait.ge [sflag:s8], s6  }
0xa0: {  	s6 =	ssub.s32 $0x0, s6;
	[sflag:s8] =	ssyncset.done $0x0  }
0xa1: {  	[sflag:s8] =	ssyncadd.s32 s6;
	_ =	sdelay $0x1  }
0xa2: {  	s23 =	simm.s32 $0x1B8B  }
0xa3: {  	_ =	swait.ge [sflag:s23], $0x1  }
0xa4: {  	[sflag:s23] =	ssyncset.done $0x0  }
0xa5: {  	[sflag:s23] =	ssyncadd.s32 $0xFFFFFFFF  }
0xa6: {  	s6 =	sld [smem:$0x0]  }
0xa7: {  	s7 =	sand.u32 $0xFFFFFFFE, s1  }
0xa8: {  	p0 =	sne.s32 s1, s7  }
0xa9: {  	s7 =	sshll.u32 @p0 s7, $0xE  }
0xaa: {  	s7 =	sadd.s32 @p0 $0x11B8D, s7;
	s8 =	sshll.u32 @p0 s6, $0x11  }
0xab: {  	s7 =	sor.u32 @p0 s8, s7  }
0xac: {  	[sflag:s7] =	ssyncadd.remote.s32 @p0 $0x1;
	_ =	sdelay $0x1  }
0xad: {  	s7 =	simm.s32 @p0 $0x1B8D  }
0xae: {  	_ =	swait.eq @p0 [sflag:s7], $0x1  }
0xaf: {  	[sflag:s7] =	ssyncadd.s32 @p0 $0xFFFFFFFF  }
0xb0: {  	s8 =	sshll.u32 @!p0 s1, $0xE  }
0xb1: {  	s8 =	sor.u32 @!p0 $0x4000, s8;
	s7 =	simm.s32 @!p0 $0x1B8D  }
0xb2: {  	s6 =	sshll.u32 @!p0 s6, $0x11;
	s8 =	sadd.s32 @!p0 $0x11B8D, s8;
	_ =	swait.eq @!p0 [sflag:s7], $0x1  }
0xb3: {  	s6 =	sor.u32 @!p0 s6, s8;
	[sflag:s7] =	ssyncadd.s32 @!p0 $0xFFFFFFFF  }
0xb4: {  	s25 =	simm.s32 $0x1B8E;
	s24 =	sld [smem:$0x3FFE];
	[sflag:s6] =	ssyncadd.remote.s32 @!p0 $0x1  }
0xb5: {  	s26 =	simm.s32 $execute0_lowered;
	[smem:$0x3FD2] =	sst s25  }
0xb6: {  	s7 =	sshll.u32 s26, $0x1;
	_ =	strace $0x80000052;
	[dreg:$0x1] =	wrdreg $0xFFFFFFFF  }
0xb7: {  	s28 =	simm.s32 $_size_execute0_lowered;
	s5 =	sadd.s32 s5, s7;
	[dreg:$0x0] =	wrdreg $0x0  }
0xb8: {  	s7 =	sshll.u32 s28, $0x1;
	[dreg:$0x2] =	wrdreg s5  }
0xb9: {  	[dreg:$0x3] =	wrdreg s7  }
0xba: {  	[dreg:$0x4] =	wrdreg $0xC0  }
0xbb: {  	_ =	task [dreg:s22], $0x5FFFF  }
0xbc: {  	[dreg:$0x1] =	wrdreg $0xFFFFFFFF  }
0xbd: {  	[dreg:$0x0] =	wrdreg $0x60  }
0xbe: {  	[dreg:$0x2] =	wrdreg s4  }
0xbf: {  	[dreg:$0x3] =	wrdreg s18  }
0xc0: {  	[dreg:$0x4] =	wrdreg s24  }
0xc1: {  	[dreg:$0x5] =	wrdreg $0xD  }
0xc2: {  	_ =	task.clear_ibuf [dreg:s22], $0x6FFFF;
	_ =	strace $0x90000052  }
0xc3: {  	s29 =	simm.s32 $0xD;
	_ =	strace $0x80000054  }
0xc4: {  	_ =	swait.ge [sflag:s29], $0x1  }
0xc5: {  	[sflag:s29] =	ssyncadd.s32 $0xFFFFFFFF  }
0xc6: {  	_ =	strace $0x90000054  }
0xc7: {  	_ =	sfence  }
0xc8: {  	s30 =	sld [smem:$0x0];
	_ =	sdelay $0x2  }
0xc9: {  	s31 =	sshll.u32 s1, $0xD;
	s1 =	sshrl.u32 s1, $0x2  }
0xca: {  	s4 =	sand.u32 $0x4000, s31;
	s1 =	sadd.s32 s1, s30  }
0xcb: {  	s0 =	sor.u32 s4, s0;
	s1 =	sshll.u32 s1, $0x11  }
0xcc: {  	s0 =	sor.u32 s1, s0  }
0xcd: {  	s0 =	sadd.s32 $0x8F2B, s0  }
0xce: {  	[sflag:s0] =	ssyncadd.remote.s32 $0x1  }
0xcf: {  	_ =	sfence.sel $0xFFFF  }
0xd0: {  	[dreg:$0x0] =	wrdreg $0xFFFFFFFF;
	(pc) =	sbr.abs _section_cstart, $3  }
0xd1: {  	[dreg:$0x1] =	wrdreg $0xFFFFFFFF  }
0xd2: {  	_ =	task.clear_ibuf [dreg:s22], $0x2FFFF;
	_ =	strace $0x9FFFFFFF  }
0xd3: {  	(tm) =	ssettm $0x7FFFFFFF  }
tec
execute0_lowered:
.L_overlay_start_1:
0x0: {  	(tag) =	ssettag $0x1  }
0x1: {  	s1 =	srdreg.scid;
	s0 =	stileid.u32  }
0x2: {  	s16 =	sand.u32 $0x1, s1;
	s30 =	sshll.u32 s0, $0x1  }
0x3: {  	s2 =	rddreg [dreg:$0x0];
	s6 =	sor.u32 s16, s30  }
0x4: {  	s13 =	rddreg [dreg:$0x1];
	s14 =	smul.u32 $0x1388, s6  }
0x5: {  	s8 =	rddreg [dreg:$0x2]  }
0x6: {  	s3 =	simm.s32 $0x0;
	s1 =	rddreg [dreg:$0x3];
	s4 =	sshrl.u32 s14, $0x3  }
0x7: {  	[smem:$0x7FF] =	sst s3;
	s15 =	sadd.s32 s13, s4  }
0x8: {  	_ =	strace $0x80000053;
	s4 =	simm.s32 $0x2;
	s5 =	sadd.s32 $0x13880, s15  }
0x9: {  	[tilespmem:s3], [sflag:$0x2] =	stream.linear.gather [hbm4b:s5+s3], $0x3E8, $0x38;
	[tilespmem:$0xFDE8] =	vst v63  }
0xa: {  	_ =	swait.ge [sflag:s4], $0x3E8  }
0xb: {  	s7 =	simm.s32 $0x1;
	[sflag:s4] =	ssyncset.done $0x0  }
0xc: {  	s9 =	smul.u32 $0x9C40, s6;
	s6 =	simm.s32 $0x3E8;
	[sflag:s4] =	ssyncadd.s32 $0xFFFFFC18  }
0xd: {  	[tilespmem:s6], [sflag:$0x1] =	stream.indirect.gather [hbm4b:s2+s6], $0x40, s3, s6, $0xb8;
	[tilespmem:$0xFDE8] =	vst v63  }
0xe: {  	_ =	swait.ge [sflag:s7], $0xFA00  }
0xf: {  	s17 =	sadd.s32 s9, s8;
	[sflag:s7] =	ssyncset.done $0x0  }
0x10: {  	s8 =	sadd.s32 $0x5A6C00, s17;
	[sflag:s7] =	ssyncadd.s32 $0xFFFF0600  }
0x11: {  	[hbm4b:s8+s3] =	stream.linear.scatter [tilespmem:s6], [sflag:$0x2], $0xFA00, $0x38;
	[tilespmem:$0xFDE8] =	vst v63  }
0x12: {  	s31 =	sadd.s32 $0x9C7E8, s14;
	_ =	swait.ge [sflag:s4], $0xFA00  }
0x13: {  	s9 =	sshrl.u32 s31, $0x3;
	[sflag:s4] =	ssyncset.done $0x0  }
0x14: {  	s9 =	sadd.s32 s13, s9;
	[sflag:s4] =	ssyncadd.s32 $0xFFFF0600  }
0x15: {  	[tilespmem:s3], [sflag:$0x2] =	stream.linear.gather [hbm4b:s9+s3], $0x3E8, $0x38;
	[tilespmem:$0xFDE8] =	vst v63  }
0x16: {  	_ =	swait.ge [sflag:s4], $0x3E8  }
0x17: {  	[sflag:s4] =	ssyncset.done $0x0  }
0x18: {  	[sflag:s4] =	ssyncadd.s32 $0xFFFFFC18  }
0x19: {  	[tilespmem:s6], [sflag:$0x1] =	stream.indirect.gather [hbm4b:s2+s6], $0x40, s3, s6, $0xb8;
	[tilespmem:$0xFDE8] =	vst v63  }
0x1a: {  	_ =	swait.ge [sflag:s7], $0xFA00  }
0x1b: {  	[sflag:s7] =	ssyncset.done $0x0  }
0x1c: {  	s10 =	sadd.s32 $0x5A8B40, s17;
	[sflag:s7] =	ssyncadd.s32 $0xFFFF0600  }
0x1d: {  	[hbm4b:s10+s3] =	stream.linear.scatter [tilespmem:s6], [sflag:$0x2], $0xFA00, $0x38;
	[tilespmem:$0xFDE8] =	vst v63  }
0x1e: {  	_ =	swait.ge [sflag:s4], $0xFA00  }
0x1f: {  	[sflag:s4] =	ssyncset.done $0x0  }
0x20: {  	s11 =	sadd.s32 $0x1397A, s15;
	[sflag:s4] =	ssyncadd.s32 $0xFFFF0600  }
0x21: {  	[tilespmem:s3], [sflag:$0x2] =	stream.linear.gather [hbm4b:s11+s3], $0x3E8, $0x38;
	[tilespmem:$0xFDE8] =	vst v63  }
0x22: {  	_ =	swait.ge [sflag:s4], $0x3E8  }
0x23: {  	[sflag:s4] =	ssyncset.done $0x0  }
0x24: {  	[sflag:s4] =	ssyncadd.s32 $0xFFFFFC18  }
0x25: {  	[tilespmem:s6], [sflag:$0x1] =	stream.indirect.gather [hbm4b:s2+s6], $0x40, s3, s6, $0xb8;
	[tilespmem:$0xFDE8] =	vst v63  }
0x26: {  	_ =	swait.ge [sflag:s7], $0xFA00  }
0x27: {  	[sflag:s7] =	ssyncset.done $0x0  }
0x28: {  	s12 =	sadd.s32 $0x5AAA80, s17;
	[sflag:s7] =	ssyncadd.s32 $0xFFFF0600  }
0x29: {  	[hbm4b:s12+s3] =	stream.linear.scatter [tilespmem:s6], [sflag:$0x2], $0xFA00, $0x38;
	[tilespmem:$0xFDE8] =	vst v63  }
0x2a: {  	s14 =	sadd.s32 $0x9CFB8, s14;
	_ =	swait.ge [sflag:s4], $0xFA00  }
0x2b: {  	s14 =	sshrl.u32 s14, $0x3;
	[sflag:s4] =	ssyncset.done $0x0  }
0x2c: {  	s13 =	sadd.s32 s13, s14;
	[sflag:s4] =	ssyncadd.s32 $0xFFFF0600  }
0x2d: {  	[tilespmem:s3], [sflag:$0x2] =	stream.linear.gather [hbm4b:s13+s3], $0x3E8, $0x38;
	[tilespmem:$0xFDE8] =	vst v63  }
0x2e: {  	_ =	swait.ge [sflag:s4], $0x3E8  }
0x2f: {  	[sflag:s4] =	ssyncset.done $0x0  }
0x30: {  	[sflag:s4] =	ssyncadd.s32 $0xFFFFFC18  }
0x31: {  	[tilespmem:s6], [sflag:$0x1] =	stream.indirect.gather [hbm4b:s2+s6], $0x40, s3, s6, $0xb8;
	[tilespmem:$0xFDE8] =	vst v63  }
0x32: {  	_ =	swait.ge [sflag:s7], $0xFA00  }
0x33: {  	[sflag:s7] =	ssyncset.done $0x0  }
0x34: {  	s14 =	sadd.s32 $0x5AC9C0, s17;
	[sflag:s7] =	ssyncadd.s32 $0xFFFF0600  }
0x35: {  	[hbm4b:s14+s3] =	stream.linear.scatter [tilespmem:s6], [sflag:$0x2], $0xFA00, $0x38;
	[tilespmem:$0xFDE8] =	vst v63  }
0x36: {  	_ =	swait.ge [sflag:s4], $0xFA00  }
0x37: {  	[sflag:s4] =	ssyncset.done $0x0  }
0x38: {  	s16 =	ssub.s32 $0x2, s16;
	s15 =	sadd.s32 $0x13A74, s15;
	[sflag:s4] =	ssyncadd.s32 $0xFFFF0600  }
0x39: {  	[tilespmem:s3], [sflag:$0x2] =	stream.linear.gather [hbm4b:s15+s3], $0x3E8, $0x38;
	[tilespmem:$0xFDE8] =	vst v63  }
0x3a: {  	s18 =	sshrl.u32 s16, $0x1;
	_ =	swait.ge [sflag:s4], $0x3E8  }
0x3b: {  	s16 =	ssub.s32 s16, s18;
	[sflag:s4] =	ssyncset.done $0x0  }
0x3c: {  	s18 =	smax.u32 s16, $0x1;
	[sflag:s4] =	ssyncadd.s32 $0xFFFFFC18  }
0x3d: {  	[tilespmem:s6], [sflag:$0x1] =	stream.indirect.gather [hbm4b:s2+s6], $0x40, s3, s6, $0xb8;
	[tilespmem:$0xFDE8] =	vst v63  }
0x3e: {  	p0 =	sne.s32 s18, $0x1;
	_ =	swait.ge [sflag:s7], $0xFA00  }
.Ltmp0:
0x3f: {  	[sflag:s7] =	ssyncset.done $0x0;
	(pc) =	sbr.rel @!p0 .LBB2_2-.Ltmp0, $4  }
0x40: {  	s16 =	sadd.s32 $0x5AE900, s17;
	[sflag:s7] =	ssyncadd.s32 $0xFFFF0600  }
0x41: {  	[hbm4b:s16+s3] =	stream.linear.scatter [tilespmem:s6], [sflag:$0x2], $0xFA00, $0x38;
	[tilespmem:$0xFDE8] =	vst v63  }
0x42: {  	_ =	swait.ge [sflag:s4], $0xFA00  }
0x43: {  	s17 =	sadd.s32 $0xFFFFFFFF, s18;
	[sflag:s4] =	ssyncset.done $0x0  }
.LBB2_1:
0x44: {  	p0 =	sne.s32 s17, $0x1;
	s17 =	sadd.s32 $0xFFFFFFFF, s17;
	[sflag:s4] =	ssyncadd.s32 $0xFFFF0600  }
0x45: {  	[tilespmem:s3], [sflag:$0x2] =	stream.linear.gather [hbm4b:s5+s3], $0x3E8, $0x38;
	[tilespmem:$0xFDE8] =	vst v63  }
0x46: {  	_ =	swait.ge [sflag:s4], $0x3E8  }
0x47: {  	[sflag:s4] =	ssyncset.done $0x0  }
0x48: {  	[sflag:s4] =	ssyncadd.s32 $0xFFFFFC18  }
0x49: {  	[tilespmem:s6], [sflag:$0x1] =	stream.indirect.gather [hbm4b:s2+s6], $0x40, s3, s6, $0xb8;
	[tilespmem:$0xFDE8] =	vst v63  }
0x4a: {  	_ =	swait.ge [sflag:s7], $0xFA00  }
0x4b: {  	[sflag:s7] =	ssyncset.done $0x0  }
0x4c: {  	[sflag:s7] =	ssyncadd.s32 $0xFFFF0600  }
0x4d: {  	[hbm4b:s8+s3] =	stream.linear.scatter [tilespmem:s6], [sflag:$0x2], $0xFA00, $0x38;
	[tilespmem:$0xFDE8] =	vst v63  }
0x4e: {  	_ =	swait.ge [sflag:s4], $0xFA00  }
0x4f: {  	[sflag:s4] =	ssyncset.done $0x0  }
0x50: {  	[sflag:s4] =	ssyncadd.s32 $0xFFFF0600  }
0x51: {  	[tilespmem:s3], [sflag:$0x2] =	stream.linear.gather [hbm4b:s9+s3], $0x3E8, $0x38;
	[tilespmem:$0xFDE8] =	vst v63  }
0x52: {  	_ =	swait.ge [sflag:s4], $0x3E8  }
0x53: {  	[sflag:s4] =	ssyncset.done $0x0  }
0x54: {  	[sflag:s4] =	ssyncadd.s32 $0xFFFFFC18  }
0x55: {  	[tilespmem:s6], [sflag:$0x1] =	stream.indirect.gather [hbm4b:s2+s6], $0x40, s3, s6, $0xb8;
	[tilespmem:$0xFDE8] =	vst v63  }
0x56: {  	_ =	swait.ge [sflag:s7], $0xFA00  }
0x57: {  	[sflag:s7] =	ssyncset.done $0x0  }
0x58: {  	[sflag:s7] =	ssyncadd.s32 $0xFFFF0600  }
0x59: {  	[hbm4b:s10+s3] =	stream.linear.scatter [tilespmem:s6], [sflag:$0x2], $0xFA00, $0x38;
	[tilespmem:$0xFDE8] =	vst v63  }
0x5a: {  	_ =	swait.ge [sflag:s4], $0xFA00  }
0x5b: {  	[sflag:s4] =	ssyncset.done $0x0  }
0x5c: {  	[sflag:s4] =	ssyncadd.s32 $0xFFFF0600  }
0x5d: {  	[tilespmem:s3], [sflag:$0x2] =	stream.linear.gather [hbm4b:s11+s3], $0x3E8, $0x38;
	[tilespmem:$0xFDE8] =	vst v63  }
0x5e: {  	_ =	swait.ge [sflag:s4], $0x3E8  }
0x5f: {  	[sflag:s4] =	ssyncset.done $0x0  }
0x60: {  	[sflag:s4] =	ssyncadd.s32 $0xFFFFFC18  }
0x61: {  	[tilespmem:s6], [sflag:$0x1] =	stream.indirect.gather [hbm4b:s2+s6], $0x40, s3, s6, $0xb8;
	[tilespmem:$0xFDE8] =	vst v63  }
0x62: {  	_ =	swait.ge [sflag:s7], $0xFA00  }
0x63: {  	[sflag:s7] =	ssyncset.done $0x0  }
0x64: {  	[sflag:s7] =	ssyncadd.s32 $0xFFFF0600  }
0x65: {  	[hbm4b:s12+s3] =	stream.linear.scatter [tilespmem:s6], [sflag:$0x2], $0xFA00, $0x38;
	[tilespmem:$0xFDE8] =	vst v63  }
0x66: {  	_ =	swait.ge [sflag:s4], $0xFA00  }
0x67: {  	[sflag:s4] =	ssyncset.done $0x0  }
0x68: {  	[sflag:s4] =	ssyncadd.s32 $0xFFFF0600  }
0x69: {  	[tilespmem:s3], [sflag:$0x2] =	stream.linear.gather [hbm4b:s13+s3], $0x3E8, $0x38;
	[tilespmem:$0xFDE8] =	vst v63  }
0x6a: {  	_ =	swait.ge [sflag:s4], $0x3E8  }
0x6b: {  	[sflag:s4] =	ssyncset.done $0x0  }
0x6c: {  	[sflag:s4] =	ssyncadd.s32 $0xFFFFFC18  }
0x6d: {  	[tilespmem:s6], [sflag:$0x1] =	stream.indirect.gather [hbm4b:s2+s6], $0x40, s3, s6, $0xb8;
	[tilespmem:$0xFDE8] =	vst v63  }
0x6e: {  	_ =	swait.ge [sflag:s7], $0xFA00  }
0x6f: {  	[sflag:s7] =	ssyncset.done $0x0  }
0x70: {  	[sflag:s7] =	ssyncadd.s32 $0xFFFF0600  }
0x71: {  	[hbm4b:s14+s3] =	stream.linear.scatter [tilespmem:s6], [sflag:$0x2], $0xFA00, $0x38;
	[tilespmem:$0xFDE8] =	vst v63  }
0x72: {  	_ =	swait.ge [sflag:s4], $0xFA00  }
0x73: {  	[sflag:s4] =	ssyncset.done $0x0  }
0x74: {  	[sflag:s4] =	ssyncadd.s32 $0xFFFF0600  }
0x75: {  	[tilespmem:s3], [sflag:$0x2] =	stream.linear.gather [hbm4b:s15+s3], $0x3E8, $0x38;
	[tilespmem:$0xFDE8] =	vst v63  }
0x76: {  	_ =	swait.ge [sflag:s4], $0x3E8  }
0x77: {  	[sflag:s4] =	ssyncset.done $0x0  }
0x78: {  	[sflag:s4] =	ssyncadd.s32 $0xFFFFFC18  }
0x79: {  	[tilespmem:s6], [sflag:$0x1] =	stream.indirect.gather [hbm4b:s2+s6], $0x40, s3, s6, $0xb8;
	[tilespmem:$0xFDE8] =	vst v63  }
0x7a: {  	_ =	swait.ge [sflag:s7], $0xFA00  }
.Ltmp1:
0x7b: {  	[sflag:s7] =	ssyncset.done $0x0;
	(pc) =	sbr.rel @p0 .LBB2_1-.Ltmp1, $4  }
0x7c: {  	[sflag:s7] =	ssyncadd.s32 $0xFFFF0600  }
0x7d: {  	[hbm4b:s16+s3] =	stream.linear.scatter [tilespmem:s6], [sflag:$0x2], $0xFA00, $0x38;
	[tilespmem:$0xFDE8] =	vst v63  }
0x7e: {  	_ =	swait.ge [sflag:s4], $0xFA00  }
0x7f: {  	[sflag:s4] =	ssyncset.done $0x0  }
.LBB2_2:
0x80: {  	[sflag:s4] =	ssyncadd.s32 $0xFFFF0600  }
0x81: {  	_ =	sfence.sel $0x180000  }
0x82: {  	[bflag:$0x0] =	sbarrier.arrive $0xFFFF  }
0x83: {  	p0 =	sne.s32 s0, $0x0;
	_ =	strace $0x90000053  }
0x84: {  	s0 =	sadd.s32 @!p0 $0x100000, s1;
	[bflag:$0x2] =	sbarrier.arrive $0xFFFF  }
0x85: {  	[sflag:s0] =	ssyncadd.tile.s32 @!p0 $0x1;
	_ =	shalt  }
.Lfunc_end2:
_tile_overlayer_lowered:
.L_overlay_start_2:
0x86: {  	(tag) =	ssettag $0x2  }
0x87: {  	s0 =	rddreg [dreg:$0x0];
	s2 =	stileid.u32  }
0x88: {  	s1 =	rddreg [dreg:$0x1];
	p0 =	sne.s32 s2, $0x0  }
0x89: {  	s3 =	rddreg [dreg:$0x2];
	[bflag:$0x3] =	sbarrier.arrive $0xFFFF;
	s2 =	simm.s32 @!p0 $0x1C02  }
0x8a: {  	[timem:s3], [sflag:s2] =	dma.local @!p0 [hbm:s0], s1  }
0x8b: {  	s0 =	simm.s32 @!p0 $0x2  }
0x8c: {  	_ =	swait.ge @!p0 [sflag:s0], s1  }
0x8d: {  	s1 =	ssub.s32 @!p0 $0x0, s1;
	[sflag:s0] =	ssyncset.done @!p0 $0x0  }
0x8e: {  	[sflag:s0] =	ssyncadd.s32 @!p0 s1  }
0x8f: {  	[bflag:$0x3] =	sbarrier.arrive $0xFFFF  }
0x90: {  	_ =	shalt  }

</sc_bundles>
